<compile_context>
chip_gen: v7x
topology: tpu7x:2x2x1
jax: 0.10.2.dev20260603
libtpu: 0.0.44.dev20260713+nightly
codegen_flags: <defaults>
</compile_context>

<pallas_src>
import functools
import jax
import jax.numpy as jnp
from jax import lax
from jax.experimental import pallas as pl
from jax.experimental.pallas import tpu as pltpu, tpu_sc as plsc

IN_CH = 3
HID = 256
INP = 128
LS = 32
N32 = LS * LS


def _mm(a, b):
    return jax.lax.dot_general(a, b, (((1,), (0,)), ((), ())),
                               preferred_element_type=jnp.float32)


def _mmb(a, b):
    return jax.lax.dot_general(a.astype(jnp.bfloat16), b.astype(jnp.bfloat16),
                               (((1,), (0,)), ((), ())),
                               preferred_element_type=jnp.float32)


def _conv3x3(hflat, T, b, mm=_mm):
    hp = jnp.pad(hflat.reshape(LS, LS, HID), ((1, 1), (1, 1), (0, 0)))
    a = None
    for dy in range(3):
        for dx in range(3):
            sl = hp[dy:dy + LS, dx:dx + LS, :].reshape(N32, HID)
            t = mm(sl, T[dy * 3 + dx])
            a = t if a is None else a + t
    return a + b


def _resblock(hflat, T, bT, W, bW, mm=_mm):
    r = jax.nn.relu(hflat)
    r = jax.nn.relu(_conv3x3(r, T, bT, mm))
    return hflat + mm(r, W) + bW


def _enc_body(p1_r, w1m_r, b1_r, t2_r, b2_r, t3_r, b3_r,
              tr3a_r, br3a_r, wr1a_r, br1a_r,
              tr3b_r, br3b_r, wr1b_r, br1b_r, cbm_r,
              z_o, idx_o):
    relu = jax.nn.relu
    h1 = relu(_mm(p1_r[...], w1m_r[...]) + b1_r[...])
    h1p = [[None, None], [None, None]]
    for q in (0, 1):
        for qx in (0, 1):
            blk = h1[(q * 2 + qx) * N32:(q * 2 + qx + 1) * N32, :]
            h1p[q][qx] = jnp.pad(blk.reshape(LS, LS, HID // 2),
                                 ((1, 1), (1, 1), (0, 0)))
    amap = {0: (1, 0), 1: (0, 1), 2: (1, 1), 3: (0, 2)}
    t2 = t2_r[...]
    acc = None
    for dy in range(4):
        q, a0 = amap[dy]
        for dx in range(4):
            qx, b0 = amap[dx]
            sl = h1p[q][qx][a0:a0 + LS, b0:b0 + LS, :].reshape(N32, HID // 2)
            t = _mm(sl, t2[dy * 4 + dx])
            acc = t if acc is None else acc + t
    h = relu(acc + b2_r[...])
    h = _conv3x3(h, t3_r[...], b3_r[...])
    h = _resblock(h, tr3a_r[...], br3a_r[...], wr1a_r[...], br1a_r[...])
    h = _resblock(h, tr3b_r[...], br3b_r[...], wr1b_r[...], br1b_r[...])
    z = h
    z_o[...] = z

    cbm = cbm_r[...]
    c2 = jnp.sum(cbm * cbm, axis=0, keepdims=True)
    dist = c2 - 2.0 * _mm(z, cbm)
    mn = jnp.min(dist, axis=1, keepdims=True)
    ii = jax.lax.broadcasted_iota(jnp.int32, (N32, N32), 1)
    idx_o[...] = jnp.min(jnp.where(dist == mn, ii, jnp.int32(1 << 30)),
                         axis=1, keepdims=True)


def _dec_body(zq_r, td0_r, bd0_r,
              dr3a_r, dbr3a_r, dw1a_r, dbr1a_r,
              dr3b_r, dbr3b_r, dw1b_r, dbr1b_r,
              tt1_r, tb1_r, tt2_r, tb2_r, xp_o):
    relu = jax.nn.relu
    zq = zq_r[...]
    h = _conv3x3(zq, td0_r[...], bd0_r[...], _mmb)
    h = _resblock(h, dr3a_r[...], dbr3a_r[...], dw1a_r[...], dbr1a_r[...], _mmb)
    h = _resblock(h, dr3b_r[...], dbr3b_r[...], dw1b_r[...], dbr1b_r[...], _mmb)

    hp = jnp.pad(h.reshape(LS, LS, HID), ((1, 1), (1, 1), (0, 0)))
    tt1 = tt1_r[...]
    G = [[None, None], [None, None]]
    for s in (0, 1):
        for sx in (0, 1):
            a = None
            for dy in (s, s + 2):
                a0 = (s - 2 + dy) // 2 + 1
                for dx in (sx, sx + 2):
                    b0 = (sx - 2 + dx) // 2 + 1
                    sl = hp[a0:a0 + LS, b0:b0 + LS, :].reshape(N32, HID)
                    t = _mmb(sl, tt1[dy * 4 + dx])
                    a = t if a is None else a + t
            g = relu(a + tb1_r[...])
            G[s][sx] = jnp.pad(g.reshape(LS, LS, HID // 2),
                               ((1, 1), (1, 1), (0, 0)))
    tt2 = tt2_r[...]
    outs = []
    for ry in range(4):
        for rx in range(4):
            a = None
            for dy in (ry % 2, ry % 2 + 2):
                m = (ry - 2 + dy) // 2
                s = m % 2
                a0 = 1 + (m - s) // 2
                for dx in (rx % 2, rx % 2 + 2):
                    mx = (rx - 2 + dx) // 2
                    sx = mx % 2
                    b0 = 1 + (mx - sx) // 2
                    sl = G[s][sx][a0:a0 + LS, b0:b0 + LS, :].reshape(N32, HID // 2)
                    t = _mmb(sl, tt2[dy * 4 + dx])
                    a = t if a is None else a + t
            outs.append(a + tb2_r[...])
    xp_o[...] = jnp.concatenate(outs, axis=1)


def _sc_gather(table, idx):
    info = plsc.get_sparse_core_info()
    NC, NS = info.num_cores, info.num_subcores
    NW = NC * NS
    b_per_w = N32 // NW
    mesh = plsc.VectorSubcoreMesh(core_axis_name="c", subcore_axis_name="s")

    @functools.partial(
        pl.kernel, mesh=mesh,
        out_type=jax.ShapeDtypeStruct((N32, HID), jnp.float32),
        scratch_types=[
            pltpu.VMEM((b_per_w,), jnp.int32),
            pltpu.VMEM((b_per_w, HID), jnp.float32),
            pltpu.SemaphoreType.DMA,
        ],
    )
    def k(table_hbm, idx_hbm, out_hbm, idx_v, rows_v, sem):
        wid = lax.axis_index("s") * NC + lax.axis_index("c")
        base = wid * b_per_w
        pltpu.sync_copy(idx_hbm.at[pl.ds(base, b_per_w)], idx_v)
        pltpu.async_copy(table_hbm.at[idx_v], rows_v, sem).wait()
        pltpu.sync_copy(rows_v, out_hbm.at[pl.ds(base, b_per_w)])

    return k(table, idx)


def kernel(x, code_books, params):
    p = params
    f32 = jnp.float32

    x_cl = x.transpose(1, 2, 0)
    xpad = jnp.pad(x_cl, ((1, 1), (1, 1), (0, 0)))
    span = 4 * (LS - 1) + 2
    blocks = []
    for q in (0, 1):
        for qx in (0, 1):
            patch = jnp.concatenate(
                [xpad[2 * q + dy:2 * q + dy + span:4,
                      2 * qx + dx:2 * qx + dx + span:4, :]
                 for dy in range(4) for dx in range(4)], axis=-1)
            blocks.append(patch.reshape(N32, 48))
    p1 = jnp.concatenate(blocks, axis=0)

    def taps(w, k):
        return w.transpose(2, 3, 1, 0).reshape(k * k, w.shape[1], w.shape[0])

    w1m = p['enc_w1'].transpose(2, 3, 1, 0).reshape(48, HID // 2)
    row = lambda b: b.reshape(1, -1)

    enc_args = [
        p1, w1m, row(p['enc_b1']),
        taps(p['enc_w2'], 4), row(p['enc_b2']),
        taps(p['enc_w3'], 3), row(p['enc_b3']),
        taps(p['enc_res_w3_0'], 3), row(p['enc_res_b3_0']),
        p['enc_res_w1_0'][:, :, 0, 0].T, row(p['enc_res_b1_0']),
        taps(p['enc_res_w3_1'], 3), row(p['enc_res_b3_1']),
        p['enc_res_w1_1'][:, :, 0, 0].T, row(p['enc_res_b1_1']),
        code_books.reshape(HID, N32),
    ]
    zf, idx2d = pl.pallas_call(
        _enc_body,
        out_shape=(jax.ShapeDtypeStruct((N32, HID), f32),
                   jax.ShapeDtypeStruct((N32, 1), jnp.int32)),
    )(*enc_args)

    cbt = code_books.reshape(HID, N32).T
    zqf = _sc_gather(cbt, idx2d.reshape(N32))

    dec_args = [
        zqf,
        taps(p['dec_w0'], 3), row(p['dec_b0']),
        taps(p['dec_res_w3_0'], 3), row(p['dec_res_b3_0']),
        p['dec_res_w1_0'][:, :, 0, 0].T, row(p['dec_res_b1_0']),
        taps(p['dec_res_w3_1'], 3), row(p['dec_res_b3_1']),
        p['dec_res_w1_1'][:, :, 0, 0].T, row(p['dec_res_b1_1']),
        taps(p['dec_tw1'], 4), row(p['dec_tb1']),
        taps(p['dec_tw2'], 4), row(p['dec_tb2']),
    ]
    xp = pl.pallas_call(
        _dec_body,
        out_shape=jax.ShapeDtypeStruct((N32, 48), f32),
    )(*dec_args)

    x_pred = (xp.reshape(LS, LS, 4, 4, 3)
                .transpose(4, 0, 2, 1, 3).reshape(3, INP, INP))
    z_st = zf.reshape(LS, LS, HID).transpose(2, 0, 1)
    zq = zqf.reshape(LS, LS, HID).transpose(2, 0, 1)
    return (x_pred, z_st, zq)

# --- scband reference (transcript-rebuilt; emitter-appended) ---
"""Pipeline reference for scband-vq-vae-28097676050932 (READ-ONLY COPY).

The authoritative reference and input builder live on the scoring server;
editing this copy changes nothing except your own understanding.
"""

import jax, jax.numpy as jnp
import numpy as np

IN_CH = 3
HID = 256
INP = 128
LS = 32
RES = 2

def _conv(x, w, b, stride, pad):
    y = jax.lax.conv_general_dilated(x[None], w, (stride, stride), [(pad, pad), (pad, pad)], dimension_numbers=('NCHW', 'OIHW', 'NCHW'))[0]
    return y + b[:, None, None]

def _convT(x, w, b):
    y = jax.lax.conv_transpose(x[None], w, (2, 2), 'SAME', dimension_numbers=('NCHW', 'OIHW', 'NCHW'))[0]
    return y + b[:, None, None]

def _encoder(x, p):
    h = jax.nn.relu(_conv(x, p['enc_w1'], p['enc_b1'], 2, 1))
    h = jax.nn.relu(_conv(h, p['enc_w2'], p['enc_b2'], 2, 1))
    h = _conv(h, p['enc_w3'], p['enc_b3'], 1, 1)
    for i in range(RES):
        r = jax.nn.relu(h)
        r = _conv(r, p['enc_res_w3_' + str(i)], p['enc_res_b3_' + str(i)], 1, 1)
        r = jax.nn.relu(r)
        r = _conv(r, p['enc_res_w1_' + str(i)], p['enc_res_b1_' + str(i)], 1, 0)
        h = h + r
    return h

def _decoder(zq, p):
    h = _conv(zq, p['dec_w0'], p['dec_b0'], 1, 1)
    for i in range(RES):
        r = jax.nn.relu(h)
        r = _conv(r, p['dec_res_w3_' + str(i)], p['dec_res_b3_' + str(i)], 1, 1)
        r = jax.nn.relu(r)
        r = _conv(r, p['dec_res_w1_' + str(i)], p['dec_res_b1_' + str(i)], 1, 0)
        h = h + r
    h = jax.nn.relu(_convT(h, p['dec_tw1'], p['dec_tb1']))
    return _convT(h, p['dec_tw2'], p['dec_tb2'])

def _find_codebook(z, code_books):
    zf = z.reshape(z.shape[0], -1).T
    cb = code_books.reshape(code_books.shape[0], -1).T
    dist = jnp.sum(zf ** 2, axis=1)[:, None] + jnp.sum(cb ** 2, axis=1)[None, :] - 2.0 * (zf @ cb.T)
    idx = jnp.argmin(dist, axis=1)
    zq = cb[idx, :]
    zq = zq.reshape(LS, LS, -1).transpose(2, 0, 1)
    return zq

def setup_inputs(seed: int = 0):
    key = jax.random.key(seed)
    keys = iter(jax.random.split(key, 64))
    def nrm(shape, s=0.05):
        return s * jax.random.normal(next(keys), shape, dtype=jnp.float32)
    x = jax.random.normal(next(keys), (IN_CH, INP, INP), dtype=jnp.float32)
    p = {}
    p['enc_w1'] = nrm((HID // 2, IN_CH, 4, 4)); p['enc_b1'] = jnp.zeros((HID // 2,), jnp.float32)
    p['enc_w2'] = nrm((HID, HID // 2, 4, 4)); p['enc_b2'] = jnp.zeros((HID,), jnp.float32)
    p['enc_w3'] = nrm((HID, HID, 3, 3)); p['enc_b3'] = jnp.zeros((HID,), jnp.float32)
    for i in range(RES):
        p['enc_res_w3_' + str(i)] = nrm((HID, HID, 3, 3)); p['enc_res_b3_' + str(i)] = jnp.zeros((HID,), jnp.float32)
        p['enc_res_w1_' + str(i)] = nrm((HID, HID, 1, 1)); p['enc_res_b1_' + str(i)] = jnp.zeros((HID,), jnp.float32)
    p['dec_w0'] = nrm((HID, HID, 3, 3)); p['dec_b0'] = jnp.zeros((HID,), jnp.float32)
    for i in range(RES):
        p['dec_res_w3_' + str(i)] = nrm((HID, HID, 3, 3)); p['dec_res_b3_' + str(i)] = jnp.zeros((HID,), jnp.float32)
        p['dec_res_w1_' + str(i)] = nrm((HID, HID, 1, 1)); p['dec_res_b1_' + str(i)] = jnp.zeros((HID,), jnp.float32)
    p['dec_tw1'] = nrm((HID // 2, HID, 4, 4)); p['dec_tb1'] = jnp.zeros((HID // 2,), jnp.float32)
    p['dec_tw2'] = nrm((IN_CH, HID // 2, 4, 4)); p['dec_tb2'] = jnp.zeros((IN_CH,), jnp.float32)
    code_books = jax.random.uniform(next(keys), (HID, LS, LS), dtype=jnp.float32)
    return {'x': x, 'code_books': code_books, 'params': p}

def reference(x, code_books, params):
    z = _encoder(x, params)
    zq = _find_codebook(jax.lax.stop_gradient(z), code_books)
    z_st = zq + jax.lax.stop_gradient(z - zq)
    x_pred = _decoder(zq, params)
    return (x_pred, z_st, zq)

if __name__ == "__main__":
    import jax
    _d = setup_inputs()
    print(jax.jit(kernel)(*tuple(_d.values())))

</pallas_src>

<mosaic_0001>
#map = affine_map<(d0, d1) -> (0, 0)>
#map1 = affine_map<(d0, d1) -> (0)>
module attributes {stable_mosaic.version = 14 : i64} {
  func.func @k(%arg0: i32, %arg1: i32, %arg2: memref<1024x256xf32, #tpu.memory_space<hbm>>, %arg3: memref<1024xi32, #tpu.memory_space<hbm>>, %arg4: memref<1024x256xf32, #tpu.memory_space<hbm>>, %arg5: memref<32xi32, #tpu.memory_space<vmem>>, %arg6: memref<32x256xf32, #tpu.memory_space<vmem>>, %arg7: memref<!tpu.dma_semaphore, #tpu.memory_space<semaphore_mem>>) attributes {dimension_semantics = [#tpu.dimension_semantics<core_parallel>, #tpu.dimension_semantics<subcore_parallel>], iteration_bounds = array<i64: 2, 16>, scalar_prefetch = 0 : i64, scratch_operands = 3 : i64, tpu.core_type = #tpu.core_type<sc_vector_subcore>, window_params = [{transform_indices = #map}, {transform_indices = #map1}, {transform_indices = #map}]} {
    %mul3A = arith.constant 2 : i32
    %mul3A_0 = arith.muli %arg1, %mul3A : i32
    %add3A = arith.addi %mul3A_0, %arg0 : i32
    %mul3A_1 = arith.constant 32 : i32
    %mul3A_2 = arith.muli %add3A, %mul3A_1 : i32
    "tpu.region"() ({
      %run_scoped3A = tpu.sem_alloc : memref<!tpu.dma_semaphore, #tpu.memory_space<semaphore_mem>>
      %dma_start3A_7 = tpu.memref_slice %arg3[%mul3A_2] : memref<1024xi32, #tpu.memory_space<hbm>> -> memref<32xi32, #tpu.memory_space<hbm>>
      %dma_start3A_8 = tpu.memref_slice %arg3[%mul3A_2] : memref<1024xi32, #tpu.memory_space<hbm>> -> memref<32xi32, #tpu.memory_space<hbm>>
      tpu.enqueue_dma source(%dma_start3A_8 : memref<32xi32, #tpu.memory_space<hbm>>) target(%arg5 : memref<32xi32, #tpu.memory_space<vmem>>) target_semaphore(%run_scoped3A : memref<!tpu.dma_semaphore, #tpu.memory_space<semaphore_mem>>)
      %dma_wait3A_9 = tpu.memref_slice %arg3[%mul3A_2] : memref<1024xi32, #tpu.memory_space<hbm>> -> memref<32xi32, #tpu.memory_space<hbm>>
      %dma_wait3A_10 = tpu.memref_slice %arg3[%mul3A_2] : memref<1024xi32, #tpu.memory_space<hbm>> -> memref<32xi32, #tpu.memory_space<hbm>>
      tpu.wait_dma2 semaphore(%run_scoped3A : memref<!tpu.dma_semaphore, #tpu.memory_space<semaphore_mem>>) src(%dma_wait3A_10 : memref<32xi32, #tpu.memory_space<hbm>>) dst(%arg5 : memref<32xi32, #tpu.memory_space<vmem>>)
      tpu.yield
    }) : () -> ()
    %dma_start3A = arith.constant 0 : i32
    %dma_start3A_3 = arith.constant 0 : i32
    %dma_start3A_4 = tpu.memref_slice %arg2[%dma_start3A, %dma_start3A_3] : memref<1024x256xf32, #tpu.memory_space<hbm>> -> memref<1024x256xf32, #tpu.memory_space<hbm>>
    tpu.enqueue_indirect_dma source(%dma_start3A_4 : memref<1024x256xf32, #tpu.memory_space<hbm>>) target(%arg6 : memref<32x256xf32, #tpu.memory_space<vmem>>) offsets(%arg5 : memref<32xi32, #tpu.memory_space<vmem>>) semaphore(%arg7 : memref<!tpu.dma_semaphore, #tpu.memory_space<semaphore_mem>>)
    %dma_wait3A = arith.constant 0 : i32
    %dma_wait3A_5 = arith.constant 0 : i32
    %dma_wait3A_6 = tpu.memref_slice %arg2[%dma_wait3A, %dma_wait3A_5] : memref<1024x256xf32, #tpu.memory_space<hbm>> -> memref<1024x256xf32, #tpu.memory_space<hbm>>
    tpu.wait_indirect_dma semaphore(%arg7 : memref<!tpu.dma_semaphore, #tpu.memory_space<semaphore_mem>>) src(%dma_wait3A_6 : memref<1024x256xf32, #tpu.memory_space<hbm>>) dst(%arg6 : memref<32x256xf32, #tpu.memory_space<vmem>>)
    "tpu.region"() ({
      %run_scoped3A = tpu.sem_alloc : memref<!tpu.dma_semaphore, #tpu.memory_space<semaphore_mem>>
      %dma_start3A_7 = arith.constant 0 : i32
      %dma_start3A_8 = tpu.memref_slice %arg4[%mul3A_2, %dma_start3A_7] : memref<1024x256xf32, #tpu.memory_space<hbm>> -> memref<32x256xf32, #tpu.memory_space<hbm>>
      %dma_start3A_9 = arith.constant 0 : i32
      %dma_start3A_10 = tpu.memref_slice %arg4[%mul3A_2, %dma_start3A_9] : memref<1024x256xf32, #tpu.memory_space<hbm>> -> memref<32x256xf32, #tpu.memory_space<hbm>>
      tpu.enqueue_dma source(%arg6 : memref<32x256xf32, #tpu.memory_space<vmem>>) target(%dma_start3A_10 : memref<32x256xf32, #tpu.memory_space<hbm>>) target_semaphore(%run_scoped3A : memref<!tpu.dma_semaphore, #tpu.memory_space<semaphore_mem>>)
      %dma_wait3A_11 = arith.constant 0 : i32
      %dma_wait3A_12 = tpu.memref_slice %arg4[%mul3A_2, %dma_wait3A_11] : memref<1024x256xf32, #tpu.memory_space<hbm>> -> memref<32x256xf32, #tpu.memory_space<hbm>>
      %dma_wait3A_13 = arith.constant 0 : i32
      %dma_wait3A_14 = tpu.memref_slice %arg4[%mul3A_2, %dma_wait3A_13] : memref<1024x256xf32, #tpu.memory_space<hbm>> -> memref<32x256xf32, #tpu.memory_space<hbm>>
      tpu.wait_dma2 semaphore(%run_scoped3A : memref<!tpu.dma_semaphore, #tpu.memory_space<semaphore_mem>>) src(%arg6 : memref<32x256xf32, #tpu.memory_space<vmem>>) dst(%dma_wait3A_14 : memref<32x256xf32, #tpu.memory_space<hbm>>)
      tpu.yield
    }) : () -> ()
    return
  }
}

module attributes {stable_mosaic.version = 14 : i64} {
  func.func @_enc_body(%arg0: memref<4096x48xf32, #tpu.memory_space<vmem>>, %arg1: memref<48x128xf32, #tpu.memory_space<vmem>>, %arg2: memref<1x128xf32, #tpu.memory_space<vmem>>, %arg3: memref<16x128x256xf32, #tpu.memory_space<vmem>>, %arg4: memref<1x256xf32, #tpu.memory_space<vmem>>, %arg5: memref<9x256x256xf32, #tpu.memory_space<vmem>>, %arg6: memref<1x256xf32, #tpu.memory_space<vmem>>, %arg7: memref<9x256x256xf32, #tpu.memory_space<vmem>>, %arg8: memref<1x256xf32, #tpu.memory_space<vmem>>, %arg9: memref<256x256xf32, #tpu.memory_space<vmem>>, %arg10: memref<1x256xf32, #tpu.memory_space<vmem>>, %arg11: memref<9x256x256xf32, #tpu.memory_space<vmem>>, %arg12: memref<1x256xf32, #tpu.memory_space<vmem>>, %arg13: memref<256x256xf32, #tpu.memory_space<vmem>>, %arg14: memref<1x256xf32, #tpu.memory_space<vmem>>, %arg15: memref<256x1024xf32, #tpu.memory_space<vmem>>, %arg16: memref<1024x256xf32, #tpu.memory_space<vmem>>, %arg17: memref<1024x1xi32, #tpu.memory_space<vmem>>) attributes {dimension_semantics = [], scalar_prefetch = 0 : i64, scratch_operands = 0 : i64, tpu.core_type = #tpu.core_type<tc>} {
    %get3A = arith.constant 0 : index
    %get3A_0 = arith.constant 0 : index
    %get3A_1 = vector.load %arg0[%get3A, %get3A_0] : memref<4096x48xf32, #tpu.memory_space<vmem>>, vector<4096x48xf32>
    %get3A_2 = arith.constant 0 : index
    %get3A_3 = arith.constant 0 : index
    %get3A_4 = vector.load %arg1[%get3A_2, %get3A_3] : memref<48x128xf32, #tpu.memory_space<vmem>>, vector<48x128xf32>
    %dot_general3A = arith.constant dense<0.000000e+00> : vector<4096x128xf32>
    %dot_general3A_5 = tpu.matmul %get3A_1, %get3A_4, %dot_general3A {dimension_numbers = #tpu.dot_dimension_numbers<[1], [0], [0], [1], [0, 0, 1, 1], [], []>, transpose_lhs_hint = false} : vector<4096x48xf32>, vector<48x128xf32>, vector<4096x128xf32> -> vector<4096x128xf32>
    %get3A_6 = arith.constant 0 : index
    %get3A_7 = arith.constant 0 : index
    %get3A_8 = vector.load %arg2[%get3A_6, %get3A_7] : memref<1x128xf32, #tpu.memory_space<vmem>>, vector<1x128xf32>
    %add3A = vector.broadcast %get3A_8 : vector<1x128xf32> to vector<4096x128xf32>
    %add3A_9 = arith.addf %dot_general3A_5, %add3A : vector<4096x128xf32>
    %max3A = arith.constant 0.000000e+00 : f32
    %max3A_10 = vector.broadcast %max3A : f32 to vector<4096x128xf32>
    %max3A_11 = arith.maximumf %add3A_9, %max3A_10 : vector<4096x128xf32>
    %slice3A = vector.extract_strided_slice %max3A_11 {offsets = [0, 0], sizes = [1024, 128], strides = [1, 1]} : vector<4096x128xf32> to vector<1024x128xf32>
    %reshape3A = vector.shape_cast %slice3A : vector<1024x128xf32> to vector<32x32x128xf32>
    %jit3A = arith.constant 0 : i32
    %convert_element_type3A = arith.sitofp %jit3A : i32 to f32
    %pad3A = vector.broadcast %convert_element_type3A : f32 to vector<1x32x128xf32>
    %pad3A_12 = tpu.concatenate %pad3A, %reshape3A in 0 : vector<1x32x128xf32>, vector<32x32x128xf32> -> vector<33x32x128xf32>
    %pad3A_13 = vector.broadcast %convert_element_type3A : f32 to vector<1x32x128xf32>
    %pad3A_14 = tpu.concatenate %pad3A_12, %pad3A_13 in 0 : vector<33x32x128xf32>, vector<1x32x128xf32> -> vector<34x32x128xf32>
    %pad3A_15 = vector.broadcast %convert_element_type3A : f32 to vector<34x1x128xf32>
    %pad3A_16 = tpu.concatenate %pad3A_15, %pad3A_14 in 1 : vector<34x1x128xf32>, vector<34x32x128xf32> -> vector<34x33x128xf32>
    %pad3A_17 = vector.broadcast %convert_element_type3A : f32 to vector<34x1x128xf32>
    %pad3A_18 = tpu.concatenate %pad3A_16, %pad3A_17 in 1 : vector<34x33x128xf32>, vector<34x1x128xf32> -> vector<34x34x128xf32>
    %slice3A_19 = vector.extract_strided_slice %max3A_11 {offsets = [1024, 0], sizes = [1024, 128], strides = [1, 1]} : vector<4096x128xf32> to vector<1024x128xf32>
    %reshape3A_20 = vector.shape_cast %slice3A_19 : vector<1024x128xf32> to vector<32x32x128xf32>
    %jit3A_21 = arith.constant 0 : i32
    %convert_element_type3A_22 = arith.sitofp %jit3A_21 : i32 to f32
    %pad3A_23 = vector.broadcast %convert_element_type3A_22 : f32 to vector<1x32x128xf32>
    %pad3A_24 = tpu.concatenate %pad3A_23, %reshape3A_20 in 0 : vector<1x32x128xf32>, vector<32x32x128xf32> -> vector<33x32x128xf32>
    %pad3A_25 = vector.broadcast %convert_element_type3A_22 : f32 to vector<1x32x128xf32>
    %pad3A_26 = tpu.concatenate %pad3A_24, %pad3A_25 in 0 : vector<33x32x128xf32>, vector<1x32x128xf32> -> vector<34x32x128xf32>
    %pad3A_27 = vector.broadcast %convert_element_type3A_22 : f32 to vector<34x1x128xf32>
    %pad3A_28 = tpu.concatenate %pad3A_27, %pad3A_26 in 1 : vector<34x1x128xf32>, vector<34x32x128xf32> -> vector<34x33x128xf32>
    %pad3A_29 = vector.broadcast %convert_element_type3A_22 : f32 to vector<34x1x128xf32>
    %pad3A_30 = tpu.concatenate %pad3A_28, %pad3A_29 in 1 : vector<34x33x128xf32>, vector<34x1x128xf32> -> vector<34x34x128xf32>
    %slice3A_31 = vector.extract_strided_slice %max3A_11 {offsets = [2048, 0], sizes = [1024, 128], strides = [1, 1]} : vector<4096x128xf32> to vector<1024x128xf32>
    %reshape3A_32 = vector.shape_cast %slice3A_31 : vector<1024x128xf32> to vector<32x32x128xf32>
    %jit3A_33 = arith.constant 0 : i32
    %convert_element_type3A_34 = arith.sitofp %jit3A_33 : i32 to f32
    %pad3A_35 = vector.broadcast %convert_element_type3A_34 : f32 to vector<1x32x128xf32>
    %pad3A_36 = tpu.concatenate %pad3A_35, %reshape3A_32 in 0 : vector<1x32x128xf32>, vector<32x32x128xf32> -> vector<33x32x128xf32>
    %pad3A_37 = vector.broadcast %convert_element_type3A_34 : f32 to vector<1x32x128xf32>
    %pad3A_38 = tpu.concatenate %pad3A_36, %pad3A_37 in 0 : vector<33x32x128xf32>, vector<1x32x128xf32> -> vector<34x32x128xf32>
    %pad3A_39 = vector.broadcast %convert_element_type3A_34 : f32 to vector<34x1x128xf32>
    %pad3A_40 = tpu.concatenate %pad3A_39, %pad3A_38 in 1 : vector<34x1x128xf32>, vector<34x32x128xf32> -> vector<34x33x128xf32>
    %pad3A_41 = vector.broadcast %convert_element_type3A_34 : f32 to vector<34x1x128xf32>
    %pad3A_42 = tpu.concatenate %pad3A_40, %pad3A_41 in 1 : vector<34x33x128xf32>, vector<34x1x128xf32> -> vector<34x34x128xf32>
    %slice3A_43 = vector.extract_strided_slice %max3A_11 {offsets = [3072, 0], sizes = [1024, 128], strides = [1, 1]} : vector<4096x128xf32> to vector<1024x128xf32>
    %reshape3A_44 = vector.shape_cast %slice3A_43 : vector<1024x128xf32> to vector<32x32x128xf32>
    %jit3A_45 = arith.constant 0 : i32
    %convert_element_type3A_46 = arith.sitofp %jit3A_45 : i32 to f32
    %pad3A_47 = vector.broadcast %convert_element_type3A_46 : f32 to vector<1x32x128xf32>
    %pad3A_48 = tpu.concatenate %pad3A_47, %reshape3A_44 in 0 : vector<1x32x128xf32>, vector<32x32x128xf32> -> vector<33x32x128xf32>
    %pad3A_49 = vector.broadcast %convert_element_type3A_46 : f32 to vector<1x32x128xf32>
    %pad3A_50 = tpu.concatenate %pad3A_48, %pad3A_49 in 0 : vector<33x32x128xf32>, vector<1x32x128xf32> -> vector<34x32x128xf32>
    %pad3A_51 = vector.broadcast %convert_element_type3A_46 : f32 to vector<34x1x128xf32>
    %pad3A_52 = tpu.concatenate %pad3A_51, %pad3A_50 in 1 : vector<34x1x128xf32>, vector<34x32x128xf32> -> vector<34x33x128xf32>
    %pad3A_53 = vector.broadcast %convert_element_type3A_46 : f32 to vector<34x1x128xf32>
    %pad3A_54 = tpu.concatenate %pad3A_52, %pad3A_53 in 1 : vector<34x33x128xf32>, vector<34x1x128xf32> -> vector<34x34x128xf32>
    %get3A_55 = arith.constant 0 : index
    %get3A_56 = arith.constant 0 : index
    %get3A_57 = arith.constant 0 : index
    %get3A_58 = vector.load %arg3[%get3A_55, %get3A_56, %get3A_57] : memref<16x128x256xf32, #tpu.memory_space<vmem>>, vector<16x128x256xf32>
    %slice3A_59 = vector.extract_strided_slice %pad3A_54 {offsets = [0, 0, 0], sizes = [32, 32, 128], strides = [1, 1, 1]} : vector<34x34x128xf32> to vector<32x32x128xf32>
    %reshape3A_60 = vector.shape_cast %slice3A_59 : vector<32x32x128xf32> to vector<1024x128xf32>
    %slice3A_61 = vector.extract_strided_slice %get3A_58 {offsets = [0, 0, 0], sizes = [1, 128, 256], strides = [1, 1, 1]} : vector<16x128x256xf32> to vector<1x128x256xf32>
    %squeeze3A = vector.shape_cast %slice3A_61 : vector<1x128x256xf32> to vector<128x256xf32>
    %dot_general3A_62 = arith.constant dense<0.000000e+00> : vector<1024x256xf32>
    %dot_general3A_63 = tpu.matmul %reshape3A_60, %squeeze3A, %dot_general3A_62 {dimension_numbers = #tpu.dot_dimension_numbers<[1], [0], [0], [1], [0, 0, 1, 1], [], []>, transpose_lhs_hint = false} : vector<1024x128xf32>, vector<128x256xf32>, vector<1024x256xf32> -> vector<1024x256xf32>
    %slice3A_64 = vector.extract_strided_slice %pad3A_42 {offsets = [0, 1, 0], sizes = [32, 32, 128], strides = [1, 1, 1]} : vector<34x34x128xf32> to vector<32x32x128xf32>
    %reshape3A_65 = vector.shape_cast %slice3A_64 : vector<32x32x128xf32> to vector<1024x128xf32>
    %slice3A_66 = vector.extract_strided_slice %get3A_58 {offsets = [1, 0, 0], sizes = [1, 128, 256], strides = [1, 1, 1]} : vector<16x128x256xf32> to vector<1x128x256xf32>
    %squeeze3A_67 = vector.shape_cast %slice3A_66 : vector<1x128x256xf32> to vector<128x256xf32>
    %dot_general3A_68 = arith.constant dense<0.000000e+00> : vector<1024x256xf32>
    %dot_general3A_69 = tpu.matmul %reshape3A_65, %squeeze3A_67, %dot_general3A_68 {dimension_numbers = #tpu.dot_dimension_numbers<[1], [0], [0], [1], [0, 0, 1, 1], [], []>, transpose_lhs_hint = false} : vector<1024x128xf32>, vector<128x256xf32>, vector<1024x256xf32> -> vector<1024x256xf32>
    %add3A_70 = arith.addf %dot_general3A_63, %dot_general3A_69 : vector<1024x256xf32>
    %slice3A_71 = vector.extract_strided_slice %pad3A_54 {offsets = [0, 1, 0], sizes = [32, 32, 128], strides = [1, 1, 1]} : vector<34x34x128xf32> to vector<32x32x128xf32>
    %reshape3A_72 = vector.shape_cast %slice3A_71 : vector<32x32x128xf32> to vector<1024x128xf32>
    %slice3A_73 = vector.extract_strided_slice %get3A_58 {offsets = [2, 0, 0], sizes = [1, 128, 256], strides = [1, 1, 1]} : vector<16x128x256xf32> to vector<1x128x256xf32>
    %squeeze3A_74 = vector.shape_cast %slice3A_73 : vector<1x128x256xf32> to vector<128x256xf32>
    %dot_general3A_75 = arith.constant dense<0.000000e+00> : vector<1024x256xf32>
    %dot_general3A_76 = tpu.matmul %reshape3A_72, %squeeze3A_74, %dot_general3A_75 {dimension_numbers = #tpu.dot_dimension_numbers<[1], [0], [0], [1], [0, 0, 1, 1], [], []>, transpose_lhs_hint = false} : vector<1024x128xf32>, vector<128x256xf32>, vector<1024x256xf32> -> vector<1024x256xf32>
    %add3A_77 = arith.addf %add3A_70, %dot_general3A_76 : vector<1024x256xf32>
    %slice3A_78 = vector.extract_strided_slice %pad3A_42 {offsets = [0, 2, 0], sizes = [32, 32, 128], strides = [1, 1, 1]} : vector<34x34x128xf32> to vector<32x32x128xf32>
    %reshape3A_79 = vector.shape_cast %slice3A_78 : vector<32x32x128xf32> to vector<1024x128xf32>
    %slice3A_80 = vector.extract_strided_slice %get3A_58 {offsets = [3, 0, 0], sizes = [1, 128, 256], strides = [1, 1, 1]} : vector<16x128x256xf32> to vector<1x128x256xf32>
    %squeeze3A_81 = vector.shape_cast %slice3A_80 : vector<1x128x256xf32> to vector<128x256xf32>
    %dot_general3A_82 = arith.constant dense<0.000000e+00> : vector<1024x256xf32>
    %dot_general3A_83 = tpu.matmul %reshape3A_79, %squeeze3A_81, %dot_general3A_82 {dimension_numbers = #tpu.dot_dimension_numbers<[1], [0], [0], [1], [0, 0, 1, 1], [], []>, transpose_lhs_hint = false} : vector<1024x128xf32>, vector<128x256xf32>, vector<1024x256xf32> -> vector<1024x256xf32>
    %add3A_84 = arith.addf %add3A_77, %dot_general3A_83 : vector<1024x256xf32>
    %slice3A_85 = vector.extract_strided_slice %pad3A_30 {offsets = [1, 0, 0], sizes = [32, 32, 128], strides = [1, 1, 1]} : vector<34x34x128xf32> to vector<32x32x128xf32>
    %reshape3A_86 = vector.shape_cast %slice3A_85 : vector<32x32x128xf32> to vector<1024x128xf32>
    %slice3A_87 = vector.extract_strided_slice %get3A_58 {offsets = [4, 0, 0], sizes = [1, 128, 256], strides = [1, 1, 1]} : vector<16x128x256xf32> to vector<1x128x256xf32>
    %squeeze3A_88 = vector.shape_cast %slice3A_87 : vector<1x128x256xf32> to vector<128x256xf32>
    %dot_general3A_89 = arith.constant dense<0.000000e+00> : vector<1024x256xf32>
    %dot_general3A_90 = tpu.matmul %reshape3A_86, %squeeze3A_88, %dot_general3A_89 {dimension_numbers = #tpu.dot_dimension_numbers<[1], [0], [0], [1], [0, 0, 1, 1], [], []>, transpose_lhs_hint = false} : vector<1024x128xf32>, vector<128x256xf32>, vector<1024x256xf32> -> vector<1024x256xf32>
    %add3A_91 = arith.addf %add3A_84, %dot_general3A_90 : vector<1024x256xf32>
    %slice3A_92 = vector.extract_strided_slice %pad3A_18 {offsets = [1, 1, 0], sizes = [32, 32, 128], strides = [1, 1, 1]} : vector<34x34x128xf32> to vector<32x32x128xf32>
    %reshape3A_93 = vector.shape_cast %slice3A_92 : vector<32x32x128xf32> to vector<1024x128xf32>
    %slice3A_94 = vector.extract_strided_slice %get3A_58 {offsets = [5, 0, 0], sizes = [1, 128, 256], strides = [1, 1, 1]} : vector<16x128x256xf32> to vector<1x128x256xf32>
    %squeeze3A_95 = vector.shape_cast %slice3A_94 : vector<1x128x256xf32> to vector<128x256xf32>
    %dot_general3A_96 = arith.constant dense<0.000000e+00> : vector<1024x256xf32>
    %dot_general3A_97 = tpu.matmul %reshape3A_93, %squeeze3A_95, %dot_general3A_96 {dimension_numbers = #tpu.dot_dimension_numbers<[1], [0], [0], [1], [0, 0, 1, 1], [], []>, transpose_lhs_hint = false} : vector<1024x128xf32>, vector<128x256xf32>, vector<1024x256xf32> -> vector<1024x256xf32>
    %add3A_98 = arith.addf %add3A_91, %dot_general3A_97 : vector<1024x256xf32>
    %slice3A_99 = vector.extract_strided_slice %pad3A_30 {offsets = [1, 1, 0], sizes = [32, 32, 128], strides = [1, 1, 1]} : vector<34x34x128xf32> to vector<32x32x128xf32>
    %reshape3A_100 = vector.shape_cast %slice3A_99 : vector<32x32x128xf32> to vector<1024x128xf32>
    %slice3A_101 = vector.extract_strided_slice %get3A_58 {offsets = [6, 0, 0], sizes = [1, 128, 256], strides = [1, 1, 1]} : vector<16x128x256xf32> to vector<1x128x256xf32>
    %squeeze3A_102 = vector.shape_cast %slice3A_101 : vector<1x128x256xf32> to vector<128x256xf32>
    %dot_general3A_103 = arith.constant dense<0.000000e+00> : vector<1024x256xf32>
    %dot_general3A_104 = tpu.matmul %reshape3A_100, %squeeze3A_102, %dot_general3A_103 {dimension_numbers = #tpu.dot_dimension_numbers<[1], [0], [0], [1], [0, 0, 1, 1], [], []>, transpose_lhs_hint = false} : vector<1024x128xf32>, vector<128x256xf32>, vector<1024x256xf32> -> vector<1024x256xf32>
    %add3A_105 = arith.addf %add3A_98, %dot_general3A_104 : vector<1024x256xf32>
    %slice3A_106 = vector.extract_strided_slice %pad3A_18 {offsets = [1, 2, 0], sizes = [32, 32, 128], strides = [1, 1, 1]} : vector<34x34x128xf32> to vector<32x32x128xf32>
    %reshape3A_107 = vector.shape_cast %slice3A_106 : vector<32x32x128xf32> to vector<1024x128xf32>
    %slice3A_108 = vector.extract_strided_slice %get3A_58 {offsets = [7, 0, 0], sizes = [1, 128, 256], strides = [1, 1, 1]} : vector<16x128x256xf32> to vector<1x128x256xf32>
    %squeeze3A_109 = vector.shape_cast %slice3A_108 : vector<1x128x256xf32> to vector<128x256xf32>
    %dot_general3A_110 = arith.constant dense<0.000000e+00> : vector<1024x256xf32>
    %dot_general3A_111 = tpu.matmul %reshape3A_107, %squeeze3A_109, %dot_general3A_110 {dimension_numbers = #tpu.dot_dimension_numbers<[1], [0], [0], [1], [0, 0, 1, 1], [], []>, transpose_lhs_hint = false} : vector<1024x128xf32>, vector<128x256xf32>, vector<1024x256xf32> -> vector<1024x256xf32>
    %add3A_112 = arith.addf %add3A_105, %dot_general3A_111 : vector<1024x256xf32>
    %slice3A_113 = vector.extract_strided_slice %pad3A_54 {offsets = [1, 0, 0], sizes = [32, 32, 128], strides = [1, 1, 1]} : vector<34x34x128xf32> to vector<32x32x128xf32>
    %reshape3A_114 = vector.shape_cast %slice3A_113 : vector<32x32x128xf32> to vector<1024x128xf32>
    %slice3A_115 = vector.extract_strided_slice %get3A_58 {offsets = [8, 0, 0], sizes = [1, 128, 256], strides = [1, 1, 1]} : vector<16x128x256xf32> to vector<1x128x256xf32>
    %squeeze3A_116 = vector.shape_cast %slice3A_115 : vector<1x128x256xf32> to vector<128x256xf32>
    %dot_general3A_117 = arith.constant dense<0.000000e+00> : vector<1024x256xf32>
    %dot_general3A_118 = tpu.matmul %reshape3A_114, %squeeze3A_116, %dot_general3A_117 {dimension_numbers = #tpu.dot_dimension_numbers<[1], [0], [0], [1], [0, 0, 1, 1], [], []>, transpose_lhs_hint = false} : vector<1024x128xf32>, vector<128x256xf32>, vector<1024x256xf32> -> vector<1024x256xf32>
    %add3A_119 = arith.addf %add3A_112, %dot_general3A_118 : vector<1024x256xf32>
    %slice3A_120 = vector.extract_strided_slice %pad3A_42 {offsets = [1, 1, 0], sizes = [32, 32, 128], strides = [1, 1, 1]} : vector<34x34x128xf32> to vector<32x32x128xf32>
    %reshape3A_121 = vector.shape_cast %slice3A_120 : vector<32x32x128xf32> to vector<1024x128xf32>
    %slice3A_122 = vector.extract_strided_slice %get3A_58 {offsets = [9, 0, 0], sizes = [1, 128, 256], strides = [1, 1, 1]} : vector<16x128x256xf32> to vector<1x128x256xf32>
    %squeeze3A_123 = vector.shape_cast %slice3A_122 : vector<1x128x256xf32> to vector<128x256xf32>
    %dot_general3A_124 = arith.constant dense<0.000000e+00> : vector<1024x256xf32>
    %dot_general3A_125 = tpu.matmul %reshape3A_121, %squeeze3A_123, %dot_general3A_124 {dimension_numbers = #tpu.dot_dimension_numbers<[1], [0], [0], [1], [0, 0, 1, 1], [], []>, transpose_lhs_hint = false} : vector<1024x128xf32>, vector<128x256xf32>, vector<1024x256xf32> -> vector<1024x256xf32>
    %add3A_126 = arith.addf %add3A_119, %dot_general3A_125 : vector<1024x256xf32>
    %slice3A_127 = vector.extract_strided_slice %pad3A_54 {offsets = [1, 1, 0], sizes = [32, 32, 128], strides = [1, 1, 1]} : vector<34x34x128xf32> to vector<32x32x128xf32>
    %reshape3A_128 = vector.shape_cast %slice3A_127 : vector<32x32x128xf32> to vector<1024x128xf32>
    %slice3A_129 = vector.extract_strided_slice %get3A_58 {offsets = [10, 0, 0], sizes = [1, 128, 256], strides = [1, 1, 1]} : vector<16x128x256xf32> to vector<1x128x256xf32>
    %squeeze3A_130 = vector.shape_cast %slice3A_129 : vector<1x128x256xf32> to vector<128x256xf32>
    %dot_general3A_131 = arith.constant dense<0.000000e+00> : vector<1024x256xf32>
    %dot_general3A_132 = tpu.matmul %reshape3A_128, %squeeze3A_130, %dot_general3A_131 {dimension_numbers = #tpu.dot_dimension_numbers<[1], [0], [0], [1], [0, 0, 1, 1], [], []>, transpose_lhs_hint = false} : vector<1024x128xf32>, vector<128x256xf32>, vector<1024x256xf32> -> vector<1024x256xf32>
    %add3A_133 = arith.addf %add3A_126, %dot_general3A_132 : vector<1024x256xf32>
    %slice3A_134 = vector.extract_strided_slice %pad3A_42 {offsets = [1, 2, 0], sizes = [32, 32, 128], strides = [1, 1, 1]} : vector<34x34x128xf32> to vector<32x32x128xf32>
    %reshape3A_135 = vector.shape_cast %slice3A_134 : vector<32x32x128xf32> to vector<1024x128xf32>
    %slice3A_136 = vector.extract_strided_slice %get3A_58 {offsets = [11, 0, 0], sizes = [1, 128, 256], strides = [1, 1, 1]} : vector<16x128x256xf32> to vector<1x128x256xf32>
    %squeeze3A_137 = vector.shape_cast %slice3A_136 : vector<1x128x256xf32> to vector<128x256xf32>
    %dot_general3A_138 = arith.constant dense<0.000000e+00> : vector<1024x256xf32>
    %dot_general3A_139 = tpu.matmul %reshape3A_135, %squeeze3A_137, %dot_general3A_138 {dimension_numbers = #tpu.dot_dimension_numbers<[1], [0], [0], [1], [0, 0, 1, 1], [], []>, transpose_lhs_hint = false} : vector<1024x128xf32>, vector<128x256xf32>, vector<1024x256xf32> -> vector<1024x256xf32>
    %add3A_140 = arith.addf %add3A_133, %dot_general3A_139 : vector<1024x256xf32>
    %slice3A_141 = vector.extract_strided_slice %pad3A_30 {offsets = [2, 0, 0], sizes = [32, 32, 128], strides = [1, 1, 1]} : vector<34x34x128xf32> to vector<32x32x128xf32>
    %reshape3A_142 = vector.shape_cast %slice3A_141 : vector<32x32x128xf32> to vector<1024x128xf32>
    %slice3A_143 = vector.extract_strided_slice %get3A_58 {offsets = [12, 0, 0], sizes = [1, 128, 256], strides = [1, 1, 1]} : vector<16x128x256xf32> to vector<1x128x256xf32>
    %squeeze3A_144 = vector.shape_cast %slice3A_143 : vector<1x128x256xf32> to vector<128x256xf32>
    %dot_general3A_145 = arith.constant dense<0.000000e+00> : vector<1024x256xf32>
    %dot_general3A_146 = tpu.matmul %reshape3A_142, %squeeze3A_144, %dot_general3A_145 {dimension_numbers = #tpu.dot_dimension_numbers<[1], [0], [0], [1], [0, 0, 1, 1], [], []>, transpose_lhs_hint = false} : vector<1024x128xf32>, vector<128x256xf32>, vector<1024x256xf32> -> vector<1024x256xf32>
    %add3A_147 = arith.addf %add3A_140, %dot_general3A_146 : vector<1024x256xf32>
    %slice3A_148 = vector.extract_strided_slice %pad3A_18 {offsets = [2, 1, 0], sizes = [32, 32, 128], strides = [1, 1, 1]} : vector<34x34x128xf32> to vector<32x32x128xf32>
    %reshape3A_149 = vector.shape_cast %slice3A_148 : vector<32x32x128xf32> to vector<1024x128xf32>
    %slice3A_150 = vector.extract_strided_slice %get3A_58 {offsets = [13, 0, 0], sizes = [1, 128, 256], strides = [1, 1, 1]} : vector<16x128x256xf32> to vector<1x128x256xf32>
    %squeeze3A_151 = vector.shape_cast %slice3A_150 : vector<1x128x256xf32> to vector<128x256xf32>
    %dot_general3A_152 = arith.constant dense<0.000000e+00> : vector<1024x256xf32>
    %dot_general3A_153 = tpu.matmul %reshape3A_149, %squeeze3A_151, %dot_general3A_152 {dimension_numbers = #tpu.dot_dimension_numbers<[1], [0], [0], [1], [0, 0, 1, 1], [], []>, transpose_lhs_hint = false} : vector<1024x128xf32>, vector<128x256xf32>, vector<1024x256xf32> -> vector<1024x256xf32>
    %add3A_154 = arith.addf %add3A_147, %dot_general3A_153 : vector<1024x256xf32>
    %slice3A_155 = vector.extract_strided_slice %pad3A_30 {offsets = [2, 1, 0], sizes = [32, 32, 128], strides = [1, 1, 1]} : vector<34x34x128xf32> to vector<32x32x128xf32>
    %reshape3A_156 = vector.shape_cast %slice3A_155 : vector<32x32x128xf32> to vector<1024x128xf32>
    %slice3A_157 = vector.extract_strided_slice %get3A_58 {offsets = [14, 0, 0], sizes = [1, 128, 256], strides = [1, 1, 1]} : vector<16x128x256xf32> to vector<1x128x256xf32>
    %squeeze3A_158 = vector.shape_cast %slice3A_157 : vector<1x128x256xf32> to vector<128x256xf32>
    %dot_general3A_159 = arith.constant dense<0.000000e+00> : vector<1024x256xf32>
    %dot_general3A_160 = tpu.matmul %reshape3A_156, %squeeze3A_158, %dot_general3A_159 {dimension_numbers = #tpu.dot_dimension_numbers<[1], [0], [0], [1], [0, 0, 1, 1], [], []>, transpose_lhs_hint = false} : vector<1024x128xf32>, vector<128x256xf32>, vector<1024x256xf32> -> vector<1024x256xf32>
    %add3A_161 = arith.addf %add3A_154, %dot_general3A_160 : vector<1024x256xf32>
    %slice3A_162 = vector.extract_strided_slice %pad3A_18 {offsets = [2, 2, 0], sizes = [32, 32, 128], strides = [1, 1, 1]} : vector<34x34x128xf32> to vector<32x32x128xf32>
    %reshape3A_163 = vector.shape_cast %slice3A_162 : vector<32x32x128xf32> to vector<1024x128xf32>
    %slice3A_164 = vector.extract_strided_slice %get3A_58 {offsets = [15, 0, 0], sizes = [1, 128, 256], strides = [1, 1, 1]} : vector<16x128x256xf32> to vector<1x128x256xf32>
    %squeeze3A_165 = vector.shape_cast %slice3A_164 : vector<1x128x256xf32> to vector<128x256xf32>
    %dot_general3A_166 = arith.constant dense<0.000000e+00> : vector<1024x256xf32>
    %dot_general3A_167 = tpu.matmul %reshape3A_163, %squeeze3A_165, %dot_general3A_166 {dimension_numbers = #tpu.dot_dimension_numbers<[1], [0], [0], [1], [0, 0, 1, 1], [], []>, transpose_lhs_hint = false} : vector<1024x128xf32>, vector<128x256xf32>, vector<1024x256xf32> -> vector<1024x256xf32>
    %add3A_168 = arith.addf %add3A_161, %dot_general3A_167 : vector<1024x256xf32>
    %get3A_169 = arith.constant 0 : index
    %get3A_170 = arith.constant 0 : index
    %get3A_171 = vector.load %arg4[%get3A_169, %get3A_170] : memref<1x256xf32, #tpu.memory_space<vmem>>, vector<1x256xf32>
    %add3A_172 = vector.broadcast %get3A_171 : vector<1x256xf32> to vector<1024x256xf32>
    %add3A_173 = arith.addf %add3A_168, %add3A_172 : vector<1024x256xf32>
    %max3A_174 = arith.constant 0.000000e+00 : f32
    %max3A_175 = vector.broadcast %max3A_174 : f32 to vector<1024x256xf32>
    %max3A_176 = arith.maximumf %add3A_173, %max3A_175 : vector<1024x256xf32>
    %get3A_177 = arith.constant 0 : index
    %get3A_178 = arith.constant 0 : index
    %get3A_179 = arith.constant 0 : index
    %get3A_180 = vector.load %arg5[%get3A_177, %get3A_178, %get3A_179] : memref<9x256x256xf32, #tpu.memory_space<vmem>>, vector<9x256x256xf32>
    %get3A_181 = arith.constant 0 : index
    %get3A_182 = arith.constant 0 : index
    %get3A_183 = vector.load %arg6[%get3A_181, %get3A_182] : memref<1x256xf32, #tpu.memory_space<vmem>>, vector<1x256xf32>
    %reshape3A_184 = vector.shape_cast %max3A_176 : vector<1024x256xf32> to vector<32x32x256xf32>
    %jit3A_185 = arith.constant 0 : i32
    %convert_element_type3A_186 = arith.sitofp %jit3A_185 : i32 to f32
    %pad3A_187 = vector.broadcast %convert_element_type3A_186 : f32 to vector<1x32x256xf32>
    %pad3A_188 = tpu.concatenate %pad3A_187, %reshape3A_184 in 0 : vector<1x32x256xf32>, vector<32x32x256xf32> -> vector<33x32x256xf32>
    %pad3A_189 = vector.broadcast %convert_element_type3A_186 : f32 to vector<1x32x256xf32>
    %pad3A_190 = tpu.concatenate %pad3A_188, %pad3A_189 in 0 : vector<33x32x256xf32>, vector<1x32x256xf32> -> vector<34x32x256xf32>
    %pad3A_191 = vector.broadcast %convert_element_type3A_186 : f32 to vector<34x1x256xf32>
    %pad3A_192 = tpu.concatenate %pad3A_191, %pad3A_190 in 1 : vector<34x1x256xf32>, vector<34x32x256xf32> -> vector<34x33x256xf32>
    %pad3A_193 = vector.broadcast %convert_element_type3A_186 : f32 to vector<34x1x256xf32>
    %pad3A_194 = tpu.concatenate %pad3A_192, %pad3A_193 in 1 : vector<34x33x256xf32>, vector<34x1x256xf32> -> vector<34x34x256xf32>
    %slice3A_195 = vector.extract_strided_slice %pad3A_194 {offsets = [0, 0, 0], sizes = [32, 32, 256], strides = [1, 1, 1]} : vector<34x34x256xf32> to vector<32x32x256xf32>
    %reshape3A_196 = vector.shape_cast %slice3A_195 : vector<32x32x256xf32> to vector<1024x256xf32>
    %slice3A_197 = vector.extract_strided_slice %get3A_180 {offsets = [0, 0, 0], sizes = [1, 256, 256], strides = [1, 1, 1]} : vector<9x256x256xf32> to vector<1x256x256xf32>
    %squeeze3A_198 = vector.shape_cast %slice3A_197 : vector<1x256x256xf32> to vector<256x256xf32>
    %dot_general3A_199 = arith.constant dense<0.000000e+00> : vector<1024x256xf32>
    %dot_general3A_200 = tpu.matmul %reshape3A_196, %squeeze3A_198, %dot_general3A_199 {dimension_numbers = #tpu.dot_dimension_numbers<[1], [0], [0], [1], [0, 0, 1, 1], [], []>, transpose_lhs_hint = false} : vector<1024x256xf32>, vector<256x256xf32>, vector<1024x256xf32> -> vector<1024x256xf32>
    %slice3A_201 = vector.extract_strided_slice %pad3A_194 {offsets = [0, 1, 0], sizes = [32, 32, 256], strides = [1, 1, 1]} : vector<34x34x256xf32> to vector<32x32x256xf32>
    %reshape3A_202 = vector.shape_cast %slice3A_201 : vector<32x32x256xf32> to vector<1024x256xf32>
    %slice3A_203 = vector.extract_strided_slice %get3A_180 {offsets = [1, 0, 0], sizes = [1, 256, 256], strides = [1, 1, 1]} : vector<9x256x256xf32> to vector<1x256x256xf32>
    %squeeze3A_204 = vector.shape_cast %slice3A_203 : vector<1x256x256xf32> to vector<256x256xf32>
    %dot_general3A_205 = arith.constant dense<0.000000e+00> : vector<1024x256xf32>
    %dot_general3A_206 = tpu.matmul %reshape3A_202, %squeeze3A_204, %dot_general3A_205 {dimension_numbers = #tpu.dot_dimension_numbers<[1], [0], [0], [1], [0, 0, 1, 1], [], []>, transpose_lhs_hint = false} : vector<1024x256xf32>, vector<256x256xf32>, vector<1024x256xf32> -> vector<1024x256xf32>
    %add3A_207 = arith.addf %dot_general3A_200, %dot_general3A_206 : vector<1024x256xf32>
    %slice3A_208 = vector.extract_strided_slice %pad3A_194 {offsets = [0, 2, 0], sizes = [32, 32, 256], strides = [1, 1, 1]} : vector<34x34x256xf32> to vector<32x32x256xf32>
    %reshape3A_209 = vector.shape_cast %slice3A_208 : vector<32x32x256xf32> to vector<1024x256xf32>
    %slice3A_210 = vector.extract_strided_slice %get3A_180 {offsets = [2, 0, 0], sizes = [1, 256, 256], strides = [1, 1, 1]} : vector<9x256x256xf32> to vector<1x256x256xf32>
    %squeeze3A_211 = vector.shape_cast %slice3A_210 : vector<1x256x256xf32> to vector<256x256xf32>
    %dot_general3A_212 = arith.constant dense<0.000000e+00> : vector<1024x256xf32>
    %dot_general3A_213 = tpu.matmul %reshape3A_209, %squeeze3A_211, %dot_general3A_212 {dimension_numbers = #tpu.dot_dimension_numbers<[1], [0], [0], [1], [0, 0, 1, 1], [], []>, transpose_lhs_hint = false} : vector<1024x256xf32>, vector<256x256xf32>, vector<1024x256xf32> -> vector<1024x256xf32>
    %add3A_214 = arith.addf %add3A_207, %dot_general3A_213 : vector<1024x256xf32>
    %slice3A_215 = vector.extract_strided_slice %pad3A_194 {offsets = [1, 0, 0], sizes = [32, 32, 256], strides = [1, 1, 1]} : vector<34x34x256xf32> to vector<32x32x256xf32>
    %reshape3A_216 = vector.shape_cast %slice3A_215 : vector<32x32x256xf32> to vector<1024x256xf32>
    %slice3A_217 = vector.extract_strided_slice %get3A_180 {offsets = [3, 0, 0], sizes = [1, 256, 256], strides = [1, 1, 1]} : vector<9x256x256xf32> to vector<1x256x256xf32>
    %squeeze3A_218 = vector.shape_cast %slice3A_217 : vector<1x256x256xf32> to vector<256x256xf32>
    %dot_general3A_219 = arith.constant dense<0.000000e+00> : vector<1024x256xf32>
    %dot_general3A_220 = tpu.matmul %reshape3A_216, %squeeze3A_218, %dot_general3A_219 {dimension_numbers = #tpu.dot_dimension_numbers<[1], [0], [0], [1], [0, 0, 1, 1], [], []>, transpose_lhs_hint = false} : vector<1024x256xf32>, vector<256x256xf32>, vector<1024x256xf32> -> vector<1024x256xf32>
    %add3A_221 = arith.addf %add3A_214, %dot_general3A_220 : vector<1024x256xf32>
    %slice3A_222 = vector.extract_strided_slice %pad3A_194 {offsets = [1, 1, 0], sizes = [32, 32, 256], strides = [1, 1, 1]} : vector<34x34x256xf32> to vector<32x32x256xf32>
    %reshape3A_223 = vector.shape_cast %slice3A_222 : vector<32x32x256xf32> to vector<1024x256xf32>
    %slice3A_224 = vector.extract_strided_slice %get3A_180 {offsets = [4, 0, 0], sizes = [1, 256, 256], strides = [1, 1, 1]} : vector<9x256x256xf32> to vector<1x256x256xf32>
    %squeeze3A_225 = vector.shape_cast %slice3A_224 : vector<1x256x256xf32> to vector<256x256xf32>
    %dot_general3A_226 = arith.constant dense<0.000000e+00> : vector<1024x256xf32>
    %dot_general3A_227 = tpu.matmul %reshape3A_223, %squeeze3A_225, %dot_general3A_226 {dimension_numbers = #tpu.dot_dimension_numbers<[1], [0], [0], [1], [0, 0, 1, 1], [], []>, transpose_lhs_hint = false} : vector<1024x256xf32>, vector<256x256xf32>, vector<1024x256xf32> -> vector<1024x256xf32>
    %add3A_228 = arith.addf %add3A_221, %dot_general3A_227 : vector<1024x256xf32>
    %slice3A_229 = vector.extract_strided_slice %pad3A_194 {offsets = [1, 2, 0], sizes = [32, 32, 256], strides = [1, 1, 1]} : vector<34x34x256xf32> to vector<32x32x256xf32>
    %reshape3A_230 = vector.shape_cast %slice3A_229 : vector<32x32x256xf32> to vector<1024x256xf32>
    %slice3A_231 = vector.extract_strided_slice %get3A_180 {offsets = [5, 0, 0], sizes = [1, 256, 256], strides = [1, 1, 1]} : vector<9x256x256xf32> to vector<1x256x256xf32>
    %squeeze3A_232 = vector.shape_cast %slice3A_231 : vector<1x256x256xf32> to vector<256x256xf32>
    %dot_general3A_233 = arith.constant dense<0.000000e+00> : vector<1024x256xf32>
    %dot_general3A_234 = tpu.matmul %reshape3A_230, %squeeze3A_232, %dot_general3A_233 {dimension_numbers = #tpu.dot_dimension_numbers<[1], [0], [0], [1], [0, 0, 1, 1], [], []>, transpose_lhs_hint = false} : vector<1024x256xf32>, vector<256x256xf32>, vector<1024x256xf32> -> vector<1024x256xf32>
    %add3A_235 = arith.addf %add3A_228, %dot_general3A_234 : vector<1024x256xf32>
    %slice3A_236 = vector.extract_strided_slice %pad3A_194 {offsets = [2, 0, 0], sizes = [32, 32, 256], strides = [1, 1, 1]} : vector<34x34x256xf32> to vector<32x32x256xf32>
    %reshape3A_237 = vector.shape_cast %slice3A_236 : vector<32x32x256xf32> to vector<1024x256xf32>
    %slice3A_238 = vector.extract_strided_slice %get3A_180 {offsets = [6, 0, 0], sizes = [1, 256, 256], strides = [1, 1, 1]} : vector<9x256x256xf32> to vector<1x256x256xf32>
    %squeeze3A_239 = vector.shape_cast %slice3A_238 : vector<1x256x256xf32> to vector<256x256xf32>
    %dot_general3A_240 = arith.constant dense<0.000000e+00> : vector<1024x256xf32>
    %dot_general3A_241 = tpu.matmul %reshape3A_237, %squeeze3A_239, %dot_general3A_240 {dimension_numbers = #tpu.dot_dimension_numbers<[1], [0], [0], [1], [0, 0, 1, 1], [], []>, transpose_lhs_hint = false} : vector<1024x256xf32>, vector<256x256xf32>, vector<1024x256xf32> -> vector<1024x256xf32>
    %add3A_242 = arith.addf %add3A_235, %dot_general3A_241 : vector<1024x256xf32>
    %slice3A_243 = vector.extract_strided_slice %pad3A_194 {offsets = [2, 1, 0], sizes = [32, 32, 256], strides = [1, 1, 1]} : vector<34x34x256xf32> to vector<32x32x256xf32>
    %reshape3A_244 = vector.shape_cast %slice3A_243 : vector<32x32x256xf32> to vector<1024x256xf32>
    %slice3A_245 = vector.extract_strided_slice %get3A_180 {offsets = [7, 0, 0], sizes = [1, 256, 256], strides = [1, 1, 1]} : vector<9x256x256xf32> to vector<1x256x256xf32>
    %squeeze3A_246 = vector.shape_cast %slice3A_245 : vector<1x256x256xf32> to vector<256x256xf32>
    %dot_general3A_247 = arith.constant dense<0.000000e+00> : vector<1024x256xf32>
    %dot_general3A_248 = tpu.matmul %reshape3A_244, %squeeze3A_246, %dot_general3A_247 {dimension_numbers = #tpu.dot_dimension_numbers<[1], [0], [0], [1], [0, 0, 1, 1], [], []>, transpose_lhs_hint = false} : vector<1024x256xf32>, vector<256x256xf32>, vector<1024x256xf32> -> vector<1024x256xf32>
    %add3A_249 = arith.addf %add3A_242, %dot_general3A_248 : vector<1024x256xf32>
    %slice3A_250 = vector.extract_strided_slice %pad3A_194 {offsets = [2, 2, 0], sizes = [32, 32, 256], strides = [1, 1, 1]} : vector<34x34x256xf32> to vector<32x32x256xf32>
    %reshape3A_251 = vector.shape_cast %slice3A_250 : vector<32x32x256xf32> to vector<1024x256xf32>
    %slice3A_252 = vector.extract_strided_slice %get3A_180 {offsets = [8, 0, 0], sizes = [1, 256, 256], strides = [1, 1, 1]} : vector<9x256x256xf32> to vector<1x256x256xf32>
    %squeeze3A_253 = vector.shape_cast %slice3A_252 : vector<1x256x256xf32> to vector<256x256xf32>
    %dot_general3A_254 = arith.constant dense<0.000000e+00> : vector<1024x256xf32>
    %dot_general3A_255 = tpu.matmul %reshape3A_251, %squeeze3A_253, %dot_general3A_254 {dimension_numbers = #tpu.dot_dimension_numbers<[1], [0], [0], [1], [0, 0, 1, 1], [], []>, transpose_lhs_hint = false} : vector<1024x256xf32>, vector<256x256xf32>, vector<1024x256xf32> -> vector<1024x256xf32>
    %add3A_256 = arith.addf %add3A_249, %dot_general3A_255 : vector<1024x256xf32>
    %add3A_257 = vector.broadcast %get3A_183 : vector<1x256xf32> to vector<1024x256xf32>
    %add3A_258 = arith.addf %add3A_256, %add3A_257 : vector<1024x256xf32>
    %get3A_259 = arith.constant 0 : index
    %get3A_260 = arith.constant 0 : index
    %get3A_261 = arith.constant 0 : index
    %get3A_262 = vector.load %arg7[%get3A_259, %get3A_260, %get3A_261] : memref<9x256x256xf32, #tpu.memory_space<vmem>>, vector<9x256x256xf32>
    %get3A_263 = arith.constant 0 : index
    %get3A_264 = arith.constant 0 : index
    %get3A_265 = vector.load %arg8[%get3A_263, %get3A_264] : memref<1x256xf32, #tpu.memory_space<vmem>>, vector<1x256xf32>
    %get3A_266 = arith.constant 0 : index
    %get3A_267 = arith.constant 0 : index
    %get3A_268 = vector.load %arg9[%get3A_266, %get3A_267] : memref<256x256xf32, #tpu.memory_space<vmem>>, vector<256x256xf32>
    %get3A_269 = arith.constant 0 : index
    %get3A_270 = arith.constant 0 : index
    %get3A_271 = vector.load %arg10[%get3A_269, %get3A_270] : memref<1x256xf32, #tpu.memory_space<vmem>>, vector<1x256xf32>
    %max3A_272 = arith.constant 0.000000e+00 : f32
    %max3A_273 = vector.broadcast %max3A_272 : f32 to vector<1024x256xf32>
    %max3A_274 = arith.maximumf %add3A_258, %max3A_273 : vector<1024x256xf32>
    %reshape3A_275 = vector.shape_cast %max3A_274 : vector<1024x256xf32> to vector<32x32x256xf32>
    %jit3A_276 = arith.constant 0 : i32
    %convert_element_type3A_277 = arith.sitofp %jit3A_276 : i32 to f32
    %pad3A_278 = vector.broadcast %convert_element_type3A_277 : f32 to vector<1x32x256xf32>
    %pad3A_279 = tpu.concatenate %pad3A_278, %reshape3A_275 in 0 : vector<1x32x256xf32>, vector<32x32x256xf32> -> vector<33x32x256xf32>
    %pad3A_280 = vector.broadcast %convert_element_type3A_277 : f32 to vector<1x32x256xf32>
    %pad3A_281 = tpu.concatenate %pad3A_279, %pad3A_280 in 0 : vector<33x32x256xf32>, vector<1x32x256xf32> -> vector<34x32x256xf32>
    %pad3A_282 = vector.broadcast %convert_element_type3A_277 : f32 to vector<34x1x256xf32>
    %pad3A_283 = tpu.concatenate %pad3A_282, %pad3A_281 in 1 : vector<34x1x256xf32>, vector<34x32x256xf32> -> vector<34x33x256xf32>
    %pad3A_284 = vector.broadcast %convert_element_type3A_277 : f32 to vector<34x1x256xf32>
    %pad3A_285 = tpu.concatenate %pad3A_283, %pad3A_284 in 1 : vector<34x33x256xf32>, vector<34x1x256xf32> -> vector<34x34x256xf32>
    %slice3A_286 = vector.extract_strided_slice %pad3A_285 {offsets = [0, 0, 0], sizes = [32, 32, 256], strides = [1, 1, 1]} : vector<34x34x256xf32> to vector<32x32x256xf32>
    %reshape3A_287 = vector.shape_cast %slice3A_286 : vector<32x32x256xf32> to vector<1024x256xf32>
    %slice3A_288 = vector.extract_strided_slice %get3A_262 {offsets = [0, 0, 0], sizes = [1, 256, 256], strides = [1, 1, 1]} : vector<9x256x256xf32> to vector<1x256x256xf32>
    %squeeze3A_289 = vector.shape_cast %slice3A_288 : vector<1x256x256xf32> to vector<256x256xf32>
    %dot_general3A_290 = arith.constant dense<0.000000e+00> : vector<1024x256xf32>
    %dot_general3A_291 = tpu.matmul %reshape3A_287, %squeeze3A_289, %dot_general3A_290 {dimension_numbers = #tpu.dot_dimension_numbers<[1], [0], [0], [1], [0, 0, 1, 1], [], []>, transpose_lhs_hint = false} : vector<1024x256xf32>, vector<256x256xf32>, vector<1024x256xf32> -> vector<1024x256xf32>
    %slice3A_292 = vector.extract_strided_slice %pad3A_285 {offsets = [0, 1, 0], sizes = [32, 32, 256], strides = [1, 1, 1]} : vector<34x34x256xf32> to vector<32x32x256xf32>
    %reshape3A_293 = vector.shape_cast %slice3A_292 : vector<32x32x256xf32> to vector<1024x256xf32>
    %slice3A_294 = vector.extract_strided_slice %get3A_262 {offsets = [1, 0, 0], sizes = [1, 256, 256], strides = [1, 1, 1]} : vector<9x256x256xf32> to vector<1x256x256xf32>
    %squeeze3A_295 = vector.shape_cast %slice3A_294 : vector<1x256x256xf32> to vector<256x256xf32>
    %dot_general3A_296 = arith.constant dense<0.000000e+00> : vector<1024x256xf32>
    %dot_general3A_297 = tpu.matmul %reshape3A_293, %squeeze3A_295, %dot_general3A_296 {dimension_numbers = #tpu.dot_dimension_numbers<[1], [0], [0], [1], [0, 0, 1, 1], [], []>, transpose_lhs_hint = false} : vector<1024x256xf32>, vector<256x256xf32>, vector<1024x256xf32> -> vector<1024x256xf32>
    %add3A_298 = arith.addf %dot_general3A_291, %dot_general3A_297 : vector<1024x256xf32>
    %slice3A_299 = vector.extract_strided_slice %pad3A_285 {offsets = [0, 2, 0], sizes = [32, 32, 256], strides = [1, 1, 1]} : vector<34x34x256xf32> to vector<32x32x256xf32>
    %reshape3A_300 = vector.shape_cast %slice3A_299 : vector<32x32x256xf32> to vector<1024x256xf32>
    %slice3A_301 = vector.extract_strided_slice %get3A_262 {offsets = [2, 0, 0], sizes = [1, 256, 256], strides = [1, 1, 1]} : vector<9x256x256xf32> to vector<1x256x256xf32>
    %squeeze3A_302 = vector.shape_cast %slice3A_301 : vector<1x256x256xf32> to vector<256x256xf32>
    %dot_general3A_303 = arith.constant dense<0.000000e+00> : vector<1024x256xf32>
    %dot_general3A_304 = tpu.matmul %reshape3A_300, %squeeze3A_302, %dot_general3A_303 {dimension_numbers = #tpu.dot_dimension_numbers<[1], [0], [0], [1], [0, 0, 1, 1], [], []>, transpose_lhs_hint = false} : vector<1024x256xf32>, vector<256x256xf32>, vector<1024x256xf32> -> vector<1024x256xf32>
    %add3A_305 = arith.addf %add3A_298, %dot_general3A_304 : vector<1024x256xf32>
    %slice3A_306 = vector.extract_strided_slice %pad3A_285 {offsets = [1, 0, 0], sizes = [32, 32, 256], strides = [1, 1, 1]} : vector<34x34x256xf32> to vector<32x32x256xf32>
    %reshape3A_307 = vector.shape_cast %slice3A_306 : vector<32x32x256xf32> to vector<1024x256xf32>
    %slice3A_308 = vector.extract_strided_slice %get3A_262 {offsets = [3, 0, 0], sizes = [1, 256, 256], strides = [1, 1, 1]} : vector<9x256x256xf32> to vector<1x256x256xf32>
    %squeeze3A_309 = vector.shape_cast %slice3A_308 : vector<1x256x256xf32> to vector<256x256xf32>
    %dot_general3A_310 = arith.constant dense<0.000000e+00> : vector<1024x256xf32>
    %dot_general3A_311 = tpu.matmul %reshape3A_307, %squeeze3A_309, %dot_general3A_310 {dimension_numbers = #tpu.dot_dimension_numbers<[1], [0], [0], [1], [0, 0, 1, 1], [], []>, transpose_lhs_hint = false} : vector<1024x256xf32>, vector<256x256xf32>, vector<1024x256xf32> -> vector<1024x256xf32>
    %add3A_312 = arith.addf %add3A_305, %dot_general3A_311 : vector<1024x256xf32>
    %slice3A_313 = vector.extract_strided_slice %pad3A_285 {offsets = [1, 1, 0], sizes = [32, 32, 256], strides = [1, 1, 1]} : vector<34x34x256xf32> to vector<32x32x256xf32>
    %reshape3A_314 = vector.shape_cast %slice3A_313 : vector<32x32x256xf32> to vector<1024x256xf32>
    %slice3A_315 = vector.extract_strided_slice %get3A_262 {offsets = [4, 0, 0], sizes = [1, 256, 256], strides = [1, 1, 1]} : vector<9x256x256xf32> to vector<1x256x256xf32>
    %squeeze3A_316 = vector.shape_cast %slice3A_315 : vector<1x256x256xf32> to vector<256x256xf32>
    %dot_general3A_317 = arith.constant dense<0.000000e+00> : vector<1024x256xf32>
    %dot_general3A_318 = tpu.matmul %reshape3A_314, %squeeze3A_316, %dot_general3A_317 {dimension_numbers = #tpu.dot_dimension_numbers<[1], [0], [0], [1], [0, 0, 1, 1], [], []>, transpose_lhs_hint = false} : vector<1024x256xf32>, vector<256x256xf32>, vector<1024x256xf32> -> vector<1024x256xf32>
    %add3A_319 = arith.addf %add3A_312, %dot_general3A_318 : vector<1024x256xf32>
    %slice3A_320 = vector.extract_strided_slice %pad3A_285 {offsets = [1, 2, 0], sizes = [32, 32, 256], strides = [1, 1, 1]} : vector<34x34x256xf32> to vector<32x32x256xf32>
    %reshape3A_321 = vector.shape_cast %slice3A_320 : vector<32x32x256xf32> to vector<1024x256xf32>
    %slice3A_322 = vector.extract_strided_slice %get3A_262 {offsets = [5, 0, 0], sizes = [1, 256, 256], strides = [1, 1, 1]} : vector<9x256x256xf32> to vector<1x256x256xf32>
    %squeeze3A_323 = vector.shape_cast %slice3A_322 : vector<1x256x256xf32> to vector<256x256xf32>
    %dot_general3A_324 = arith.constant dense<0.000000e+00> : vector<1024x256xf32>
    %dot_general3A_325 = tpu.matmul %reshape3A_321, %squeeze3A_323, %dot_general3A_324 {dimension_numbers = #tpu.dot_dimension_numbers<[1], [0], [0], [1], [0, 0, 1, 1], [], []>, transpose_lhs_hint = false} : vector<1024x256xf32>, vector<256x256xf32>, vector<1024x256xf32> -> vector<1024x256xf32>
    %add3A_326 = arith.addf %add3A_319, %dot_general3A_325 : vector<1024x256xf32>
    %slice3A_327 = vector.extract_strided_slice %pad3A_285 {offsets = [2, 0, 0], sizes = [32, 32, 256], strides = [1, 1, 1]} : vector<34x34x256xf32> to vector<32x32x256xf32>
    %reshape3A_328 = vector.shape_cast %slice3A_327 : vector<32x32x256xf32> to vector<1024x256xf32>
    %slice3A_329 = vector.extract_strided_slice %get3A_262 {offsets = [6, 0, 0], sizes = [1, 256, 256], strides = [1, 1, 1]} : vector<9x256x256xf32> to vector<1x256x256xf32>
    %squeeze3A_330 = vector.shape_cast %slice3A_329 : vector<1x256x256xf32> to vector<256x256xf32>
    %dot_general3A_331 = arith.constant dense<0.000000e+00> : vector<1024x256xf32>
    %dot_general3A_332 = tpu.matmul %reshape3A_328, %squeeze3A_330, %dot_general3A_331 {dimension_numbers = #tpu.dot_dimension_numbers<[1], [0], [0], [1], [0, 0, 1, 1], [], []>, transpose_lhs_hint = false} : vector<1024x256xf32>, vector<256x256xf32>, vector<1024x256xf32> -> vector<1024x256xf32>
    %add3A_333 = arith.addf %add3A_326, %dot_general3A_332 : vector<1024x256xf32>
    %slice3A_334 = vector.extract_strided_slice %pad3A_285 {offsets = [2, 1, 0], sizes = [32, 32, 256], strides = [1, 1, 1]} : vector<34x34x256xf32> to vector<32x32x256xf32>
    %reshape3A_335 = vector.shape_cast %slice3A_334 : vector<32x32x256xf32> to vector<1024x256xf32>
    %slice3A_336 = vector.extract_strided_slice %get3A_262 {offsets = [7, 0, 0], sizes = [1, 256, 256], strides = [1, 1, 1]} : vector<9x256x256xf32> to vector<1x256x256xf32>
    %squeeze3A_337 = vector.shape_cast %slice3A_336 : vector<1x256x256xf32> to vector<256x256xf32>
    %dot_general3A_338 = arith.constant dense<0.000000e+00> : vector<1024x256xf32>
    %dot_general3A_339 = tpu.matmul %reshape3A_335, %squeeze3A_337, %dot_general3A_338 {dimension_numbers = #tpu.dot_dimension_numbers<[1], [0], [0], [1], [0, 0, 1, 1], [], []>, transpose_lhs_hint = false} : vector<1024x256xf32>, vector<256x256xf32>, vector<1024x256xf32> -> vector<1024x256xf32>
    %add3A_340 = arith.addf %add3A_333, %dot_general3A_339 : vector<1024x256xf32>
    %slice3A_341 = vector.extract_strided_slice %pad3A_285 {offsets = [2, 2, 0], sizes = [32, 32, 256], strides = [1, 1, 1]} : vector<34x34x256xf32> to vector<32x32x256xf32>
    %reshape3A_342 = vector.shape_cast %slice3A_341 : vector<32x32x256xf32> to vector<1024x256xf32>
    %slice3A_343 = vector.extract_strided_slice %get3A_262 {offsets = [8, 0, 0], sizes = [1, 256, 256], strides = [1, 1, 1]} : vector<9x256x256xf32> to vector<1x256x256xf32>
    %squeeze3A_344 = vector.shape_cast %slice3A_343 : vector<1x256x256xf32> to vector<256x256xf32>
    %dot_general3A_345 = arith.constant dense<0.000000e+00> : vector<1024x256xf32>
    %dot_general3A_346 = tpu.matmul %reshape3A_342, %squeeze3A_344, %dot_general3A_345 {dimension_numbers = #tpu.dot_dimension_numbers<[1], [0], [0], [1], [0, 0, 1, 1], [], []>, transpose_lhs_hint = false} : vector<1024x256xf32>, vector<256x256xf32>, vector<1024x256xf32> -> vector<1024x256xf32>
    %add3A_347 = arith.addf %add3A_340, %dot_general3A_346 : vector<1024x256xf32>
    %add3A_348 = vector.broadcast %get3A_265 : vector<1x256xf32> to vector<1024x256xf32>
    %add3A_349 = arith.addf %add3A_347, %add3A_348 : vector<1024x256xf32>
    %max3A_350 = arith.constant 0.000000e+00 : f32
    %max3A_351 = vector.broadcast %max3A_350 : f32 to vector<1024x256xf32>
    %max3A_352 = arith.maximumf %add3A_349, %max3A_351 : vector<1024x256xf32>
    %dot_general3A_353 = arith.constant dense<0.000000e+00> : vector<1024x256xf32>
    %dot_general3A_354 = tpu.matmul %max3A_352, %get3A_268, %dot_general3A_353 {dimension_numbers = #tpu.dot_dimension_numbers<[1], [0], [0], [1], [0, 0, 1, 1], [], []>, transpose_lhs_hint = false} : vector<1024x256xf32>, vector<256x256xf32>, vector<1024x256xf32> -> vector<1024x256xf32>
    %add3A_355 = arith.addf %add3A_258, %dot_general3A_354 : vector<1024x256xf32>
    %add3A_356 = vector.broadcast %get3A_271 : vector<1x256xf32> to vector<1024x256xf32>
    %add3A_357 = arith.addf %add3A_355, %add3A_356 : vector<1024x256xf32>
    %get3A_358 = arith.constant 0 : index
    %get3A_359 = arith.constant 0 : index
    %get3A_360 = arith.constant 0 : index
    %get3A_361 = vector.load %arg11[%get3A_358, %get3A_359, %get3A_360] : memref<9x256x256xf32, #tpu.memory_space<vmem>>, vector<9x256x256xf32>
    %get3A_362 = arith.constant 0 : index
    %get3A_363 = arith.constant 0 : index
    %get3A_364 = vector.load %arg12[%get3A_362, %get3A_363] : memref<1x256xf32, #tpu.memory_space<vmem>>, vector<1x256xf32>
    %get3A_365 = arith.constant 0 : index
    %get3A_366 = arith.constant 0 : index
    %get3A_367 = vector.load %arg13[%get3A_365, %get3A_366] : memref<256x256xf32, #tpu.memory_space<vmem>>, vector<256x256xf32>
    %get3A_368 = arith.constant 0 : index
    %get3A_369 = arith.constant 0 : index
    %get3A_370 = vector.load %arg14[%get3A_368, %get3A_369] : memref<1x256xf32, #tpu.memory_space<vmem>>, vector<1x256xf32>
    %max3A_371 = arith.constant 0.000000e+00 : f32
    %max3A_372 = vector.broadcast %max3A_371 : f32 to vector<1024x256xf32>
    %max3A_373 = arith.maximumf %add3A_357, %max3A_372 : vector<1024x256xf32>
    %reshape3A_374 = vector.shape_cast %max3A_373 : vector<1024x256xf32> to vector<32x32x256xf32>
    %jit3A_375 = arith.constant 0 : i32
    %convert_element_type3A_376 = arith.sitofp %jit3A_375 : i32 to f32
    %pad3A_377 = vector.broadcast %convert_element_type3A_376 : f32 to vector<1x32x256xf32>
    %pad3A_378 = tpu.concatenate %pad3A_377, %reshape3A_374 in 0 : vector<1x32x256xf32>, vector<32x32x256xf32> -> vector<33x32x256xf32>
    %pad3A_379 = vector.broadcast %convert_element_type3A_376 : f32 to vector<1x32x256xf32>
    %pad3A_380 = tpu.concatenate %pad3A_378, %pad3A_379 in 0 : vector<33x32x256xf32>, vector<1x32x256xf32> -> vector<34x32x256xf32>
    %pad3A_381 = vector.broadcast %convert_element_type3A_376 : f32 to vector<34x1x256xf32>
    %pad3A_382 = tpu.concatenate %pad3A_381, %pad3A_380 in 1 : vector<34x1x256xf32>, vector<34x32x256xf32> -> vector<34x33x256xf32>
    %pad3A_383 = vector.broadcast %convert_element_type3A_376 : f32 to vector<34x1x256xf32>
    %pad3A_384 = tpu.concatenate %pad3A_382, %pad3A_383 in 1 : vector<34x33x256xf32>, vector<34x1x256xf32> -> vector<34x34x256xf32>
    %slice3A_385 = vector.extract_strided_slice %pad3A_384 {offsets = [0, 0, 0], sizes = [32, 32, 256], strides = [1, 1, 1]} : vector<34x34x256xf32> to vector<32x32x256xf32>
    %reshape3A_386 = vector.shape_cast %slice3A_385 : vector<32x32x256xf32> to vector<1024x256xf32>
    %slice3A_387 = vector.extract_strided_slice %get3A_361 {offsets = [0, 0, 0], sizes = [1, 256, 256], strides = [1, 1, 1]} : vector<9x256x256xf32> to vector<1x256x256xf32>
    %squeeze3A_388 = vector.shape_cast %slice3A_387 : vector<1x256x256xf32> to vector<256x256xf32>
    %dot_general3A_389 = arith.constant dense<0.000000e+00> : vector<1024x256xf32>
    %dot_general3A_390 = tpu.matmul %reshape3A_386, %squeeze3A_388, %dot_general3A_389 {dimension_numbers = #tpu.dot_dimension_numbers<[1], [0], [0], [1], [0, 0, 1, 1], [], []>, transpose_lhs_hint = false} : vector<1024x256xf32>, vector<256x256xf32>, vector<1024x256xf32> -> vector<1024x256xf32>
    %slice3A_391 = vector.extract_strided_slice %pad3A_384 {offsets = [0, 1, 0], sizes = [32, 32, 256], strides = [1, 1, 1]} : vector<34x34x256xf32> to vector<32x32x256xf32>
    %reshape3A_392 = vector.shape_cast %slice3A_391 : vector<32x32x256xf32> to vector<1024x256xf32>
    %slice3A_393 = vector.extract_strided_slice %get3A_361 {offsets = [1, 0, 0], sizes = [1, 256, 256], strides = [1, 1, 1]} : vector<9x256x256xf32> to vector<1x256x256xf32>
    %squeeze3A_394 = vector.shape_cast %slice3A_393 : vector<1x256x256xf32> to vector<256x256xf32>
    %dot_general3A_395 = arith.constant dense<0.000000e+00> : vector<1024x256xf32>
    %dot_general3A_396 = tpu.matmul %reshape3A_392, %squeeze3A_394, %dot_general3A_395 {dimension_numbers = #tpu.dot_dimension_numbers<[1], [0], [0], [1], [0, 0, 1, 1], [], []>, transpose_lhs_hint = false} : vector<1024x256xf32>, vector<256x256xf32>, vector<1024x256xf32> -> vector<1024x256xf32>
    %add3A_397 = arith.addf %dot_general3A_390, %dot_general3A_396 : vector<1024x256xf32>
    %slice3A_398 = vector.extract_strided_slice %pad3A_384 {offsets = [0, 2, 0], sizes = [32, 32, 256], strides = [1, 1, 1]} : vector<34x34x256xf32> to vector<32x32x256xf32>
    %reshape3A_399 = vector.shape_cast %slice3A_398 : vector<32x32x256xf32> to vector<1024x256xf32>
    %slice3A_400 = vector.extract_strided_slice %get3A_361 {offsets = [2, 0, 0], sizes = [1, 256, 256], strides = [1, 1, 1]} : vector<9x256x256xf32> to vector<1x256x256xf32>
    %squeeze3A_401 = vector.shape_cast %slice3A_400 : vector<1x256x256xf32> to vector<256x256xf32>
    %dot_general3A_402 = arith.constant dense<0.000000e+00> : vector<1024x256xf32>
    %dot_general3A_403 = tpu.matmul %reshape3A_399, %squeeze3A_401, %dot_general3A_402 {dimension_numbers = #tpu.dot_dimension_numbers<[1], [0], [0], [1], [0, 0, 1, 1], [], []>, transpose_lhs_hint = false} : vector<1024x256xf32>, vector<256x256xf32>, vector<1024x256xf32> -> vector<1024x256xf32>
    %add3A_404 = arith.addf %add3A_397, %dot_general3A_403 : vector<1024x256xf32>
    %slice3A_405 = vector.extract_strided_slice %pad3A_384 {offsets = [1, 0, 0], sizes = [32, 32, 256], strides = [1, 1, 1]} : vector<34x34x256xf32> to vector<32x32x256xf32>
    %reshape3A_406 = vector.shape_cast %slice3A_405 : vector<32x32x256xf32> to vector<1024x256xf32>
    %slice3A_407 = vector.extract_strided_slice %get3A_361 {offsets = [3, 0, 0], sizes = [1, 256, 256], strides = [1, 1, 1]} : vector<9x256x256xf32> to vector<1x256x256xf32>
    %squeeze3A_408 = vector.shape_cast %slice3A_407 : vector<1x256x256xf32> to vector<256x256xf32>
    %dot_general3A_409 = arith.constant dense<0.000000e+00> : vector<1024x256xf32>
    %dot_general3A_410 = tpu.matmul %reshape3A_406, %squeeze3A_408, %dot_general3A_409 {dimension_numbers = #tpu.dot_dimension_numbers<[1], [0], [0], [1], [0, 0, 1, 1], [], []>, transpose_lhs_hint = false} : vector<1024x256xf32>, vector<256x256xf32>, vector<1024x256xf32> -> vector<1024x256xf32>
    %add3A_411 = arith.addf %add3A_404, %dot_general3A_410 : vector<1024x256xf32>
    %slice3A_412 = vector.extract_strided_slice %pad3A_384 {offsets = [1, 1, 0], sizes = [32, 32, 256], strides = [1, 1, 1]} : vector<34x34x256xf32> to vector<32x32x256xf32>
    %reshape3A_413 = vector.shape_cast %slice3A_412 : vector<32x32x256xf32> to vector<1024x256xf32>
    %slice3A_414 = vector.extract_strided_slice %get3A_361 {offsets = [4, 0, 0], sizes = [1, 256, 256], strides = [1, 1, 1]} : vector<9x256x256xf32> to vector<1x256x256xf32>
    %squeeze3A_415 = vector.shape_cast %slice3A_414 : vector<1x256x256xf32> to vector<256x256xf32>
    %dot_general3A_416 = arith.constant dense<0.000000e+00> : vector<1024x256xf32>
    %dot_general3A_417 = tpu.matmul %reshape3A_413, %squeeze3A_415, %dot_general3A_416 {dimension_numbers = #tpu.dot_dimension_numbers<[1], [0], [0], [1], [0, 0, 1, 1], [], []>, transpose_lhs_hint = false} : vector<1024x256xf32>, vector<256x256xf32>, vector<1024x256xf32> -> vector<1024x256xf32>
    %add3A_418 = arith.addf %add3A_411, %dot_general3A_417 : vector<1024x256xf32>
    %slice3A_419 = vector.extract_strided_slice %pad3A_384 {offsets = [1, 2, 0], sizes = [32, 32, 256], strides = [1, 1, 1]} : vector<34x34x256xf32> to vector<32x32x256xf32>
    %reshape3A_420 = vector.shape_cast %slice3A_419 : vector<32x32x256xf32> to vector<1024x256xf32>
    %slice3A_421 = vector.extract_strided_slice %get3A_361 {offsets = [5, 0, 0], sizes = [1, 256, 256], strides = [1, 1, 1]} : vector<9x256x256xf32> to vector<1x256x256xf32>
    %squeeze3A_422 = vector.shape_cast %slice3A_421 : vector<1x256x256xf32> to vector<256x256xf32>
    %dot_general3A_423 = arith.constant dense<0.000000e+00> : vector<1024x256xf32>
    %dot_general3A_424 = tpu.matmul %reshape3A_420, %squeeze3A_422, %dot_general3A_423 {dimension_numbers = #tpu.dot_dimension_numbers<[1], [0], [0], [1], [0, 0, 1, 1], [], []>, transpose_lhs_hint = false} : vector<1024x256xf32>, vector<256x256xf32>, vector<1024x256xf32> -> vector<1024x256xf32>
    %add3A_425 = arith.addf %add3A_418, %dot_general3A_424 : vector<1024x256xf32>
    %slice3A_426 = vector.extract_strided_slice %pad3A_384 {offsets = [2, 0, 0], sizes = [32, 32, 256], strides = [1, 1, 1]} : vector<34x34x256xf32> to vector<32x32x256xf32>
    %reshape3A_427 = vector.shape_cast %slice3A_426 : vector<32x32x256xf32> to vector<1024x256xf32>
    %slice3A_428 = vector.extract_strided_slice %get3A_361 {offsets = [6, 0, 0], sizes = [1, 256, 256], strides = [1, 1, 1]} : vector<9x256x256xf32> to vector<1x256x256xf32>
    %squeeze3A_429 = vector.shape_cast %slice3A_428 : vector<1x256x256xf32> to vector<256x256xf32>
    %dot_general3A_430 = arith.constant dense<0.000000e+00> : vector<1024x256xf32>
    %dot_general3A_431 = tpu.matmul %reshape3A_427, %squeeze3A_429, %dot_general3A_430 {dimension_numbers = #tpu.dot_dimension_numbers<[1], [0], [0], [1], [0, 0, 1, 1], [], []>, transpose_lhs_hint = false} : vector<1024x256xf32>, vector<256x256xf32>, vector<1024x256xf32> -> vector<1024x256xf32>
    %add3A_432 = arith.addf %add3A_425, %dot_general3A_431 : vector<1024x256xf32>
    %slice3A_433 = vector.extract_strided_slice %pad3A_384 {offsets = [2, 1, 0], sizes = [32, 32, 256], strides = [1, 1, 1]} : vector<34x34x256xf32> to vector<32x32x256xf32>
    %reshape3A_434 = vector.shape_cast %slice3A_433 : vector<32x32x256xf32> to vector<1024x256xf32>
    %slice3A_435 = vector.extract_strided_slice %get3A_361 {offsets = [7, 0, 0], sizes = [1, 256, 256], strides = [1, 1, 1]} : vector<9x256x256xf32> to vector<1x256x256xf32>
    %squeeze3A_436 = vector.shape_cast %slice3A_435 : vector<1x256x256xf32> to vector<256x256xf32>
    %dot_general3A_437 = arith.constant dense<0.000000e+00> : vector<1024x256xf32>
    %dot_general3A_438 = tpu.matmul %reshape3A_434, %squeeze3A_436, %dot_general3A_437 {dimension_numbers = #tpu.dot_dimension_numbers<[1], [0], [0], [1], [0, 0, 1, 1], [], []>, transpose_lhs_hint = false} : vector<1024x256xf32>, vector<256x256xf32>, vector<1024x256xf32> -> vector<1024x256xf32>
    %add3A_439 = arith.addf %add3A_432, %dot_general3A_438 : vector<1024x256xf32>
    %slice3A_440 = vector.extract_strided_slice %pad3A_384 {offsets = [2, 2, 0], sizes = [32, 32, 256], strides = [1, 1, 1]} : vector<34x34x256xf32> to vector<32x32x256xf32>
    %reshape3A_441 = vector.shape_cast %slice3A_440 : vector<32x32x256xf32> to vector<1024x256xf32>
    %slice3A_442 = vector.extract_strided_slice %get3A_361 {offsets = [8, 0, 0], sizes = [1, 256, 256], strides = [1, 1, 1]} : vector<9x256x256xf32> to vector<1x256x256xf32>
    %squeeze3A_443 = vector.shape_cast %slice3A_442 : vector<1x256x256xf32> to vector<256x256xf32>
    %dot_general3A_444 = arith.constant dense<0.000000e+00> : vector<1024x256xf32>
    %dot_general3A_445 = tpu.matmul %reshape3A_441, %squeeze3A_443, %dot_general3A_444 {dimension_numbers = #tpu.dot_dimension_numbers<[1], [0], [0], [1], [0, 0, 1, 1], [], []>, transpose_lhs_hint = false} : vector<1024x256xf32>, vector<256x256xf32>, vector<1024x256xf32> -> vector<1024x256xf32>
    %add3A_446 = arith.addf %add3A_439, %dot_general3A_445 : vector<1024x256xf32>
    %add3A_447 = vector.broadcast %get3A_364 : vector<1x256xf32> to vector<1024x256xf32>
    %add3A_448 = arith.addf %add3A_446, %add3A_447 : vector<1024x256xf32>
    %max3A_449 = arith.constant 0.000000e+00 : f32
    %max3A_450 = vector.broadcast %max3A_449 : f32 to vector<1024x256xf32>
    %max3A_451 = arith.maximumf %add3A_448, %max3A_450 : vector<1024x256xf32>
    %dot_general3A_452 = arith.constant dense<0.000000e+00> : vector<1024x256xf32>
    %dot_general3A_453 = tpu.matmul %max3A_451, %get3A_367, %dot_general3A_452 {dimension_numbers = #tpu.dot_dimension_numbers<[1], [0], [0], [1], [0, 0, 1, 1], [], []>, transpose_lhs_hint = false} : vector<1024x256xf32>, vector<256x256xf32>, vector<1024x256xf32> -> vector<1024x256xf32>
    %add3A_454 = arith.addf %add3A_357, %dot_general3A_453 : vector<1024x256xf32>
    %add3A_455 = vector.broadcast %get3A_370 : vector<1x256xf32> to vector<1024x256xf32>
    %add3A_456 = arith.addf %add3A_454, %add3A_455 : vector<1024x256xf32>
    %swap3A = arith.constant 0 : index
    %swap3A_457 = arith.constant 0 : index
    %swap3A_458 = vector.load %arg16[%swap3A, %swap3A_457] : memref<1024x256xf32, #tpu.memory_space<vmem>>, vector<1024x256xf32>
    tpu.vector_store %arg16[%swap3A, %swap3A_457], %add3A_456 {strides = array<i32>} : memref<1024x256xf32, #tpu.memory_space<vmem>>, vector<1024x256xf32>,
    %get3A_459 = arith.constant 0 : index
    %get3A_460 = arith.constant 0 : index
    %get3A_461 = vector.load %arg15[%get3A_459, %get3A_460] : memref<256x1024xf32, #tpu.memory_space<vmem>>, vector<256x1024xf32>
    %mul3A = arith.mulf %get3A_461, %get3A_461 : vector<256x1024xf32>
    %reduce_sum3A = arith.constant dense<0.000000e+00> : vector<1024xf32>
    %reduce_sum3A_462 = vector.multi_reduction <add>, %mul3A, %reduce_sum3A [0] : vector<256x1024xf32> to vector<1024xf32>
    %broadcast_in_dim3A = vector.shape_cast %reduce_sum3A_462 : vector<1024xf32> to vector<1x1024xf32>
    %dot_general3A_463 = arith.constant dense<0.000000e+00> : vector<1024x1024xf32>
    %dot_general3A_464 = tpu.matmul %add3A_456, %get3A_461, %dot_general3A_463 {dimension_numbers = #tpu.dot_dimension_numbers<[1], [0], [0], [1], [0, 0, 1, 1], [], []>, transpose_lhs_hint = false} : vector<1024x256xf32>, vector<256x1024xf32>, vector<1024x1024xf32> -> vector<1024x1024xf32>
    %mul3A_465 = arith.constant 2.000000e+00 : f32
    %mul3A_466 = vector.broadcast %mul3A_465 : f32 to vector<1024x1024xf32>
    %mul3A_467 = arith.mulf %mul3A_466, %dot_general3A_464 : vector<1024x1024xf32>
    %sub3A = vector.broadcast %broadcast_in_dim3A : vector<1x1024xf32> to vector<1024x1024xf32>
    %sub3A_468 = arith.subf %sub3A, %mul3A_467 : vector<1024x1024xf32>
    %reduce_min3A = arith.constant dense<0x7F800000> : vector<1024xf32>
    %reduce_min3A_469 = vector.multi_reduction <minimumf>, %sub3A_468, %reduce_min3A [1] : vector<1024x1024xf32> to vector<1024xf32>
    %broadcast_in_dim3A_470 = vector.shape_cast %reduce_min3A_469 : vector<1024xf32> to vector<1024x1xf32>
    %iota3A = tpu.iota {dimensions = array<i32: 1>} : vector<1024x1024xi32>
    %eq3A = vector.broadcast %broadcast_in_dim3A_470 : vector<1024x1xf32> to vector<1024x1024xf32>
    %eq3A_471 = arith.cmpf oeq, %sub3A_468, %eq3A : vector<1024x1024xf32>
    %jit3A_472 = arith.constant 1073741824 : i32
    %broadcast_in_dim3A_473 = vector.broadcast %jit3A_472 : i32 to vector<1024x1024xi32>
    %select_n3A = arith.select %eq3A_471, %iota3A, %broadcast_in_dim3A_473 : vector<1024x1024xi1>, vector<1024x1024xi32>
    %reduce_min3A_474 = arith.constant dense<2147483647> : vector<1024xi32>
    %reduce_min3A_475 = vector.multi_reduction <minsi>, %select_n3A, %reduce_min3A_474 [1] : vector<1024x1024xi32> to vector<1024xi32>
    %broadcast_in_dim3A_476 = vector.shape_cast %reduce_min3A_475 : vector<1024xi32> to vector<1024x1xi32>
    %swap3A_477 = arith.constant 0 : index
    %swap3A_478 = arith.constant 0 : index
    %swap3A_479 = vector.load %arg17[%swap3A_477, %swap3A_478] : memref<1024x1xi32, #tpu.memory_space<vmem>>, vector<1024x1xi32>
    tpu.vector_store %arg17[%swap3A_477, %swap3A_478], %broadcast_in_dim3A_476 {strides = array<i32>} : memref<1024x1xi32, #tpu.memory_space<vmem>>, vector<1024x1xi32>,
    return
  }
}

module attributes {stable_mosaic.version = 14 : i64} {
  func.func @_dec_body(%arg0: memref<1024x256xf32, #tpu.memory_space<vmem>>, %arg1: memref<9x256x256xf32, #tpu.memory_space<vmem>>, %arg2: memref<1x256xf32, #tpu.memory_space<vmem>>, %arg3: memref<9x256x256xf32, #tpu.memory_space<vmem>>, %arg4: memref<1x256xf32, #tpu.memory_space<vmem>>, %arg5: memref<256x256xf32, #tpu.memory_space<vmem>>, %arg6: memref<1x256xf32, #tpu.memory_space<vmem>>, %arg7: memref<9x256x256xf32, #tpu.memory_space<vmem>>, %arg8: memref<1x256xf32, #tpu.memory_space<vmem>>, %arg9: memref<256x256xf32, #tpu.memory_space<vmem>>, %arg10: memref<1x256xf32, #tpu.memory_space<vmem>>, %arg11: memref<16x256x128xf32, #tpu.memory_space<vmem>>, %arg12: memref<1x128xf32, #tpu.memory_space<vmem>>, %arg13: memref<16x128x3xf32, #tpu.memory_space<vmem>>, %arg14: memref<1x3xf32, #tpu.memory_space<vmem>>, %arg15: memref<1024x48xf32, #tpu.memory_space<vmem>>) attributes {dimension_semantics = [], scalar_prefetch = 0 : i64, scratch_operands = 0 : i64, tpu.core_type = #tpu.core_type<tc>} {
    %get3A = arith.constant 0 : index
    %get3A_0 = arith.constant 0 : index
    %get3A_1 = vector.load %arg0[%get3A, %get3A_0] : memref<1024x256xf32, #tpu.memory_space<vmem>>, vector<1024x256xf32>
    %get3A_2 = arith.constant 0 : index
    %get3A_3 = arith.constant 0 : index
    %get3A_4 = arith.constant 0 : index
    %get3A_5 = vector.load %arg1[%get3A_2, %get3A_3, %get3A_4] : memref<9x256x256xf32, #tpu.memory_space<vmem>>, vector<9x256x256xf32>
    %get3A_6 = arith.constant 0 : index
    %get3A_7 = arith.constant 0 : index
    %get3A_8 = vector.load %arg2[%get3A_6, %get3A_7] : memref<1x256xf32, #tpu.memory_space<vmem>>, vector<1x256xf32>
    %reshape3A = vector.shape_cast %get3A_1 : vector<1024x256xf32> to vector<32x32x256xf32>
    %jit3A = arith.constant 0 : i32
    %convert_element_type3A = arith.sitofp %jit3A : i32 to f32
    %pad3A = vector.broadcast %convert_element_type3A : f32 to vector<1x32x256xf32>
    %pad3A_9 = tpu.concatenate %pad3A, %reshape3A in 0 : vector<1x32x256xf32>, vector<32x32x256xf32> -> vector<33x32x256xf32>
    %pad3A_10 = vector.broadcast %convert_element_type3A : f32 to vector<1x32x256xf32>
    %pad3A_11 = tpu.concatenate %pad3A_9, %pad3A_10 in 0 : vector<33x32x256xf32>, vector<1x32x256xf32> -> vector<34x32x256xf32>
    %pad3A_12 = vector.broadcast %convert_element_type3A : f32 to vector<34x1x256xf32>
    %pad3A_13 = tpu.concatenate %pad3A_12, %pad3A_11 in 1 : vector<34x1x256xf32>, vector<34x32x256xf32> -> vector<34x33x256xf32>
    %pad3A_14 = vector.broadcast %convert_element_type3A : f32 to vector<34x1x256xf32>
    %pad3A_15 = tpu.concatenate %pad3A_13, %pad3A_14 in 1 : vector<34x33x256xf32>, vector<34x1x256xf32> -> vector<34x34x256xf32>
    %slice3A = vector.extract_strided_slice %pad3A_15 {offsets = [0, 0, 0], sizes = [32, 32, 256], strides = [1, 1, 1]} : vector<34x34x256xf32> to vector<32x32x256xf32>
    %reshape3A_16 = vector.shape_cast %slice3A : vector<32x32x256xf32> to vector<1024x256xf32>
    %slice3A_17 = vector.extract_strided_slice %get3A_5 {offsets = [0, 0, 0], sizes = [1, 256, 256], strides = [1, 1, 1]} : vector<9x256x256xf32> to vector<1x256x256xf32>
    %squeeze3A = vector.shape_cast %slice3A_17 : vector<1x256x256xf32> to vector<256x256xf32>
    %convert_element_type3A_18 = arith.truncf %reshape3A_16 : vector<1024x256xf32> to vector<1024x256xbf16>
    %convert_element_type3A_19 = arith.truncf %squeeze3A : vector<256x256xf32> to vector<256x256xbf16>
    %dot_general3A = arith.constant dense<0.000000e+00> : vector<1024x256xf32>
    %dot_general3A_20 = tpu.matmul %convert_element_type3A_18, %convert_element_type3A_19, %dot_general3A {dimension_numbers = #tpu.dot_dimension_numbers<[1], [0], [0], [1], [0, 0, 1, 1], [], []>, transpose_lhs_hint = false} : vector<1024x256xbf16>, vector<256x256xbf16>, vector<1024x256xf32> -> vector<1024x256xf32>
    %slice3A_21 = vector.extract_strided_slice %pad3A_15 {offsets = [0, 1, 0], sizes = [32, 32, 256], strides = [1, 1, 1]} : vector<34x34x256xf32> to vector<32x32x256xf32>
    %reshape3A_22 = vector.shape_cast %slice3A_21 : vector<32x32x256xf32> to vector<1024x256xf32>
    %slice3A_23 = vector.extract_strided_slice %get3A_5 {offsets = [1, 0, 0], sizes = [1, 256, 256], strides = [1, 1, 1]} : vector<9x256x256xf32> to vector<1x256x256xf32>
    %squeeze3A_24 = vector.shape_cast %slice3A_23 : vector<1x256x256xf32> to vector<256x256xf32>
    %convert_element_type3A_25 = arith.truncf %reshape3A_22 : vector<1024x256xf32> to vector<1024x256xbf16>
    %convert_element_type3A_26 = arith.truncf %squeeze3A_24 : vector<256x256xf32> to vector<256x256xbf16>
    %dot_general3A_27 = arith.constant dense<0.000000e+00> : vector<1024x256xf32>
    %dot_general3A_28 = tpu.matmul %convert_element_type3A_25, %convert_element_type3A_26, %dot_general3A_27 {dimension_numbers = #tpu.dot_dimension_numbers<[1], [0], [0], [1], [0, 0, 1, 1], [], []>, transpose_lhs_hint = false} : vector<1024x256xbf16>, vector<256x256xbf16>, vector<1024x256xf32> -> vector<1024x256xf32>
    %add3A = arith.addf %dot_general3A_20, %dot_general3A_28 : vector<1024x256xf32>
    %slice3A_29 = vector.extract_strided_slice %pad3A_15 {offsets = [0, 2, 0], sizes = [32, 32, 256], strides = [1, 1, 1]} : vector<34x34x256xf32> to vector<32x32x256xf32>
    %reshape3A_30 = vector.shape_cast %slice3A_29 : vector<32x32x256xf32> to vector<1024x256xf32>
    %slice3A_31 = vector.extract_strided_slice %get3A_5 {offsets = [2, 0, 0], sizes = [1, 256, 256], strides = [1, 1, 1]} : vector<9x256x256xf32> to vector<1x256x256xf32>
    %squeeze3A_32 = vector.shape_cast %slice3A_31 : vector<1x256x256xf32> to vector<256x256xf32>
    %convert_element_type3A_33 = arith.truncf %reshape3A_30 : vector<1024x256xf32> to vector<1024x256xbf16>
    %convert_element_type3A_34 = arith.truncf %squeeze3A_32 : vector<256x256xf32> to vector<256x256xbf16>
    %dot_general3A_35 = arith.constant dense<0.000000e+00> : vector<1024x256xf32>
    %dot_general3A_36 = tpu.matmul %convert_element_type3A_33, %convert_element_type3A_34, %dot_general3A_35 {dimension_numbers = #tpu.dot_dimension_numbers<[1], [0], [0], [1], [0, 0, 1, 1], [], []>, transpose_lhs_hint = false} : vector<1024x256xbf16>, vector<256x256xbf16>, vector<1024x256xf32> -> vector<1024x256xf32>
    %add3A_37 = arith.addf %add3A, %dot_general3A_36 : vector<1024x256xf32>
    %slice3A_38 = vector.extract_strided_slice %pad3A_15 {offsets = [1, 0, 0], sizes = [32, 32, 256], strides = [1, 1, 1]} : vector<34x34x256xf32> to vector<32x32x256xf32>
    %reshape3A_39 = vector.shape_cast %slice3A_38 : vector<32x32x256xf32> to vector<1024x256xf32>
    %slice3A_40 = vector.extract_strided_slice %get3A_5 {offsets = [3, 0, 0], sizes = [1, 256, 256], strides = [1, 1, 1]} : vector<9x256x256xf32> to vector<1x256x256xf32>
    %squeeze3A_41 = vector.shape_cast %slice3A_40 : vector<1x256x256xf32> to vector<256x256xf32>
    %convert_element_type3A_42 = arith.truncf %reshape3A_39 : vector<1024x256xf32> to vector<1024x256xbf16>
    %convert_element_type3A_43 = arith.truncf %squeeze3A_41 : vector<256x256xf32> to vector<256x256xbf16>
    %dot_general3A_44 = arith.constant dense<0.000000e+00> : vector<1024x256xf32>
    %dot_general3A_45 = tpu.matmul %convert_element_type3A_42, %convert_element_type3A_43, %dot_general3A_44 {dimension_numbers = #tpu.dot_dimension_numbers<[1], [0], [0], [1], [0, 0, 1, 1], [], []>, transpose_lhs_hint = false} : vector<1024x256xbf16>, vector<256x256xbf16>, vector<1024x256xf32> -> vector<1024x256xf32>
    %add3A_46 = arith.addf %add3A_37, %dot_general3A_45 : vector<1024x256xf32>
    %slice3A_47 = vector.extract_strided_slice %pad3A_15 {offsets = [1, 1, 0], sizes = [32, 32, 256], strides = [1, 1, 1]} : vector<34x34x256xf32> to vector<32x32x256xf32>
    %reshape3A_48 = vector.shape_cast %slice3A_47 : vector<32x32x256xf32> to vector<1024x256xf32>
    %slice3A_49 = vector.extract_strided_slice %get3A_5 {offsets = [4, 0, 0], sizes = [1, 256, 256], strides = [1, 1, 1]} : vector<9x256x256xf32> to vector<1x256x256xf32>
    %squeeze3A_50 = vector.shape_cast %slice3A_49 : vector<1x256x256xf32> to vector<256x256xf32>
    %convert_element_type3A_51 = arith.truncf %reshape3A_48 : vector<1024x256xf32> to vector<1024x256xbf16>
    %convert_element_type3A_52 = arith.truncf %squeeze3A_50 : vector<256x256xf32> to vector<256x256xbf16>
    %dot_general3A_53 = arith.constant dense<0.000000e+00> : vector<1024x256xf32>
    %dot_general3A_54 = tpu.matmul %convert_element_type3A_51, %convert_element_type3A_52, %dot_general3A_53 {dimension_numbers = #tpu.dot_dimension_numbers<[1], [0], [0], [1], [0, 0, 1, 1], [], []>, transpose_lhs_hint = false} : vector<1024x256xbf16>, vector<256x256xbf16>, vector<1024x256xf32> -> vector<1024x256xf32>
    %add3A_55 = arith.addf %add3A_46, %dot_general3A_54 : vector<1024x256xf32>
    %slice3A_56 = vector.extract_strided_slice %pad3A_15 {offsets = [1, 2, 0], sizes = [32, 32, 256], strides = [1, 1, 1]} : vector<34x34x256xf32> to vector<32x32x256xf32>
    %reshape3A_57 = vector.shape_cast %slice3A_56 : vector<32x32x256xf32> to vector<1024x256xf32>
    %slice3A_58 = vector.extract_strided_slice %get3A_5 {offsets = [5, 0, 0], sizes = [1, 256, 256], strides = [1, 1, 1]} : vector<9x256x256xf32> to vector<1x256x256xf32>
    %squeeze3A_59 = vector.shape_cast %slice3A_58 : vector<1x256x256xf32> to vector<256x256xf32>
    %convert_element_type3A_60 = arith.truncf %reshape3A_57 : vector<1024x256xf32> to vector<1024x256xbf16>
    %convert_element_type3A_61 = arith.truncf %squeeze3A_59 : vector<256x256xf32> to vector<256x256xbf16>
    %dot_general3A_62 = arith.constant dense<0.000000e+00> : vector<1024x256xf32>
    %dot_general3A_63 = tpu.matmul %convert_element_type3A_60, %convert_element_type3A_61, %dot_general3A_62 {dimension_numbers = #tpu.dot_dimension_numbers<[1], [0], [0], [1], [0, 0, 1, 1], [], []>, transpose_lhs_hint = false} : vector<1024x256xbf16>, vector<256x256xbf16>, vector<1024x256xf32> -> vector<1024x256xf32>
    %add3A_64 = arith.addf %add3A_55, %dot_general3A_63 : vector<1024x256xf32>
    %slice3A_65 = vector.extract_strided_slice %pad3A_15 {offsets = [2, 0, 0], sizes = [32, 32, 256], strides = [1, 1, 1]} : vector<34x34x256xf32> to vector<32x32x256xf32>
    %reshape3A_66 = vector.shape_cast %slice3A_65 : vector<32x32x256xf32> to vector<1024x256xf32>
    %slice3A_67 = vector.extract_strided_slice %get3A_5 {offsets = [6, 0, 0], sizes = [1, 256, 256], strides = [1, 1, 1]} : vector<9x256x256xf32> to vector<1x256x256xf32>
    %squeeze3A_68 = vector.shape_cast %slice3A_67 : vector<1x256x256xf32> to vector<256x256xf32>
    %convert_element_type3A_69 = arith.truncf %reshape3A_66 : vector<1024x256xf32> to vector<1024x256xbf16>
    %convert_element_type3A_70 = arith.truncf %squeeze3A_68 : vector<256x256xf32> to vector<256x256xbf16>
    %dot_general3A_71 = arith.constant dense<0.000000e+00> : vector<1024x256xf32>
    %dot_general3A_72 = tpu.matmul %convert_element_type3A_69, %convert_element_type3A_70, %dot_general3A_71 {dimension_numbers = #tpu.dot_dimension_numbers<[1], [0], [0], [1], [0, 0, 1, 1], [], []>, transpose_lhs_hint = false} : vector<1024x256xbf16>, vector<256x256xbf16>, vector<1024x256xf32> -> vector<1024x256xf32>
    %add3A_73 = arith.addf %add3A_64, %dot_general3A_72 : vector<1024x256xf32>
    %slice3A_74 = vector.extract_strided_slice %pad3A_15 {offsets = [2, 1, 0], sizes = [32, 32, 256], strides = [1, 1, 1]} : vector<34x34x256xf32> to vector<32x32x256xf32>
    %reshape3A_75 = vector.shape_cast %slice3A_74 : vector<32x32x256xf32> to vector<1024x256xf32>
    %slice3A_76 = vector.extract_strided_slice %get3A_5 {offsets = [7, 0, 0], sizes = [1, 256, 256], strides = [1, 1, 1]} : vector<9x256x256xf32> to vector<1x256x256xf32>
    %squeeze3A_77 = vector.shape_cast %slice3A_76 : vector<1x256x256xf32> to vector<256x256xf32>
    %convert_element_type3A_78 = arith.truncf %reshape3A_75 : vector<1024x256xf32> to vector<1024x256xbf16>
    %convert_element_type3A_79 = arith.truncf %squeeze3A_77 : vector<256x256xf32> to vector<256x256xbf16>
    %dot_general3A_80 = arith.constant dense<0.000000e+00> : vector<1024x256xf32>
    %dot_general3A_81 = tpu.matmul %convert_element_type3A_78, %convert_element_type3A_79, %dot_general3A_80 {dimension_numbers = #tpu.dot_dimension_numbers<[1], [0], [0], [1], [0, 0, 1, 1], [], []>, transpose_lhs_hint = false} : vector<1024x256xbf16>, vector<256x256xbf16>, vector<1024x256xf32> -> vector<1024x256xf32>
    %add3A_82 = arith.addf %add3A_73, %dot_general3A_81 : vector<1024x256xf32>
    %slice3A_83 = vector.extract_strided_slice %pad3A_15 {offsets = [2, 2, 0], sizes = [32, 32, 256], strides = [1, 1, 1]} : vector<34x34x256xf32> to vector<32x32x256xf32>
    %reshape3A_84 = vector.shape_cast %slice3A_83 : vector<32x32x256xf32> to vector<1024x256xf32>
    %slice3A_85 = vector.extract_strided_slice %get3A_5 {offsets = [8, 0, 0], sizes = [1, 256, 256], strides = [1, 1, 1]} : vector<9x256x256xf32> to vector<1x256x256xf32>
    %squeeze3A_86 = vector.shape_cast %slice3A_85 : vector<1x256x256xf32> to vector<256x256xf32>
    %convert_element_type3A_87 = arith.truncf %reshape3A_84 : vector<1024x256xf32> to vector<1024x256xbf16>
    %convert_element_type3A_88 = arith.truncf %squeeze3A_86 : vector<256x256xf32> to vector<256x256xbf16>
    %dot_general3A_89 = arith.constant dense<0.000000e+00> : vector<1024x256xf32>
    %dot_general3A_90 = tpu.matmul %convert_element_type3A_87, %convert_element_type3A_88, %dot_general3A_89 {dimension_numbers = #tpu.dot_dimension_numbers<[1], [0], [0], [1], [0, 0, 1, 1], [], []>, transpose_lhs_hint = false} : vector<1024x256xbf16>, vector<256x256xbf16>, vector<1024x256xf32> -> vector<1024x256xf32>
    %add3A_91 = arith.addf %add3A_82, %dot_general3A_90 : vector<1024x256xf32>
    %add3A_92 = vector.broadcast %get3A_8 : vector<1x256xf32> to vector<1024x256xf32>
    %add3A_93 = arith.addf %add3A_91, %add3A_92 : vector<1024x256xf32>
    %get3A_94 = arith.constant 0 : index
    %get3A_95 = arith.constant 0 : index
    %get3A_96 = arith.constant 0 : index
    %get3A_97 = vector.load %arg3[%get3A_94, %get3A_95, %get3A_96] : memref<9x256x256xf32, #tpu.memory_space<vmem>>, vector<9x256x256xf32>
    %get3A_98 = arith.constant 0 : index
    %get3A_99 = arith.constant 0 : index
    %get3A_100 = vector.load %arg4[%get3A_98, %get3A_99] : memref<1x256xf32, #tpu.memory_space<vmem>>, vector<1x256xf32>
    %get3A_101 = arith.constant 0 : index
    %get3A_102 = arith.constant 0 : index
    %get3A_103 = vector.load %arg5[%get3A_101, %get3A_102] : memref<256x256xf32, #tpu.memory_space<vmem>>, vector<256x256xf32>
    %get3A_104 = arith.constant 0 : index
    %get3A_105 = arith.constant 0 : index
    %get3A_106 = vector.load %arg6[%get3A_104, %get3A_105] : memref<1x256xf32, #tpu.memory_space<vmem>>, vector<1x256xf32>
    %max3A = arith.constant 0.000000e+00 : f32
    %max3A_107 = vector.broadcast %max3A : f32 to vector<1024x256xf32>
    %max3A_108 = arith.maximumf %add3A_93, %max3A_107 : vector<1024x256xf32>
    %reshape3A_109 = vector.shape_cast %max3A_108 : vector<1024x256xf32> to vector<32x32x256xf32>
    %jit3A_110 = arith.constant 0 : i32
    %convert_element_type3A_111 = arith.sitofp %jit3A_110 : i32 to f32
    %pad3A_112 = vector.broadcast %convert_element_type3A_111 : f32 to vector<1x32x256xf32>
    %pad3A_113 = tpu.concatenate %pad3A_112, %reshape3A_109 in 0 : vector<1x32x256xf32>, vector<32x32x256xf32> -> vector<33x32x256xf32>
    %pad3A_114 = vector.broadcast %convert_element_type3A_111 : f32 to vector<1x32x256xf32>
    %pad3A_115 = tpu.concatenate %pad3A_113, %pad3A_114 in 0 : vector<33x32x256xf32>, vector<1x32x256xf32> -> vector<34x32x256xf32>
    %pad3A_116 = vector.broadcast %convert_element_type3A_111 : f32 to vector<34x1x256xf32>
    %pad3A_117 = tpu.concatenate %pad3A_116, %pad3A_115 in 1 : vector<34x1x256xf32>, vector<34x32x256xf32> -> vector<34x33x256xf32>
    %pad3A_118 = vector.broadcast %convert_element_type3A_111 : f32 to vector<34x1x256xf32>
    %pad3A_119 = tpu.concatenate %pad3A_117, %pad3A_118 in 1 : vector<34x33x256xf32>, vector<34x1x256xf32> -> vector<34x34x256xf32>
    %slice3A_120 = vector.extract_strided_slice %pad3A_119 {offsets = [0, 0, 0], sizes = [32, 32, 256], strides = [1, 1, 1]} : vector<34x34x256xf32> to vector<32x32x256xf32>
    %reshape3A_121 = vector.shape_cast %slice3A_120 : vector<32x32x256xf32> to vector<1024x256xf32>
    %slice3A_122 = vector.extract_strided_slice %get3A_97 {offsets = [0, 0, 0], sizes = [1, 256, 256], strides = [1, 1, 1]} : vector<9x256x256xf32> to vector<1x256x256xf32>
    %squeeze3A_123 = vector.shape_cast %slice3A_122 : vector<1x256x256xf32> to vector<256x256xf32>
    %convert_element_type3A_124 = arith.truncf %reshape3A_121 : vector<1024x256xf32> to vector<1024x256xbf16>
    %convert_element_type3A_125 = arith.truncf %squeeze3A_123 : vector<256x256xf32> to vector<256x256xbf16>
    %dot_general3A_126 = arith.constant dense<0.000000e+00> : vector<1024x256xf32>
    %dot_general3A_127 = tpu.matmul %convert_element_type3A_124, %convert_element_type3A_125, %dot_general3A_126 {dimension_numbers = #tpu.dot_dimension_numbers<[1], [0], [0], [1], [0, 0, 1, 1], [], []>, transpose_lhs_hint = false} : vector<1024x256xbf16>, vector<256x256xbf16>, vector<1024x256xf32> -> vector<1024x256xf32>
    %slice3A_128 = vector.extract_strided_slice %pad3A_119 {offsets = [0, 1, 0], sizes = [32, 32, 256], strides = [1, 1, 1]} : vector<34x34x256xf32> to vector<32x32x256xf32>
    %reshape3A_129 = vector.shape_cast %slice3A_128 : vector<32x32x256xf32> to vector<1024x256xf32>
    %slice3A_130 = vector.extract_strided_slice %get3A_97 {offsets = [1, 0, 0], sizes = [1, 256, 256], strides = [1, 1, 1]} : vector<9x256x256xf32> to vector<1x256x256xf32>
    %squeeze3A_131 = vector.shape_cast %slice3A_130 : vector<1x256x256xf32> to vector<256x256xf32>
    %convert_element_type3A_132 = arith.truncf %reshape3A_129 : vector<1024x256xf32> to vector<1024x256xbf16>
    %convert_element_type3A_133 = arith.truncf %squeeze3A_131 : vector<256x256xf32> to vector<256x256xbf16>
    %dot_general3A_134 = arith.constant dense<0.000000e+00> : vector<1024x256xf32>
    %dot_general3A_135 = tpu.matmul %convert_element_type3A_132, %convert_element_type3A_133, %dot_general3A_134 {dimension_numbers = #tpu.dot_dimension_numbers<[1], [0], [0], [1], [0, 0, 1, 1], [], []>, transpose_lhs_hint = false} : vector<1024x256xbf16>, vector<256x256xbf16>, vector<1024x256xf32> -> vector<1024x256xf32>
    %add3A_136 = arith.addf %dot_general3A_127, %dot_general3A_135 : vector<1024x256xf32>
    %slice3A_137 = vector.extract_strided_slice %pad3A_119 {offsets = [0, 2, 0], sizes = [32, 32, 256], strides = [1, 1, 1]} : vector<34x34x256xf32> to vector<32x32x256xf32>
    %reshape3A_138 = vector.shape_cast %slice3A_137 : vector<32x32x256xf32> to vector<1024x256xf32>
    %slice3A_139 = vector.extract_strided_slice %get3A_97 {offsets = [2, 0, 0], sizes = [1, 256, 256], strides = [1, 1, 1]} : vector<9x256x256xf32> to vector<1x256x256xf32>
    %squeeze3A_140 = vector.shape_cast %slice3A_139 : vector<1x256x256xf32> to vector<256x256xf32>
    %convert_element_type3A_141 = arith.truncf %reshape3A_138 : vector<1024x256xf32> to vector<1024x256xbf16>
    %convert_element_type3A_142 = arith.truncf %squeeze3A_140 : vector<256x256xf32> to vector<256x256xbf16>
    %dot_general3A_143 = arith.constant dense<0.000000e+00> : vector<1024x256xf32>
    %dot_general3A_144 = tpu.matmul %convert_element_type3A_141, %convert_element_type3A_142, %dot_general3A_143 {dimension_numbers = #tpu.dot_dimension_numbers<[1], [0], [0], [1], [0, 0, 1, 1], [], []>, transpose_lhs_hint = false} : vector<1024x256xbf16>, vector<256x256xbf16>, vector<1024x256xf32> -> vector<1024x256xf32>
    %add3A_145 = arith.addf %add3A_136, %dot_general3A_144 : vector<1024x256xf32>
    %slice3A_146 = vector.extract_strided_slice %pad3A_119 {offsets = [1, 0, 0], sizes = [32, 32, 256], strides = [1, 1, 1]} : vector<34x34x256xf32> to vector<32x32x256xf32>
    %reshape3A_147 = vector.shape_cast %slice3A_146 : vector<32x32x256xf32> to vector<1024x256xf32>
    %slice3A_148 = vector.extract_strided_slice %get3A_97 {offsets = [3, 0, 0], sizes = [1, 256, 256], strides = [1, 1, 1]} : vector<9x256x256xf32> to vector<1x256x256xf32>
    %squeeze3A_149 = vector.shape_cast %slice3A_148 : vector<1x256x256xf32> to vector<256x256xf32>
    %convert_element_type3A_150 = arith.truncf %reshape3A_147 : vector<1024x256xf32> to vector<1024x256xbf16>
    %convert_element_type3A_151 = arith.truncf %squeeze3A_149 : vector<256x256xf32> to vector<256x256xbf16>
    %dot_general3A_152 = arith.constant dense<0.000000e+00> : vector<1024x256xf32>
    %dot_general3A_153 = tpu.matmul %convert_element_type3A_150, %convert_element_type3A_151, %dot_general3A_152 {dimension_numbers = #tpu.dot_dimension_numbers<[1], [0], [0], [1], [0, 0, 1, 1], [], []>, transpose_lhs_hint = false} : vector<1024x256xbf16>, vector<256x256xbf16>, vector<1024x256xf32> -> vector<1024x256xf32>
    %add3A_154 = arith.addf %add3A_145, %dot_general3A_153 : vector<1024x256xf32>
    %slice3A_155 = vector.extract_strided_slice %pad3A_119 {offsets = [1, 1, 0], sizes = [32, 32, 256], strides = [1, 1, 1]} : vector<34x34x256xf32> to vector<32x32x256xf32>
    %reshape3A_156 = vector.shape_cast %slice3A_155 : vector<32x32x256xf32> to vector<1024x256xf32>
    %slice3A_157 = vector.extract_strided_slice %get3A_97 {offsets = [4, 0, 0], sizes = [1, 256, 256], strides = [1, 1, 1]} : vector<9x256x256xf32> to vector<1x256x256xf32>
    %squeeze3A_158 = vector.shape_cast %slice3A_157 : vector<1x256x256xf32> to vector<256x256xf32>
    %convert_element_type3A_159 = arith.truncf %reshape3A_156 : vector<1024x256xf32> to vector<1024x256xbf16>
    %convert_element_type3A_160 = arith.truncf %squeeze3A_158 : vector<256x256xf32> to vector<256x256xbf16>
    %dot_general3A_161 = arith.constant dense<0.000000e+00> : vector<1024x256xf32>
    %dot_general3A_162 = tpu.matmul %convert_element_type3A_159, %convert_element_type3A_160, %dot_general3A_161 {dimension_numbers = #tpu.dot_dimension_numbers<[1], [0], [0], [1], [0, 0, 1, 1], [], []>, transpose_lhs_hint = false} : vector<1024x256xbf16>, vector<256x256xbf16>, vector<1024x256xf32> -> vector<1024x256xf32>
    %add3A_163 = arith.addf %add3A_154, %dot_general3A_162 : vector<1024x256xf32>
    %slice3A_164 = vector.extract_strided_slice %pad3A_119 {offsets = [1, 2, 0], sizes = [32, 32, 256], strides = [1, 1, 1]} : vector<34x34x256xf32> to vector<32x32x256xf32>
    %reshape3A_165 = vector.shape_cast %slice3A_164 : vector<32x32x256xf32> to vector<1024x256xf32>
    %slice3A_166 = vector.extract_strided_slice %get3A_97 {offsets = [5, 0, 0], sizes = [1, 256, 256], strides = [1, 1, 1]} : vector<9x256x256xf32> to vector<1x256x256xf32>
    %squeeze3A_167 = vector.shape_cast %slice3A_166 : vector<1x256x256xf32> to vector<256x256xf32>
    %convert_element_type3A_168 = arith.truncf %reshape3A_165 : vector<1024x256xf32> to vector<1024x256xbf16>
    %convert_element_type3A_169 = arith.truncf %squeeze3A_167 : vector<256x256xf32> to vector<256x256xbf16>
    %dot_general3A_170 = arith.constant dense<0.000000e+00> : vector<1024x256xf32>
    %dot_general3A_171 = tpu.matmul %convert_element_type3A_168, %convert_element_type3A_169, %dot_general3A_170 {dimension_numbers = #tpu.dot_dimension_numbers<[1], [0], [0], [1], [0, 0, 1, 1], [], []>, transpose_lhs_hint = false} : vector<1024x256xbf16>, vector<256x256xbf16>, vector<1024x256xf32> -> vector<1024x256xf32>
    %add3A_172 = arith.addf %add3A_163, %dot_general3A_171 : vector<1024x256xf32>
    %slice3A_173 = vector.extract_strided_slice %pad3A_119 {offsets = [2, 0, 0], sizes = [32, 32, 256], strides = [1, 1, 1]} : vector<34x34x256xf32> to vector<32x32x256xf32>
    %reshape3A_174 = vector.shape_cast %slice3A_173 : vector<32x32x256xf32> to vector<1024x256xf32>
    %slice3A_175 = vector.extract_strided_slice %get3A_97 {offsets = [6, 0, 0], sizes = [1, 256, 256], strides = [1, 1, 1]} : vector<9x256x256xf32> to vector<1x256x256xf32>
    %squeeze3A_176 = vector.shape_cast %slice3A_175 : vector<1x256x256xf32> to vector<256x256xf32>
    %convert_element_type3A_177 = arith.truncf %reshape3A_174 : vector<1024x256xf32> to vector<1024x256xbf16>
    %convert_element_type3A_178 = arith.truncf %squeeze3A_176 : vector<256x256xf32> to vector<256x256xbf16>
    %dot_general3A_179 = arith.constant dense<0.000000e+00> : vector<1024x256xf32>
    %dot_general3A_180 = tpu.matmul %convert_element_type3A_177, %convert_element_type3A_178, %dot_general3A_179 {dimension_numbers = #tpu.dot_dimension_numbers<[1], [0], [0], [1], [0, 0, 1, 1], [], []>, transpose_lhs_hint = false} : vector<1024x256xbf16>, vector<256x256xbf16>, vector<1024x256xf32> -> vector<1024x256xf32>
    %add3A_181 = arith.addf %add3A_172, %dot_general3A_180 : vector<1024x256xf32>
    %slice3A_182 = vector.extract_strided_slice %pad3A_119 {offsets = [2, 1, 0], sizes = [32, 32, 256], strides = [1, 1, 1]} : vector<34x34x256xf32> to vector<32x32x256xf32>
    %reshape3A_183 = vector.shape_cast %slice3A_182 : vector<32x32x256xf32> to vector<1024x256xf32>
    %slice3A_184 = vector.extract_strided_slice %get3A_97 {offsets = [7, 0, 0], sizes = [1, 256, 256], strides = [1, 1, 1]} : vector<9x256x256xf32> to vector<1x256x256xf32>
    %squeeze3A_185 = vector.shape_cast %slice3A_184 : vector<1x256x256xf32> to vector<256x256xf32>
    %convert_element_type3A_186 = arith.truncf %reshape3A_183 : vector<1024x256xf32> to vector<1024x256xbf16>
    %convert_element_type3A_187 = arith.truncf %squeeze3A_185 : vector<256x256xf32> to vector<256x256xbf16>
    %dot_general3A_188 = arith.constant dense<0.000000e+00> : vector<1024x256xf32>
    %dot_general3A_189 = tpu.matmul %convert_element_type3A_186, %convert_element_type3A_187, %dot_general3A_188 {dimension_numbers = #tpu.dot_dimension_numbers<[1], [0], [0], [1], [0, 0, 1, 1], [], []>, transpose_lhs_hint = false} : vector<1024x256xbf16>, vector<256x256xbf16>, vector<1024x256xf32> -> vector<1024x256xf32>
    %add3A_190 = arith.addf %add3A_181, %dot_general3A_189 : vector<1024x256xf32>
    %slice3A_191 = vector.extract_strided_slice %pad3A_119 {offsets = [2, 2, 0], sizes = [32, 32, 256], strides = [1, 1, 1]} : vector<34x34x256xf32> to vector<32x32x256xf32>
    %reshape3A_192 = vector.shape_cast %slice3A_191 : vector<32x32x256xf32> to vector<1024x256xf32>
    %slice3A_193 = vector.extract_strided_slice %get3A_97 {offsets = [8, 0, 0], sizes = [1, 256, 256], strides = [1, 1, 1]} : vector<9x256x256xf32> to vector<1x256x256xf32>
    %squeeze3A_194 = vector.shape_cast %slice3A_193 : vector<1x256x256xf32> to vector<256x256xf32>
    %convert_element_type3A_195 = arith.truncf %reshape3A_192 : vector<1024x256xf32> to vector<1024x256xbf16>
    %convert_element_type3A_196 = arith.truncf %squeeze3A_194 : vector<256x256xf32> to vector<256x256xbf16>
    %dot_general3A_197 = arith.constant dense<0.000000e+00> : vector<1024x256xf32>
    %dot_general3A_198 = tpu.matmul %convert_element_type3A_195, %convert_element_type3A_196, %dot_general3A_197 {dimension_numbers = #tpu.dot_dimension_numbers<[1], [0], [0], [1], [0, 0, 1, 1], [], []>, transpose_lhs_hint = false} : vector<1024x256xbf16>, vector<256x256xbf16>, vector<1024x256xf32> -> vector<1024x256xf32>
    %add3A_199 = arith.addf %add3A_190, %dot_general3A_198 : vector<1024x256xf32>
    %add3A_200 = vector.broadcast %get3A_100 : vector<1x256xf32> to vector<1024x256xf32>
    %add3A_201 = arith.addf %add3A_199, %add3A_200 : vector<1024x256xf32>
    %max3A_202 = arith.constant 0.000000e+00 : f32
    %max3A_203 = vector.broadcast %max3A_202 : f32 to vector<1024x256xf32>
    %max3A_204 = arith.maximumf %add3A_201, %max3A_203 : vector<1024x256xf32>
    %convert_element_type3A_205 = arith.truncf %max3A_204 : vector<1024x256xf32> to vector<1024x256xbf16>
    %convert_element_type3A_206 = arith.truncf %get3A_103 : vector<256x256xf32> to vector<256x256xbf16>
    %dot_general3A_207 = arith.constant dense<0.000000e+00> : vector<1024x256xf32>
    %dot_general3A_208 = tpu.matmul %convert_element_type3A_205, %convert_element_type3A_206, %dot_general3A_207 {dimension_numbers = #tpu.dot_dimension_numbers<[1], [0], [0], [1], [0, 0, 1, 1], [], []>, transpose_lhs_hint = false} : vector<1024x256xbf16>, vector<256x256xbf16>, vector<1024x256xf32> -> vector<1024x256xf32>
    %add3A_209 = arith.addf %add3A_93, %dot_general3A_208 : vector<1024x256xf32>
    %add3A_210 = vector.broadcast %get3A_106 : vector<1x256xf32> to vector<1024x256xf32>
    %add3A_211 = arith.addf %add3A_209, %add3A_210 : vector<1024x256xf32>
    %get3A_212 = arith.constant 0 : index
    %get3A_213 = arith.constant 0 : index
    %get3A_214 = arith.constant 0 : index
    %get3A_215 = vector.load %arg7[%get3A_212, %get3A_213, %get3A_214] : memref<9x256x256xf32, #tpu.memory_space<vmem>>, vector<9x256x256xf32>
    %get3A_216 = arith.constant 0 : index
    %get3A_217 = arith.constant 0 : index
    %get3A_218 = vector.load %arg8[%get3A_216, %get3A_217] : memref<1x256xf32, #tpu.memory_space<vmem>>, vector<1x256xf32>
    %get3A_219 = arith.constant 0 : index
    %get3A_220 = arith.constant 0 : index
    %get3A_221 = vector.load %arg9[%get3A_219, %get3A_220] : memref<256x256xf32, #tpu.memory_space<vmem>>, vector<256x256xf32>
    %get3A_222 = arith.constant 0 : index
    %get3A_223 = arith.constant 0 : index
    %get3A_224 = vector.load %arg10[%get3A_222, %get3A_223] : memref<1x256xf32, #tpu.memory_space<vmem>>, vector<1x256xf32>
    %max3A_225 = arith.constant 0.000000e+00 : f32
    %max3A_226 = vector.broadcast %max3A_225 : f32 to vector<1024x256xf32>
    %max3A_227 = arith.maximumf %add3A_211, %max3A_226 : vector<1024x256xf32>
    %reshape3A_228 = vector.shape_cast %max3A_227 : vector<1024x256xf32> to vector<32x32x256xf32>
    %jit3A_229 = arith.constant 0 : i32
    %convert_element_type3A_230 = arith.sitofp %jit3A_229 : i32 to f32
    %pad3A_231 = vector.broadcast %convert_element_type3A_230 : f32 to vector<1x32x256xf32>
    %pad3A_232 = tpu.concatenate %pad3A_231, %reshape3A_228 in 0 : vector<1x32x256xf32>, vector<32x32x256xf32> -> vector<33x32x256xf32>
    %pad3A_233 = vector.broadcast %convert_element_type3A_230 : f32 to vector<1x32x256xf32>
    %pad3A_234 = tpu.concatenate %pad3A_232, %pad3A_233 in 0 : vector<33x32x256xf32>, vector<1x32x256xf32> -> vector<34x32x256xf32>
    %pad3A_235 = vector.broadcast %convert_element_type3A_230 : f32 to vector<34x1x256xf32>
    %pad3A_236 = tpu.concatenate %pad3A_235, %pad3A_234 in 1 : vector<34x1x256xf32>, vector<34x32x256xf32> -> vector<34x33x256xf32>
    %pad3A_237 = vector.broadcast %convert_element_type3A_230 : f32 to vector<34x1x256xf32>
    %pad3A_238 = tpu.concatenate %pad3A_236, %pad3A_237 in 1 : vector<34x33x256xf32>, vector<34x1x256xf32> -> vector<34x34x256xf32>
    %slice3A_239 = vector.extract_strided_slice %pad3A_238 {offsets = [0, 0, 0], sizes = [32, 32, 256], strides = [1, 1, 1]} : vector<34x34x256xf32> to vector<32x32x256xf32>
    %reshape3A_240 = vector.shape_cast %slice3A_239 : vector<32x32x256xf32> to vector<1024x256xf32>
    %slice3A_241 = vector.extract_strided_slice %get3A_215 {offsets = [0, 0, 0], sizes = [1, 256, 256], strides = [1, 1, 1]} : vector<9x256x256xf32> to vector<1x256x256xf32>
    %squeeze3A_242 = vector.shape_cast %slice3A_241 : vector<1x256x256xf32> to vector<256x256xf32>
    %convert_element_type3A_243 = arith.truncf %reshape3A_240 : vector<1024x256xf32> to vector<1024x256xbf16>
    %convert_element_type3A_244 = arith.truncf %squeeze3A_242 : vector<256x256xf32> to vector<256x256xbf16>
    %dot_general3A_245 = arith.constant dense<0.000000e+00> : vector<1024x256xf32>
    %dot_general3A_246 = tpu.matmul %convert_element_type3A_243, %convert_element_type3A_244, %dot_general3A_245 {dimension_numbers = #tpu.dot_dimension_numbers<[1], [0], [0], [1], [0, 0, 1, 1], [], []>, transpose_lhs_hint = false} : vector<1024x256xbf16>, vector<256x256xbf16>, vector<1024x256xf32> -> vector<1024x256xf32>
    %slice3A_247 = vector.extract_strided_slice %pad3A_238 {offsets = [0, 1, 0], sizes = [32, 32, 256], strides = [1, 1, 1]} : vector<34x34x256xf32> to vector<32x32x256xf32>
    %reshape3A_248 = vector.shape_cast %slice3A_247 : vector<32x32x256xf32> to vector<1024x256xf32>
    %slice3A_249 = vector.extract_strided_slice %get3A_215 {offsets = [1, 0, 0], sizes = [1, 256, 256], strides = [1, 1, 1]} : vector<9x256x256xf32> to vector<1x256x256xf32>
    %squeeze3A_250 = vector.shape_cast %slice3A_249 : vector<1x256x256xf32> to vector<256x256xf32>
    %convert_element_type3A_251 = arith.truncf %reshape3A_248 : vector<1024x256xf32> to vector<1024x256xbf16>
    %convert_element_type3A_252 = arith.truncf %squeeze3A_250 : vector<256x256xf32> to vector<256x256xbf16>
    %dot_general3A_253 = arith.constant dense<0.000000e+00> : vector<1024x256xf32>
    %dot_general3A_254 = tpu.matmul %convert_element_type3A_251, %convert_element_type3A_252, %dot_general3A_253 {dimension_numbers = #tpu.dot_dimension_numbers<[1], [0], [0], [1], [0, 0, 1, 1], [], []>, transpose_lhs_hint = false} : vector<1024x256xbf16>, vector<256x256xbf16>, vector<1024x256xf32> -> vector<1024x256xf32>
    %add3A_255 = arith.addf %dot_general3A_246, %dot_general3A_254 : vector<1024x256xf32>
    %slice3A_256 = vector.extract_strided_slice %pad3A_238 {offsets = [0, 2, 0], sizes = [32, 32, 256], strides = [1, 1, 1]} : vector<34x34x256xf32> to vector<32x32x256xf32>
    %reshape3A_257 = vector.shape_cast %slice3A_256 : vector<32x32x256xf32> to vector<1024x256xf32>
    %slice3A_258 = vector.extract_strided_slice %get3A_215 {offsets = [2, 0, 0], sizes = [1, 256, 256], strides = [1, 1, 1]} : vector<9x256x256xf32> to vector<1x256x256xf32>
    %squeeze3A_259 = vector.shape_cast %slice3A_258 : vector<1x256x256xf32> to vector<256x256xf32>
    %convert_element_type3A_260 = arith.truncf %reshape3A_257 : vector<1024x256xf32> to vector<1024x256xbf16>
    %convert_element_type3A_261 = arith.truncf %squeeze3A_259 : vector<256x256xf32> to vector<256x256xbf16>
    %dot_general3A_262 = arith.constant dense<0.000000e+00> : vector<1024x256xf32>
    %dot_general3A_263 = tpu.matmul %convert_element_type3A_260, %convert_element_type3A_261, %dot_general3A_262 {dimension_numbers = #tpu.dot_dimension_numbers<[1], [0], [0], [1], [0, 0, 1, 1], [], []>, transpose_lhs_hint = false} : vector<1024x256xbf16>, vector<256x256xbf16>, vector<1024x256xf32> -> vector<1024x256xf32>
    %add3A_264 = arith.addf %add3A_255, %dot_general3A_263 : vector<1024x256xf32>
    %slice3A_265 = vector.extract_strided_slice %pad3A_238 {offsets = [1, 0, 0], sizes = [32, 32, 256], strides = [1, 1, 1]} : vector<34x34x256xf32> to vector<32x32x256xf32>
    %reshape3A_266 = vector.shape_cast %slice3A_265 : vector<32x32x256xf32> to vector<1024x256xf32>
    %slice3A_267 = vector.extract_strided_slice %get3A_215 {offsets = [3, 0, 0], sizes = [1, 256, 256], strides = [1, 1, 1]} : vector<9x256x256xf32> to vector<1x256x256xf32>
    %squeeze3A_268 = vector.shape_cast %slice3A_267 : vector<1x256x256xf32> to vector<256x256xf32>
    %convert_element_type3A_269 = arith.truncf %reshape3A_266 : vector<1024x256xf32> to vector<1024x256xbf16>
    %convert_element_type3A_270 = arith.truncf %squeeze3A_268 : vector<256x256xf32> to vector<256x256xbf16>
    %dot_general3A_271 = arith.constant dense<0.000000e+00> : vector<1024x256xf32>
    %dot_general3A_272 = tpu.matmul %convert_element_type3A_269, %convert_element_type3A_270, %dot_general3A_271 {dimension_numbers = #tpu.dot_dimension_numbers<[1], [0], [0], [1], [0, 0, 1, 1], [], []>, transpose_lhs_hint = false} : vector<1024x256xbf16>, vector<256x256xbf16>, vector<1024x256xf32> -> vector<1024x256xf32>
    %add3A_273 = arith.addf %add3A_264, %dot_general3A_272 : vector<1024x256xf32>
    %slice3A_274 = vector.extract_strided_slice %pad3A_238 {offsets = [1, 1, 0], sizes = [32, 32, 256], strides = [1, 1, 1]} : vector<34x34x256xf32> to vector<32x32x256xf32>
    %reshape3A_275 = vector.shape_cast %slice3A_274 : vector<32x32x256xf32> to vector<1024x256xf32>
    %slice3A_276 = vector.extract_strided_slice %get3A_215 {offsets = [4, 0, 0], sizes = [1, 256, 256], strides = [1, 1, 1]} : vector<9x256x256xf32> to vector<1x256x256xf32>
    %squeeze3A_277 = vector.shape_cast %slice3A_276 : vector<1x256x256xf32> to vector<256x256xf32>
    %convert_element_type3A_278 = arith.truncf %reshape3A_275 : vector<1024x256xf32> to vector<1024x256xbf16>
    %convert_element_type3A_279 = arith.truncf %squeeze3A_277 : vector<256x256xf32> to vector<256x256xbf16>
    %dot_general3A_280 = arith.constant dense<0.000000e+00> : vector<1024x256xf32>
    %dot_general3A_281 = tpu.matmul %convert_element_type3A_278, %convert_element_type3A_279, %dot_general3A_280 {dimension_numbers = #tpu.dot_dimension_numbers<[1], [0], [0], [1], [0, 0, 1, 1], [], []>, transpose_lhs_hint = false} : vector<1024x256xbf16>, vector<256x256xbf16>, vector<1024x256xf32> -> vector<1024x256xf32>
    %add3A_282 = arith.addf %add3A_273, %dot_general3A_281 : vector<1024x256xf32>
    %slice3A_283 = vector.extract_strided_slice %pad3A_238 {offsets = [1, 2, 0], sizes = [32, 32, 256], strides = [1, 1, 1]} : vector<34x34x256xf32> to vector<32x32x256xf32>
    %reshape3A_284 = vector.shape_cast %slice3A_283 : vector<32x32x256xf32> to vector<1024x256xf32>
    %slice3A_285 = vector.extract_strided_slice %get3A_215 {offsets = [5, 0, 0], sizes = [1, 256, 256], strides = [1, 1, 1]} : vector<9x256x256xf32> to vector<1x256x256xf32>
    %squeeze3A_286 = vector.shape_cast %slice3A_285 : vector<1x256x256xf32> to vector<256x256xf32>
    %convert_element_type3A_287 = arith.truncf %reshape3A_284 : vector<1024x256xf32> to vector<1024x256xbf16>
    %convert_element_type3A_288 = arith.truncf %squeeze3A_286 : vector<256x256xf32> to vector<256x256xbf16>
    %dot_general3A_289 = arith.constant dense<0.000000e+00> : vector<1024x256xf32>
    %dot_general3A_290 = tpu.matmul %convert_element_type3A_287, %convert_element_type3A_288, %dot_general3A_289 {dimension_numbers = #tpu.dot_dimension_numbers<[1], [0], [0], [1], [0, 0, 1, 1], [], []>, transpose_lhs_hint = false} : vector<1024x256xbf16>, vector<256x256xbf16>, vector<1024x256xf32> -> vector<1024x256xf32>
    %add3A_291 = arith.addf %add3A_282, %dot_general3A_290 : vector<1024x256xf32>
    %slice3A_292 = vector.extract_strided_slice %pad3A_238 {offsets = [2, 0, 0], sizes = [32, 32, 256], strides = [1, 1, 1]} : vector<34x34x256xf32> to vector<32x32x256xf32>
    %reshape3A_293 = vector.shape_cast %slice3A_292 : vector<32x32x256xf32> to vector<1024x256xf32>
    %slice3A_294 = vector.extract_strided_slice %get3A_215 {offsets = [6, 0, 0], sizes = [1, 256, 256], strides = [1, 1, 1]} : vector<9x256x256xf32> to vector<1x256x256xf32>
    %squeeze3A_295 = vector.shape_cast %slice3A_294 : vector<1x256x256xf32> to vector<256x256xf32>
    %convert_element_type3A_296 = arith.truncf %reshape3A_293 : vector<1024x256xf32> to vector<1024x256xbf16>
    %convert_element_type3A_297 = arith.truncf %squeeze3A_295 : vector<256x256xf32> to vector<256x256xbf16>
    %dot_general3A_298 = arith.constant dense<0.000000e+00> : vector<1024x256xf32>
    %dot_general3A_299 = tpu.matmul %convert_element_type3A_296, %convert_element_type3A_297, %dot_general3A_298 {dimension_numbers = #tpu.dot_dimension_numbers<[1], [0], [0], [1], [0, 0, 1, 1], [], []>, transpose_lhs_hint = false} : vector<1024x256xbf16>, vector<256x256xbf16>, vector<1024x256xf32> -> vector<1024x256xf32>
    %add3A_300 = arith.addf %add3A_291, %dot_general3A_299 : vector<1024x256xf32>
    %slice3A_301 = vector.extract_strided_slice %pad3A_238 {offsets = [2, 1, 0], sizes = [32, 32, 256], strides = [1, 1, 1]} : vector<34x34x256xf32> to vector<32x32x256xf32>
    %reshape3A_302 = vector.shape_cast %slice3A_301 : vector<32x32x256xf32> to vector<1024x256xf32>
    %slice3A_303 = vector.extract_strided_slice %get3A_215 {offsets = [7, 0, 0], sizes = [1, 256, 256], strides = [1, 1, 1]} : vector<9x256x256xf32> to vector<1x256x256xf32>
    %squeeze3A_304 = vector.shape_cast %slice3A_303 : vector<1x256x256xf32> to vector<256x256xf32>
    %convert_element_type3A_305 = arith.truncf %reshape3A_302 : vector<1024x256xf32> to vector<1024x256xbf16>
    %convert_element_type3A_306 = arith.truncf %squeeze3A_304 : vector<256x256xf32> to vector<256x256xbf16>
    %dot_general3A_307 = arith.constant dense<0.000000e+00> : vector<1024x256xf32>
    %dot_general3A_308 = tpu.matmul %convert_element_type3A_305, %convert_element_type3A_306, %dot_general3A_307 {dimension_numbers = #tpu.dot_dimension_numbers<[1], [0], [0], [1], [0, 0, 1, 1], [], []>, transpose_lhs_hint = false} : vector<1024x256xbf16>, vector<256x256xbf16>, vector<1024x256xf32> -> vector<1024x256xf32>
    %add3A_309 = arith.addf %add3A_300, %dot_general3A_308 : vector<1024x256xf32>
    %slice3A_310 = vector.extract_strided_slice %pad3A_238 {offsets = [2, 2, 0], sizes = [32, 32, 256], strides = [1, 1, 1]} : vector<34x34x256xf32> to vector<32x32x256xf32>
    %reshape3A_311 = vector.shape_cast %slice3A_310 : vector<32x32x256xf32> to vector<1024x256xf32>
    %slice3A_312 = vector.extract_strided_slice %get3A_215 {offsets = [8, 0, 0], sizes = [1, 256, 256], strides = [1, 1, 1]} : vector<9x256x256xf32> to vector<1x256x256xf32>
    %squeeze3A_313 = vector.shape_cast %slice3A_312 : vector<1x256x256xf32> to vector<256x256xf32>
    %convert_element_type3A_314 = arith.truncf %reshape3A_311 : vector<1024x256xf32> to vector<1024x256xbf16>
    %convert_element_type3A_315 = arith.truncf %squeeze3A_313 : vector<256x256xf32> to vector<256x256xbf16>
    %dot_general3A_316 = arith.constant dense<0.000000e+00> : vector<1024x256xf32>
    %dot_general3A_317 = tpu.matmul %convert_element_type3A_314, %convert_element_type3A_315, %dot_general3A_316 {dimension_numbers = #tpu.dot_dimension_numbers<[1], [0], [0], [1], [0, 0, 1, 1], [], []>, transpose_lhs_hint = false} : vector<1024x256xbf16>, vector<256x256xbf16>, vector<1024x256xf32> -> vector<1024x256xf32>
    %add3A_318 = arith.addf %add3A_309, %dot_general3A_317 : vector<1024x256xf32>
    %add3A_319 = vector.broadcast %get3A_218 : vector<1x256xf32> to vector<1024x256xf32>
    %add3A_320 = arith.addf %add3A_318, %add3A_319 : vector<1024x256xf32>
    %max3A_321 = arith.constant 0.000000e+00 : f32
    %max3A_322 = vector.broadcast %max3A_321 : f32 to vector<1024x256xf32>
    %max3A_323 = arith.maximumf %add3A_320, %max3A_322 : vector<1024x256xf32>
    %convert_element_type3A_324 = arith.truncf %max3A_323 : vector<1024x256xf32> to vector<1024x256xbf16>
    %convert_element_type3A_325 = arith.truncf %get3A_221 : vector<256x256xf32> to vector<256x256xbf16>
    %dot_general3A_326 = arith.constant dense<0.000000e+00> : vector<1024x256xf32>
    %dot_general3A_327 = tpu.matmul %convert_element_type3A_324, %convert_element_type3A_325, %dot_general3A_326 {dimension_numbers = #tpu.dot_dimension_numbers<[1], [0], [0], [1], [0, 0, 1, 1], [], []>, transpose_lhs_hint = false} : vector<1024x256xbf16>, vector<256x256xbf16>, vector<1024x256xf32> -> vector<1024x256xf32>
    %add3A_328 = arith.addf %add3A_211, %dot_general3A_327 : vector<1024x256xf32>
    %add3A_329 = vector.broadcast %get3A_224 : vector<1x256xf32> to vector<1024x256xf32>
    %add3A_330 = arith.addf %add3A_328, %add3A_329 : vector<1024x256xf32>
    %reshape3A_331 = vector.shape_cast %add3A_330 : vector<1024x256xf32> to vector<32x32x256xf32>
    %jit3A_332 = arith.constant 0 : i32
    %convert_element_type3A_333 = arith.sitofp %jit3A_332 : i32 to f32
    %pad3A_334 = vector.broadcast %convert_element_type3A_333 : f32 to vector<1x32x256xf32>
    %pad3A_335 = tpu.concatenate %pad3A_334, %reshape3A_331 in 0 : vector<1x32x256xf32>, vector<32x32x256xf32> -> vector<33x32x256xf32>
    %pad3A_336 = vector.broadcast %convert_element_type3A_333 : f32 to vector<1x32x256xf32>
    %pad3A_337 = tpu.concatenate %pad3A_335, %pad3A_336 in 0 : vector<33x32x256xf32>, vector<1x32x256xf32> -> vector<34x32x256xf32>
    %pad3A_338 = vector.broadcast %convert_element_type3A_333 : f32 to vector<34x1x256xf32>
    %pad3A_339 = tpu.concatenate %pad3A_338, %pad3A_337 in 1 : vector<34x1x256xf32>, vector<34x32x256xf32> -> vector<34x33x256xf32>
    %pad3A_340 = vector.broadcast %convert_element_type3A_333 : f32 to vector<34x1x256xf32>
    %pad3A_341 = tpu.concatenate %pad3A_339, %pad3A_340 in 1 : vector<34x33x256xf32>, vector<34x1x256xf32> -> vector<34x34x256xf32>
    %get3A_342 = arith.constant 0 : index
    %get3A_343 = arith.constant 0 : index
    %get3A_344 = arith.constant 0 : index
    %get3A_345 = vector.load %arg11[%get3A_342, %get3A_343, %get3A_344] : memref<16x256x128xf32, #tpu.memory_space<vmem>>, vector<16x256x128xf32>
    %slice3A_346 = vector.extract_strided_slice %pad3A_341 {offsets = [0, 0, 0], sizes = [32, 32, 256], strides = [1, 1, 1]} : vector<34x34x256xf32> to vector<32x32x256xf32>
    %reshape3A_347 = vector.shape_cast %slice3A_346 : vector<32x32x256xf32> to vector<1024x256xf32>
    %slice3A_348 = vector.extract_strided_slice %get3A_345 {offsets = [0, 0, 0], sizes = [1, 256, 128], strides = [1, 1, 1]} : vector<16x256x128xf32> to vector<1x256x128xf32>
    %squeeze3A_349 = vector.shape_cast %slice3A_348 : vector<1x256x128xf32> to vector<256x128xf32>
    %convert_element_type3A_350 = arith.truncf %reshape3A_347 : vector<1024x256xf32> to vector<1024x256xbf16>
    %convert_element_type3A_351 = arith.truncf %squeeze3A_349 : vector<256x128xf32> to vector<256x128xbf16>
    %dot_general3A_352 = arith.constant dense<0.000000e+00> : vector<1024x128xf32>
    %dot_general3A_353 = tpu.matmul %convert_element_type3A_350, %convert_element_type3A_351, %dot_general3A_352 {dimension_numbers = #tpu.dot_dimension_numbers<[1], [0], [0], [1], [0, 0, 1, 1], [], []>, transpose_lhs_hint = false} : vector<1024x256xbf16>, vector<256x128xbf16>, vector<1024x128xf32> -> vector<1024x128xf32>
    %slice3A_354 = vector.extract_strided_slice %pad3A_341 {offsets = [0, 1, 0], sizes = [32, 32, 256], strides = [1, 1, 1]} : vector<34x34x256xf32> to vector<32x32x256xf32>
    %reshape3A_355 = vector.shape_cast %slice3A_354 : vector<32x32x256xf32> to vector<1024x256xf32>
    %slice3A_356 = vector.extract_strided_slice %get3A_345 {offsets = [2, 0, 0], sizes = [1, 256, 128], strides = [1, 1, 1]} : vector<16x256x128xf32> to vector<1x256x128xf32>
    %squeeze3A_357 = vector.shape_cast %slice3A_356 : vector<1x256x128xf32> to vector<256x128xf32>
    %convert_element_type3A_358 = arith.truncf %reshape3A_355 : vector<1024x256xf32> to vector<1024x256xbf16>
    %convert_element_type3A_359 = arith.truncf %squeeze3A_357 : vector<256x128xf32> to vector<256x128xbf16>
    %dot_general3A_360 = arith.constant dense<0.000000e+00> : vector<1024x128xf32>
    %dot_general3A_361 = tpu.matmul %convert_element_type3A_358, %convert_element_type3A_359, %dot_general3A_360 {dimension_numbers = #tpu.dot_dimension_numbers<[1], [0], [0], [1], [0, 0, 1, 1], [], []>, transpose_lhs_hint = false} : vector<1024x256xbf16>, vector<256x128xbf16>, vector<1024x128xf32> -> vector<1024x128xf32>
    %add3A_362 = arith.addf %dot_general3A_353, %dot_general3A_361 : vector<1024x128xf32>
    %slice3A_363 = vector.extract_strided_slice %pad3A_341 {offsets = [1, 0, 0], sizes = [32, 32, 256], strides = [1, 1, 1]} : vector<34x34x256xf32> to vector<32x32x256xf32>
    %reshape3A_364 = vector.shape_cast %slice3A_363 : vector<32x32x256xf32> to vector<1024x256xf32>
    %slice3A_365 = vector.extract_strided_slice %get3A_345 {offsets = [8, 0, 0], sizes = [1, 256, 128], strides = [1, 1, 1]} : vector<16x256x128xf32> to vector<1x256x128xf32>
    %squeeze3A_366 = vector.shape_cast %slice3A_365 : vector<1x256x128xf32> to vector<256x128xf32>
    %convert_element_type3A_367 = arith.truncf %reshape3A_364 : vector<1024x256xf32> to vector<1024x256xbf16>
    %convert_element_type3A_368 = arith.truncf %squeeze3A_366 : vector<256x128xf32> to vector<256x128xbf16>
    %dot_general3A_369 = arith.constant dense<0.000000e+00> : vector<1024x128xf32>
    %dot_general3A_370 = tpu.matmul %convert_element_type3A_367, %convert_element_type3A_368, %dot_general3A_369 {dimension_numbers = #tpu.dot_dimension_numbers<[1], [0], [0], [1], [0, 0, 1, 1], [], []>, transpose_lhs_hint = false} : vector<1024x256xbf16>, vector<256x128xbf16>, vector<1024x128xf32> -> vector<1024x128xf32>
    %add3A_371 = arith.addf %add3A_362, %dot_general3A_370 : vector<1024x128xf32>
    %slice3A_372 = vector.extract_strided_slice %pad3A_341 {offsets = [1, 1, 0], sizes = [32, 32, 256], strides = [1, 1, 1]} : vector<34x34x256xf32> to vector<32x32x256xf32>
    %reshape3A_373 = vector.shape_cast %slice3A_372 : vector<32x32x256xf32> to vector<1024x256xf32>
    %slice3A_374 = vector.extract_strided_slice %get3A_345 {offsets = [10, 0, 0], sizes = [1, 256, 128], strides = [1, 1, 1]} : vector<16x256x128xf32> to vector<1x256x128xf32>
    %squeeze3A_375 = vector.shape_cast %slice3A_374 : vector<1x256x128xf32> to vector<256x128xf32>
    %convert_element_type3A_376 = arith.truncf %reshape3A_373 : vector<1024x256xf32> to vector<1024x256xbf16>
    %convert_element_type3A_377 = arith.truncf %squeeze3A_375 : vector<256x128xf32> to vector<256x128xbf16>
    %dot_general3A_378 = arith.constant dense<0.000000e+00> : vector<1024x128xf32>
    %dot_general3A_379 = tpu.matmul %convert_element_type3A_376, %convert_element_type3A_377, %dot_general3A_378 {dimension_numbers = #tpu.dot_dimension_numbers<[1], [0], [0], [1], [0, 0, 1, 1], [], []>, transpose_lhs_hint = false} : vector<1024x256xbf16>, vector<256x128xbf16>, vector<1024x128xf32> -> vector<1024x128xf32>
    %add3A_380 = arith.addf %add3A_371, %dot_general3A_379 : vector<1024x128xf32>
    %get3A_381 = arith.constant 0 : index
    %get3A_382 = arith.constant 0 : index
    %get3A_383 = vector.load %arg12[%get3A_381, %get3A_382] : memref<1x128xf32, #tpu.memory_space<vmem>>, vector<1x128xf32>
    %add3A_384 = vector.broadcast %get3A_383 : vector<1x128xf32> to vector<1024x128xf32>
    %add3A_385 = arith.addf %add3A_380, %add3A_384 : vector<1024x128xf32>
    %max3A_386 = arith.constant 0.000000e+00 : f32
    %max3A_387 = vector.broadcast %max3A_386 : f32 to vector<1024x128xf32>
    %max3A_388 = arith.maximumf %add3A_385, %max3A_387 : vector<1024x128xf32>
    %reshape3A_389 = vector.shape_cast %max3A_388 : vector<1024x128xf32> to vector<32x32x128xf32>
    %jit3A_390 = arith.constant 0 : i32
    %convert_element_type3A_391 = arith.sitofp %jit3A_390 : i32 to f32
    %pad3A_392 = vector.broadcast %convert_element_type3A_391 : f32 to vector<1x32x128xf32>
    %pad3A_393 = tpu.concatenate %pad3A_392, %reshape3A_389 in 0 : vector<1x32x128xf32>, vector<32x32x128xf32> -> vector<33x32x128xf32>
    %pad3A_394 = vector.broadcast %convert_element_type3A_391 : f32 to vector<1x32x128xf32>
    %pad3A_395 = tpu.concatenate %pad3A_393, %pad3A_394 in 0 : vector<33x32x128xf32>, vector<1x32x128xf32> -> vector<34x32x128xf32>
    %pad3A_396 = vector.broadcast %convert_element_type3A_391 : f32 to vector<34x1x128xf32>
    %pad3A_397 = tpu.concatenate %pad3A_396, %pad3A_395 in 1 : vector<34x1x128xf32>, vector<34x32x128xf32> -> vector<34x33x128xf32>
    %pad3A_398 = vector.broadcast %convert_element_type3A_391 : f32 to vector<34x1x128xf32>
    %pad3A_399 = tpu.concatenate %pad3A_397, %pad3A_398 in 1 : vector<34x33x128xf32>, vector<34x1x128xf32> -> vector<34x34x128xf32>
    %slice3A_400 = vector.extract_strided_slice %pad3A_341 {offsets = [0, 1, 0], sizes = [32, 32, 256], strides = [1, 1, 1]} : vector<34x34x256xf32> to vector<32x32x256xf32>
    %reshape3A_401 = vector.shape_cast %slice3A_400 : vector<32x32x256xf32> to vector<1024x256xf32>
    %slice3A_402 = vector.extract_strided_slice %get3A_345 {offsets = [1, 0, 0], sizes = [1, 256, 128], strides = [1, 1, 1]} : vector<16x256x128xf32> to vector<1x256x128xf32>
    %squeeze3A_403 = vector.shape_cast %slice3A_402 : vector<1x256x128xf32> to vector<256x128xf32>
    %convert_element_type3A_404 = arith.truncf %reshape3A_401 : vector<1024x256xf32> to vector<1024x256xbf16>
    %convert_element_type3A_405 = arith.truncf %squeeze3A_403 : vector<256x128xf32> to vector<256x128xbf16>
    %dot_general3A_406 = arith.constant dense<0.000000e+00> : vector<1024x128xf32>
    %dot_general3A_407 = tpu.matmul %convert_element_type3A_404, %convert_element_type3A_405, %dot_general3A_406 {dimension_numbers = #tpu.dot_dimension_numbers<[1], [0], [0], [1], [0, 0, 1, 1], [], []>, transpose_lhs_hint = false} : vector<1024x256xbf16>, vector<256x128xbf16>, vector<1024x128xf32> -> vector<1024x128xf32>
    %slice3A_408 = vector.extract_strided_slice %pad3A_341 {offsets = [0, 2, 0], sizes = [32, 32, 256], strides = [1, 1, 1]} : vector<34x34x256xf32> to vector<32x32x256xf32>
    %reshape3A_409 = vector.shape_cast %slice3A_408 : vector<32x32x256xf32> to vector<1024x256xf32>
    %slice3A_410 = vector.extract_strided_slice %get3A_345 {offsets = [3, 0, 0], sizes = [1, 256, 128], strides = [1, 1, 1]} : vector<16x256x128xf32> to vector<1x256x128xf32>
    %squeeze3A_411 = vector.shape_cast %slice3A_410 : vector<1x256x128xf32> to vector<256x128xf32>
    %convert_element_type3A_412 = arith.truncf %reshape3A_409 : vector<1024x256xf32> to vector<1024x256xbf16>
    %convert_element_type3A_413 = arith.truncf %squeeze3A_411 : vector<256x128xf32> to vector<256x128xbf16>
    %dot_general3A_414 = arith.constant dense<0.000000e+00> : vector<1024x128xf32>
    %dot_general3A_415 = tpu.matmul %convert_element_type3A_412, %convert_element_type3A_413, %dot_general3A_414 {dimension_numbers = #tpu.dot_dimension_numbers<[1], [0], [0], [1], [0, 0, 1, 1], [], []>, transpose_lhs_hint = false} : vector<1024x256xbf16>, vector<256x128xbf16>, vector<1024x128xf32> -> vector<1024x128xf32>
    %add3A_416 = arith.addf %dot_general3A_407, %dot_general3A_415 : vector<1024x128xf32>
    %slice3A_417 = vector.extract_strided_slice %pad3A_341 {offsets = [1, 1, 0], sizes = [32, 32, 256], strides = [1, 1, 1]} : vector<34x34x256xf32> to vector<32x32x256xf32>
    %reshape3A_418 = vector.shape_cast %slice3A_417 : vector<32x32x256xf32> to vector<1024x256xf32>
    %slice3A_419 = vector.extract_strided_slice %get3A_345 {offsets = [9, 0, 0], sizes = [1, 256, 128], strides = [1, 1, 1]} : vector<16x256x128xf32> to vector<1x256x128xf32>
    %squeeze3A_420 = vector.shape_cast %slice3A_419 : vector<1x256x128xf32> to vector<256x128xf32>
    %convert_element_type3A_421 = arith.truncf %reshape3A_418 : vector<1024x256xf32> to vector<1024x256xbf16>
    %convert_element_type3A_422 = arith.truncf %squeeze3A_420 : vector<256x128xf32> to vector<256x128xbf16>
    %dot_general3A_423 = arith.constant dense<0.000000e+00> : vector<1024x128xf32>
    %dot_general3A_424 = tpu.matmul %convert_element_type3A_421, %convert_element_type3A_422, %dot_general3A_423 {dimension_numbers = #tpu.dot_dimension_numbers<[1], [0], [0], [1], [0, 0, 1, 1], [], []>, transpose_lhs_hint = false} : vector<1024x256xbf16>, vector<256x128xbf16>, vector<1024x128xf32> -> vector<1024x128xf32>
    %add3A_425 = arith.addf %add3A_416, %dot_general3A_424 : vector<1024x128xf32>
    %slice3A_426 = vector.extract_strided_slice %pad3A_341 {offsets = [1, 2, 0], sizes = [32, 32, 256], strides = [1, 1, 1]} : vector<34x34x256xf32> to vector<32x32x256xf32>
    %reshape3A_427 = vector.shape_cast %slice3A_426 : vector<32x32x256xf32> to vector<1024x256xf32>
    %slice3A_428 = vector.extract_strided_slice %get3A_345 {offsets = [11, 0, 0], sizes = [1, 256, 128], strides = [1, 1, 1]} : vector<16x256x128xf32> to vector<1x256x128xf32>
    %squeeze3A_429 = vector.shape_cast %slice3A_428 : vector<1x256x128xf32> to vector<256x128xf32>
    %convert_element_type3A_430 = arith.truncf %reshape3A_427 : vector<1024x256xf32> to vector<1024x256xbf16>
    %convert_element_type3A_431 = arith.truncf %squeeze3A_429 : vector<256x128xf32> to vector<256x128xbf16>
    %dot_general3A_432 = arith.constant dense<0.000000e+00> : vector<1024x128xf32>
    %dot_general3A_433 = tpu.matmul %convert_element_type3A_430, %convert_element_type3A_431, %dot_general3A_432 {dimension_numbers = #tpu.dot_dimension_numbers<[1], [0], [0], [1], [0, 0, 1, 1], [], []>, transpose_lhs_hint = false} : vector<1024x256xbf16>, vector<256x128xbf16>, vector<1024x128xf32> -> vector<1024x128xf32>
    %add3A_434 = arith.addf %add3A_425, %dot_general3A_433 : vector<1024x128xf32>
    %get3A_435 = arith.constant 0 : index
    %get3A_436 = arith.constant 0 : index
    %get3A_437 = vector.load %arg12[%get3A_435, %get3A_436] : memref<1x128xf32, #tpu.memory_space<vmem>>, vector<1x128xf32>
    %add3A_438 = vector.broadcast %get3A_437 : vector<1x128xf32> to vector<1024x128xf32>
    %add3A_439 = arith.addf %add3A_434, %add3A_438 : vector<1024x128xf32>
    %max3A_440 = arith.constant 0.000000e+00 : f32
    %max3A_441 = vector.broadcast %max3A_440 : f32 to vector<1024x128xf32>
    %max3A_442 = arith.maximumf %add3A_439, %max3A_441 : vector<1024x128xf32>
    %reshape3A_443 = vector.shape_cast %max3A_442 : vector<1024x128xf32> to vector<32x32x128xf32>
    %jit3A_444 = arith.constant 0 : i32
    %convert_element_type3A_445 = arith.sitofp %jit3A_444 : i32 to f32
    %pad3A_446 = vector.broadcast %convert_element_type3A_445 : f32 to vector<1x32x128xf32>
    %pad3A_447 = tpu.concatenate %pad3A_446, %reshape3A_443 in 0 : vector<1x32x128xf32>, vector<32x32x128xf32> -> vector<33x32x128xf32>
    %pad3A_448 = vector.broadcast %convert_element_type3A_445 : f32 to vector<1x32x128xf32>
    %pad3A_449 = tpu.concatenate %pad3A_447, %pad3A_448 in 0 : vector<33x32x128xf32>, vector<1x32x128xf32> -> vector<34x32x128xf32>
    %pad3A_450 = vector.broadcast %convert_element_type3A_445 : f32 to vector<34x1x128xf32>
    %pad3A_451 = tpu.concatenate %pad3A_450, %pad3A_449 in 1 : vector<34x1x128xf32>, vector<34x32x128xf32> -> vector<34x33x128xf32>
    %pad3A_452 = vector.broadcast %convert_element_type3A_445 : f32 to vector<34x1x128xf32>
    %pad3A_453 = tpu.concatenate %pad3A_451, %pad3A_452 in 1 : vector<34x33x128xf32>, vector<34x1x128xf32> -> vector<34x34x128xf32>
    %slice3A_454 = vector.extract_strided_slice %pad3A_341 {offsets = [1, 0, 0], sizes = [32, 32, 256], strides = [1, 1, 1]} : vector<34x34x256xf32> to vector<32x32x256xf32>
    %reshape3A_455 = vector.shape_cast %slice3A_454 : vector<32x32x256xf32> to vector<1024x256xf32>
    %slice3A_456 = vector.extract_strided_slice %get3A_345 {offsets = [4, 0, 0], sizes = [1, 256, 128], strides = [1, 1, 1]} : vector<16x256x128xf32> to vector<1x256x128xf32>
    %squeeze3A_457 = vector.shape_cast %slice3A_456 : vector<1x256x128xf32> to vector<256x128xf32>
    %convert_element_type3A_458 = arith.truncf %reshape3A_455 : vector<1024x256xf32> to vector<1024x256xbf16>
    %convert_element_type3A_459 = arith.truncf %squeeze3A_457 : vector<256x128xf32> to vector<256x128xbf16>
    %dot_general3A_460 = arith.constant dense<0.000000e+00> : vector<1024x128xf32>
    %dot_general3A_461 = tpu.matmul %convert_element_type3A_458, %convert_element_type3A_459, %dot_general3A_460 {dimension_numbers = #tpu.dot_dimension_numbers<[1], [0], [0], [1], [0, 0, 1, 1], [], []>, transpose_lhs_hint = false} : vector<1024x256xbf16>, vector<256x128xbf16>, vector<1024x128xf32> -> vector<1024x128xf32>
    %slice3A_462 = vector.extract_strided_slice %pad3A_341 {offsets = [1, 1, 0], sizes = [32, 32, 256], strides = [1, 1, 1]} : vector<34x34x256xf32> to vector<32x32x256xf32>
    %reshape3A_463 = vector.shape_cast %slice3A_462 : vector<32x32x256xf32> to vector<1024x256xf32>
    %slice3A_464 = vector.extract_strided_slice %get3A_345 {offsets = [6, 0, 0], sizes = [1, 256, 128], strides = [1, 1, 1]} : vector<16x256x128xf32> to vector<1x256x128xf32>
    %squeeze3A_465 = vector.shape_cast %slice3A_464 : vector<1x256x128xf32> to vector<256x128xf32>
    %convert_element_type3A_466 = arith.truncf %reshape3A_463 : vector<1024x256xf32> to vector<1024x256xbf16>
    %convert_element_type3A_467 = arith.truncf %squeeze3A_465 : vector<256x128xf32> to vector<256x128xbf16>
    %dot_general3A_468 = arith.constant dense<0.000000e+00> : vector<1024x128xf32>
    %dot_general3A_469 = tpu.matmul %convert_element_type3A_466, %convert_element_type3A_467, %dot_general3A_468 {dimension_numbers = #tpu.dot_dimension_numbers<[1], [0], [0], [1], [0, 0, 1, 1], [], []>, transpose_lhs_hint = false} : vector<1024x256xbf16>, vector<256x128xbf16>, vector<1024x128xf32> -> vector<1024x128xf32>
    %add3A_470 = arith.addf %dot_general3A_461, %dot_general3A_469 : vector<1024x128xf32>
    %slice3A_471 = vector.extract_strided_slice %pad3A_341 {offsets = [2, 0, 0], sizes = [32, 32, 256], strides = [1, 1, 1]} : vector<34x34x256xf32> to vector<32x32x256xf32>
    %reshape3A_472 = vector.shape_cast %slice3A_471 : vector<32x32x256xf32> to vector<1024x256xf32>
    %slice3A_473 = vector.extract_strided_slice %get3A_345 {offsets = [12, 0, 0], sizes = [1, 256, 128], strides = [1, 1, 1]} : vector<16x256x128xf32> to vector<1x256x128xf32>
    %squeeze3A_474 = vector.shape_cast %slice3A_473 : vector<1x256x128xf32> to vector<256x128xf32>
    %convert_element_type3A_475 = arith.truncf %reshape3A_472 : vector<1024x256xf32> to vector<1024x256xbf16>
    %convert_element_type3A_476 = arith.truncf %squeeze3A_474 : vector<256x128xf32> to vector<256x128xbf16>
    %dot_general3A_477 = arith.constant dense<0.000000e+00> : vector<1024x128xf32>
    %dot_general3A_478 = tpu.matmul %convert_element_type3A_475, %convert_element_type3A_476, %dot_general3A_477 {dimension_numbers = #tpu.dot_dimension_numbers<[1], [0], [0], [1], [0, 0, 1, 1], [], []>, transpose_lhs_hint = false} : vector<1024x256xbf16>, vector<256x128xbf16>, vector<1024x128xf32> -> vector<1024x128xf32>
    %add3A_479 = arith.addf %add3A_470, %dot_general3A_478 : vector<1024x128xf32>
    %slice3A_480 = vector.extract_strided_slice %pad3A_341 {offsets = [2, 1, 0], sizes = [32, 32, 256], strides = [1, 1, 1]} : vector<34x34x256xf32> to vector<32x32x256xf32>
    %reshape3A_481 = vector.shape_cast %slice3A_480 : vector<32x32x256xf32> to vector<1024x256xf32>
    %slice3A_482 = vector.extract_strided_slice %get3A_345 {offsets = [14, 0, 0], sizes = [1, 256, 128], strides = [1, 1, 1]} : vector<16x256x128xf32> to vector<1x256x128xf32>
    %squeeze3A_483 = vector.shape_cast %slice3A_482 : vector<1x256x128xf32> to vector<256x128xf32>
    %convert_element_type3A_484 = arith.truncf %reshape3A_481 : vector<1024x256xf32> to vector<1024x256xbf16>
    %convert_element_type3A_485 = arith.truncf %squeeze3A_483 : vector<256x128xf32> to vector<256x128xbf16>
    %dot_general3A_486 = arith.constant dense<0.000000e+00> : vector<1024x128xf32>
    %dot_general3A_487 = tpu.matmul %convert_element_type3A_484, %convert_element_type3A_485, %dot_general3A_486 {dimension_numbers = #tpu.dot_dimension_numbers<[1], [0], [0], [1], [0, 0, 1, 1], [], []>, transpose_lhs_hint = false} : vector<1024x256xbf16>, vector<256x128xbf16>, vector<1024x128xf32> -> vector<1024x128xf32>
    %add3A_488 = arith.addf %add3A_479, %dot_general3A_487 : vector<1024x128xf32>
    %get3A_489 = arith.constant 0 : index
    %get3A_490 = arith.constant 0 : index
    %get3A_491 = vector.load %arg12[%get3A_489, %get3A_490] : memref<1x128xf32, #tpu.memory_space<vmem>>, vector<1x128xf32>
    %add3A_492 = vector.broadcast %get3A_491 : vector<1x128xf32> to vector<1024x128xf32>
    %add3A_493 = arith.addf %add3A_488, %add3A_492 : vector<1024x128xf32>
    %max3A_494 = arith.constant 0.000000e+00 : f32
    %max3A_495 = vector.broadcast %max3A_494 : f32 to vector<1024x128xf32>
    %max3A_496 = arith.maximumf %add3A_493, %max3A_495 : vector<1024x128xf32>
    %reshape3A_497 = vector.shape_cast %max3A_496 : vector<1024x128xf32> to vector<32x32x128xf32>
    %jit3A_498 = arith.constant 0 : i32
    %convert_element_type3A_499 = arith.sitofp %jit3A_498 : i32 to f32
    %pad3A_500 = vector.broadcast %convert_element_type3A_499 : f32 to vector<1x32x128xf32>
    %pad3A_501 = tpu.concatenate %pad3A_500, %reshape3A_497 in 0 : vector<1x32x128xf32>, vector<32x32x128xf32> -> vector<33x32x128xf32>
    %pad3A_502 = vector.broadcast %convert_element_type3A_499 : f32 to vector<1x32x128xf32>
    %pad3A_503 = tpu.concatenate %pad3A_501, %pad3A_502 in 0 : vector<33x32x128xf32>, vector<1x32x128xf32> -> vector<34x32x128xf32>
    %pad3A_504 = vector.broadcast %convert_element_type3A_499 : f32 to vector<34x1x128xf32>
    %pad3A_505 = tpu.concatenate %pad3A_504, %pad3A_503 in 1 : vector<34x1x128xf32>, vector<34x32x128xf32> -> vector<34x33x128xf32>
    %pad3A_506 = vector.broadcast %convert_element_type3A_499 : f32 to vector<34x1x128xf32>
    %pad3A_507 = tpu.concatenate %pad3A_505, %pad3A_506 in 1 : vector<34x33x128xf32>, vector<34x1x128xf32> -> vector<34x34x128xf32>
    %slice3A_508 = vector.extract_strided_slice %pad3A_341 {offsets = [1, 1, 0], sizes = [32, 32, 256], strides = [1, 1, 1]} : vector<34x34x256xf32> to vector<32x32x256xf32>
    %reshape3A_509 = vector.shape_cast %slice3A_508 : vector<32x32x256xf32> to vector<1024x256xf32>
    %slice3A_510 = vector.extract_strided_slice %get3A_345 {offsets = [5, 0, 0], sizes = [1, 256, 128], strides = [1, 1, 1]} : vector<16x256x128xf32> to vector<1x256x128xf32>
    %squeeze3A_511 = vector.shape_cast %slice3A_510 : vector<1x256x128xf32> to vector<256x128xf32>
    %convert_element_type3A_512 = arith.truncf %reshape3A_509 : vector<1024x256xf32> to vector<1024x256xbf16>
    %convert_element_type3A_513 = arith.truncf %squeeze3A_511 : vector<256x128xf32> to vector<256x128xbf16>
    %dot_general3A_514 = arith.constant dense<0.000000e+00> : vector<1024x128xf32>
    %dot_general3A_515 = tpu.matmul %convert_element_type3A_512, %convert_element_type3A_513, %dot_general3A_514 {dimension_numbers = #tpu.dot_dimension_numbers<[1], [0], [0], [1], [0, 0, 1, 1], [], []>, transpose_lhs_hint = false} : vector<1024x256xbf16>, vector<256x128xbf16>, vector<1024x128xf32> -> vector<1024x128xf32>
    %slice3A_516 = vector.extract_strided_slice %pad3A_341 {offsets = [1, 2, 0], sizes = [32, 32, 256], strides = [1, 1, 1]} : vector<34x34x256xf32> to vector<32x32x256xf32>
    %reshape3A_517 = vector.shape_cast %slice3A_516 : vector<32x32x256xf32> to vector<1024x256xf32>
    %slice3A_518 = vector.extract_strided_slice %get3A_345 {offsets = [7, 0, 0], sizes = [1, 256, 128], strides = [1, 1, 1]} : vector<16x256x128xf32> to vector<1x256x128xf32>
    %squeeze3A_519 = vector.shape_cast %slice3A_518 : vector<1x256x128xf32> to vector<256x128xf32>
    %convert_element_type3A_520 = arith.truncf %reshape3A_517 : vector<1024x256xf32> to vector<1024x256xbf16>
    %convert_element_type3A_521 = arith.truncf %squeeze3A_519 : vector<256x128xf32> to vector<256x128xbf16>
    %dot_general3A_522 = arith.constant dense<0.000000e+00> : vector<1024x128xf32>
    %dot_general3A_523 = tpu.matmul %convert_element_type3A_520, %convert_element_type3A_521, %dot_general3A_522 {dimension_numbers = #tpu.dot_dimension_numbers<[1], [0], [0], [1], [0, 0, 1, 1], [], []>, transpose_lhs_hint = false} : vector<1024x256xbf16>, vector<256x128xbf16>, vector<1024x128xf32> -> vector<1024x128xf32>
    %add3A_524 = arith.addf %dot_general3A_515, %dot_general3A_523 : vector<1024x128xf32>
    %slice3A_525 = vector.extract_strided_slice %pad3A_341 {offsets = [2, 1, 0], sizes = [32, 32, 256], strides = [1, 1, 1]} : vector<34x34x256xf32> to vector<32x32x256xf32>
    %reshape3A_526 = vector.shape_cast %slice3A_525 : vector<32x32x256xf32> to vector<1024x256xf32>
    %slice3A_527 = vector.extract_strided_slice %get3A_345 {offsets = [13, 0, 0], sizes = [1, 256, 128], strides = [1, 1, 1]} : vector<16x256x128xf32> to vector<1x256x128xf32>
    %squeeze3A_528 = vector.shape_cast %slice3A_527 : vector<1x256x128xf32> to vector<256x128xf32>
    %convert_element_type3A_529 = arith.truncf %reshape3A_526 : vector<1024x256xf32> to vector<1024x256xbf16>
    %convert_element_type3A_530 = arith.truncf %squeeze3A_528 : vector<256x128xf32> to vector<256x128xbf16>
    %dot_general3A_531 = arith.constant dense<0.000000e+00> : vector<1024x128xf32>
    %dot_general3A_532 = tpu.matmul %convert_element_type3A_529, %convert_element_type3A_530, %dot_general3A_531 {dimension_numbers = #tpu.dot_dimension_numbers<[1], [0], [0], [1], [0, 0, 1, 1], [], []>, transpose_lhs_hint = false} : vector<1024x256xbf16>, vector<256x128xbf16>, vector<1024x128xf32> -> vector<1024x128xf32>
    %add3A_533 = arith.addf %add3A_524, %dot_general3A_532 : vector<1024x128xf32>
    %slice3A_534 = vector.extract_strided_slice %pad3A_341 {offsets = [2, 2, 0], sizes = [32, 32, 256], strides = [1, 1, 1]} : vector<34x34x256xf32> to vector<32x32x256xf32>
    %reshape3A_535 = vector.shape_cast %slice3A_534 : vector<32x32x256xf32> to vector<1024x256xf32>
    %slice3A_536 = vector.extract_strided_slice %get3A_345 {offsets = [15, 0, 0], sizes = [1, 256, 128], strides = [1, 1, 1]} : vector<16x256x128xf32> to vector<1x256x128xf32>
    %squeeze3A_537 = vector.shape_cast %slice3A_536 : vector<1x256x128xf32> to vector<256x128xf32>
    %convert_element_type3A_538 = arith.truncf %reshape3A_535 : vector<1024x256xf32> to vector<1024x256xbf16>
    %convert_element_type3A_539 = arith.truncf %squeeze3A_537 : vector<256x128xf32> to vector<256x128xbf16>
    %dot_general3A_540 = arith.constant dense<0.000000e+00> : vector<1024x128xf32>
    %dot_general3A_541 = tpu.matmul %convert_element_type3A_538, %convert_element_type3A_539, %dot_general3A_540 {dimension_numbers = #tpu.dot_dimension_numbers<[1], [0], [0], [1], [0, 0, 1, 1], [], []>, transpose_lhs_hint = false} : vector<1024x256xbf16>, vector<256x128xbf16>, vector<1024x128xf32> -> vector<1024x128xf32>
    %add3A_542 = arith.addf %add3A_533, %dot_general3A_541 : vector<1024x128xf32>
    %get3A_543 = arith.constant 0 : index
    %get3A_544 = arith.constant 0 : index
    %get3A_545 = vector.load %arg12[%get3A_543, %get3A_544] : memref<1x128xf32, #tpu.memory_space<vmem>>, vector<1x128xf32>
    %add3A_546 = vector.broadcast %get3A_545 : vector<1x128xf32> to vector<1024x128xf32>
    %add3A_547 = arith.addf %add3A_542, %add3A_546 : vector<1024x128xf32>
    %max3A_548 = arith.constant 0.000000e+00 : f32
    %max3A_549 = vector.broadcast %max3A_548 : f32 to vector<1024x128xf32>
    %max3A_550 = arith.maximumf %add3A_547, %max3A_549 : vector<1024x128xf32>
    %reshape3A_551 = vector.shape_cast %max3A_550 : vector<1024x128xf32> to vector<32x32x128xf32>
    %jit3A_552 = arith.constant 0 : i32
    %convert_element_type3A_553 = arith.sitofp %jit3A_552 : i32 to f32
    %pad3A_554 = vector.broadcast %convert_element_type3A_553 : f32 to vector<1x32x128xf32>
    %pad3A_555 = tpu.concatenate %pad3A_554, %reshape3A_551 in 0 : vector<1x32x128xf32>, vector<32x32x128xf32> -> vector<33x32x128xf32>
    %pad3A_556 = vector.broadcast %convert_element_type3A_553 : f32 to vector<1x32x128xf32>
    %pad3A_557 = tpu.concatenate %pad3A_555, %pad3A_556 in 0 : vector<33x32x128xf32>, vector<1x32x128xf32> -> vector<34x32x128xf32>
    %pad3A_558 = vector.broadcast %convert_element_type3A_553 : f32 to vector<34x1x128xf32>
    %pad3A_559 = tpu.concatenate %pad3A_558, %pad3A_557 in 1 : vector<34x1x128xf32>, vector<34x32x128xf32> -> vector<34x33x128xf32>
    %pad3A_560 = vector.broadcast %convert_element_type3A_553 : f32 to vector<34x1x128xf32>
    %pad3A_561 = tpu.concatenate %pad3A_559, %pad3A_560 in 1 : vector<34x33x128xf32>, vector<34x1x128xf32> -> vector<34x34x128xf32>
    %get3A_562 = arith.constant 0 : index
    %get3A_563 = arith.constant 0 : index
    %get3A_564 = arith.constant 0 : index
    %get3A_565 = vector.load %arg13[%get3A_562, %get3A_563, %get3A_564] : memref<16x128x3xf32, #tpu.memory_space<vmem>>, vector<16x128x3xf32>
    %slice3A_566 = vector.extract_strided_slice %pad3A_561 {offsets = [0, 0, 0], sizes = [32, 32, 128], strides = [1, 1, 1]} : vector<34x34x128xf32> to vector<32x32x128xf32>
    %reshape3A_567 = vector.shape_cast %slice3A_566 : vector<32x32x128xf32> to vector<1024x128xf32>
    %slice3A_568 = vector.extract_strided_slice %get3A_565 {offsets = [0, 0, 0], sizes = [1, 128, 3], strides = [1, 1, 1]} : vector<16x128x3xf32> to vector<1x128x3xf32>
    %squeeze3A_569 = vector.shape_cast %slice3A_568 : vector<1x128x3xf32> to vector<128x3xf32>
    %convert_element_type3A_570 = arith.truncf %reshape3A_567 : vector<1024x128xf32> to vector<1024x128xbf16>
    %convert_element_type3A_571 = arith.truncf %squeeze3A_569 : vector<128x3xf32> to vector<128x3xbf16>
    %dot_general3A_572 = arith.constant dense<0.000000e+00> : vector<1024x3xf32>
    %dot_general3A_573 = tpu.matmul %convert_element_type3A_570, %convert_element_type3A_571, %dot_general3A_572 {dimension_numbers = #tpu.dot_dimension_numbers<[1], [0], [0], [1], [0, 0, 1, 1], [], []>, transpose_lhs_hint = false} : vector<1024x128xbf16>, vector<128x3xbf16>, vector<1024x3xf32> -> vector<1024x3xf32>
    %slice3A_574 = vector.extract_strided_slice %pad3A_507 {offsets = [0, 1, 0], sizes = [32, 32, 128], strides = [1, 1, 1]} : vector<34x34x128xf32> to vector<32x32x128xf32>
    %reshape3A_575 = vector.shape_cast %slice3A_574 : vector<32x32x128xf32> to vector<1024x128xf32>
    %slice3A_576 = vector.extract_strided_slice %get3A_565 {offsets = [2, 0, 0], sizes = [1, 128, 3], strides = [1, 1, 1]} : vector<16x128x3xf32> to vector<1x128x3xf32>
    %squeeze3A_577 = vector.shape_cast %slice3A_576 : vector<1x128x3xf32> to vector<128x3xf32>
    %convert_element_type3A_578 = arith.truncf %reshape3A_575 : vector<1024x128xf32> to vector<1024x128xbf16>
    %convert_element_type3A_579 = arith.truncf %squeeze3A_577 : vector<128x3xf32> to vector<128x3xbf16>
    %dot_general3A_580 = arith.constant dense<0.000000e+00> : vector<1024x3xf32>
    %dot_general3A_581 = tpu.matmul %convert_element_type3A_578, %convert_element_type3A_579, %dot_general3A_580 {dimension_numbers = #tpu.dot_dimension_numbers<[1], [0], [0], [1], [0, 0, 1, 1], [], []>, transpose_lhs_hint = false} : vector<1024x128xbf16>, vector<128x3xbf16>, vector<1024x3xf32> -> vector<1024x3xf32>
    %add3A_582 = arith.addf %dot_general3A_573, %dot_general3A_581 : vector<1024x3xf32>
    %slice3A_583 = vector.extract_strided_slice %pad3A_453 {offsets = [1, 0, 0], sizes = [32, 32, 128], strides = [1, 1, 1]} : vector<34x34x128xf32> to vector<32x32x128xf32>
    %reshape3A_584 = vector.shape_cast %slice3A_583 : vector<32x32x128xf32> to vector<1024x128xf32>
    %slice3A_585 = vector.extract_strided_slice %get3A_565 {offsets = [8, 0, 0], sizes = [1, 128, 3], strides = [1, 1, 1]} : vector<16x128x3xf32> to vector<1x128x3xf32>
    %squeeze3A_586 = vector.shape_cast %slice3A_585 : vector<1x128x3xf32> to vector<128x3xf32>
    %convert_element_type3A_587 = arith.truncf %reshape3A_584 : vector<1024x128xf32> to vector<1024x128xbf16>
    %convert_element_type3A_588 = arith.truncf %squeeze3A_586 : vector<128x3xf32> to vector<128x3xbf16>
    %dot_general3A_589 = arith.constant dense<0.000000e+00> : vector<1024x3xf32>
    %dot_general3A_590 = tpu.matmul %convert_element_type3A_587, %convert_element_type3A_588, %dot_general3A_589 {dimension_numbers = #tpu.dot_dimension_numbers<[1], [0], [0], [1], [0, 0, 1, 1], [], []>, transpose_lhs_hint = false} : vector<1024x128xbf16>, vector<128x3xbf16>, vector<1024x3xf32> -> vector<1024x3xf32>
    %add3A_591 = arith.addf %add3A_582, %dot_general3A_590 : vector<1024x3xf32>
    %slice3A_592 = vector.extract_strided_slice %pad3A_399 {offsets = [1, 1, 0], sizes = [32, 32, 128], strides = [1, 1, 1]} : vector<34x34x128xf32> to vector<32x32x128xf32>
    %reshape3A_593 = vector.shape_cast %slice3A_592 : vector<32x32x128xf32> to vector<1024x128xf32>
    %slice3A_594 = vector.extract_strided_slice %get3A_565 {offsets = [10, 0, 0], sizes = [1, 128, 3], strides = [1, 1, 1]} : vector<16x128x3xf32> to vector<1x128x3xf32>
    %squeeze3A_595 = vector.shape_cast %slice3A_594 : vector<1x128x3xf32> to vector<128x3xf32>
    %convert_element_type3A_596 = arith.truncf %reshape3A_593 : vector<1024x128xf32> to vector<1024x128xbf16>
    %convert_element_type3A_597 = arith.truncf %squeeze3A_595 : vector<128x3xf32> to vector<128x3xbf16>
    %dot_general3A_598 = arith.constant dense<0.000000e+00> : vector<1024x3xf32>
    %dot_general3A_599 = tpu.matmul %convert_element_type3A_596, %convert_element_type3A_597, %dot_general3A_598 {dimension_numbers = #tpu.dot_dimension_numbers<[1], [0], [0], [1], [0, 0, 1, 1], [], []>, transpose_lhs_hint = false} : vector<1024x128xbf16>, vector<128x3xbf16>, vector<1024x3xf32> -> vector<1024x3xf32>
    %add3A_600 = arith.addf %add3A_591, %dot_general3A_599 : vector<1024x3xf32>
    %get3A_601 = arith.constant 0 : index
    %get3A_602 = arith.constant 0 : index
    %get3A_603 = vector.load %arg14[%get3A_601, %get3A_602] : memref<1x3xf32, #tpu.memory_space<vmem>>, vector<1x3xf32>
    %add3A_604 = vector.broadcast %get3A_603 : vector<1x3xf32> to vector<1024x3xf32>
    %add3A_605 = arith.addf %add3A_600, %add3A_604 : vector<1024x3xf32>
    %slice3A_606 = vector.extract_strided_slice %pad3A_507 {offsets = [0, 1, 0], sizes = [32, 32, 128], strides = [1, 1, 1]} : vector<34x34x128xf32> to vector<32x32x128xf32>
    %reshape3A_607 = vector.shape_cast %slice3A_606 : vector<32x32x128xf32> to vector<1024x128xf32>
    %slice3A_608 = vector.extract_strided_slice %get3A_565 {offsets = [1, 0, 0], sizes = [1, 128, 3], strides = [1, 1, 1]} : vector<16x128x3xf32> to vector<1x128x3xf32>
    %squeeze3A_609 = vector.shape_cast %slice3A_608 : vector<1x128x3xf32> to vector<128x3xf32>
    %convert_element_type3A_610 = arith.truncf %reshape3A_607 : vector<1024x128xf32> to vector<1024x128xbf16>
    %convert_element_type3A_611 = arith.truncf %squeeze3A_609 : vector<128x3xf32> to vector<128x3xbf16>
    %dot_general3A_612 = arith.constant dense<0.000000e+00> : vector<1024x3xf32>
    %dot_general3A_613 = tpu.matmul %convert_element_type3A_610, %convert_element_type3A_611, %dot_general3A_612 {dimension_numbers = #tpu.dot_dimension_numbers<[1], [0], [0], [1], [0, 0, 1, 1], [], []>, transpose_lhs_hint = false} : vector<1024x128xbf16>, vector<128x3xbf16>, vector<1024x3xf32> -> vector<1024x3xf32>
    %slice3A_614 = vector.extract_strided_slice %pad3A_561 {offsets = [0, 1, 0], sizes = [32, 32, 128], strides = [1, 1, 1]} : vector<34x34x128xf32> to vector<32x32x128xf32>
    %reshape3A_615 = vector.shape_cast %slice3A_614 : vector<32x32x128xf32> to vector<1024x128xf32>
    %slice3A_616 = vector.extract_strided_slice %get3A_565 {offsets = [3, 0, 0], sizes = [1, 128, 3], strides = [1, 1, 1]} : vector<16x128x3xf32> to vector<1x128x3xf32>
    %squeeze3A_617 = vector.shape_cast %slice3A_616 : vector<1x128x3xf32> to vector<128x3xf32>
    %convert_element_type3A_618 = arith.truncf %reshape3A_615 : vector<1024x128xf32> to vector<1024x128xbf16>
    %convert_element_type3A_619 = arith.truncf %squeeze3A_617 : vector<128x3xf32> to vector<128x3xbf16>
    %dot_general3A_620 = arith.constant dense<0.000000e+00> : vector<1024x3xf32>
    %dot_general3A_621 = tpu.matmul %convert_element_type3A_618, %convert_element_type3A_619, %dot_general3A_620 {dimension_numbers = #tpu.dot_dimension_numbers<[1], [0], [0], [1], [0, 0, 1, 1], [], []>, transpose_lhs_hint = false} : vector<1024x128xbf16>, vector<128x3xbf16>, vector<1024x3xf32> -> vector<1024x3xf32>
    %add3A_622 = arith.addf %dot_general3A_613, %dot_general3A_621 : vector<1024x3xf32>
    %slice3A_623 = vector.extract_strided_slice %pad3A_399 {offsets = [1, 1, 0], sizes = [32, 32, 128], strides = [1, 1, 1]} : vector<34x34x128xf32> to vector<32x32x128xf32>
    %reshape3A_624 = vector.shape_cast %slice3A_623 : vector<32x32x128xf32> to vector<1024x128xf32>
    %slice3A_625 = vector.extract_strided_slice %get3A_565 {offsets = [9, 0, 0], sizes = [1, 128, 3], strides = [1, 1, 1]} : vector<16x128x3xf32> to vector<1x128x3xf32>
    %squeeze3A_626 = vector.shape_cast %slice3A_625 : vector<1x128x3xf32> to vector<128x3xf32>
    %convert_element_type3A_627 = arith.truncf %reshape3A_624 : vector<1024x128xf32> to vector<1024x128xbf16>
    %convert_element_type3A_628 = arith.truncf %squeeze3A_626 : vector<128x3xf32> to vector<128x3xbf16>
    %dot_general3A_629 = arith.constant dense<0.000000e+00> : vector<1024x3xf32>
    %dot_general3A_630 = tpu.matmul %convert_element_type3A_627, %convert_element_type3A_628, %dot_general3A_629 {dimension_numbers = #tpu.dot_dimension_numbers<[1], [0], [0], [1], [0, 0, 1, 1], [], []>, transpose_lhs_hint = false} : vector<1024x128xbf16>, vector<128x3xbf16>, vector<1024x3xf32> -> vector<1024x3xf32>
    %add3A_631 = arith.addf %add3A_622, %dot_general3A_630 : vector<1024x3xf32>
    %slice3A_632 = vector.extract_strided_slice %pad3A_453 {offsets = [1, 1, 0], sizes = [32, 32, 128], strides = [1, 1, 1]} : vector<34x34x128xf32> to vector<32x32x128xf32>
    %reshape3A_633 = vector.shape_cast %slice3A_632 : vector<32x32x128xf32> to vector<1024x128xf32>
    %slice3A_634 = vector.extract_strided_slice %get3A_565 {offsets = [11, 0, 0], sizes = [1, 128, 3], strides = [1, 1, 1]} : vector<16x128x3xf32> to vector<1x128x3xf32>
    %squeeze3A_635 = vector.shape_cast %slice3A_634 : vector<1x128x3xf32> to vector<128x3xf32>
    %convert_element_type3A_636 = arith.truncf %reshape3A_633 : vector<1024x128xf32> to vector<1024x128xbf16>
    %convert_element_type3A_637 = arith.truncf %squeeze3A_635 : vector<128x3xf32> to vector<128x3xbf16>
    %dot_general3A_638 = arith.constant dense<0.000000e+00> : vector<1024x3xf32>
    %dot_general3A_639 = tpu.matmul %convert_element_type3A_636, %convert_element_type3A_637, %dot_general3A_638 {dimension_numbers = #tpu.dot_dimension_numbers<[1], [0], [0], [1], [0, 0, 1, 1], [], []>, transpose_lhs_hint = false} : vector<1024x128xbf16>, vector<128x3xbf16>, vector<1024x3xf32> -> vector<1024x3xf32>
    %add3A_640 = arith.addf %add3A_631, %dot_general3A_639 : vector<1024x3xf32>
    %get3A_641 = arith.constant 0 : index
    %get3A_642 = arith.constant 0 : index
    %get3A_643 = vector.load %arg14[%get3A_641, %get3A_642] : memref<1x3xf32, #tpu.memory_space<vmem>>, vector<1x3xf32>
    %add3A_644 = vector.broadcast %get3A_643 : vector<1x3xf32> to vector<1024x3xf32>
    %add3A_645 = arith.addf %add3A_640, %add3A_644 : vector<1024x3xf32>
    %slice3A_646 = vector.extract_strided_slice %pad3A_507 {offsets = [0, 1, 0], sizes = [32, 32, 128], strides = [1, 1, 1]} : vector<34x34x128xf32> to vector<32x32x128xf32>
    %reshape3A_647 = vector.shape_cast %slice3A_646 : vector<32x32x128xf32> to vector<1024x128xf32>
    %slice3A_648 = vector.extract_strided_slice %get3A_565 {offsets = [0, 0, 0], sizes = [1, 128, 3], strides = [1, 1, 1]} : vector<16x128x3xf32> to vector<1x128x3xf32>
    %squeeze3A_649 = vector.shape_cast %slice3A_648 : vector<1x128x3xf32> to vector<128x3xf32>
    %convert_element_type3A_650 = arith.truncf %reshape3A_647 : vector<1024x128xf32> to vector<1024x128xbf16>
    %convert_element_type3A_651 = arith.truncf %squeeze3A_649 : vector<128x3xf32> to vector<128x3xbf16>
    %dot_general3A_652 = arith.constant dense<0.000000e+00> : vector<1024x3xf32>
    %dot_general3A_653 = tpu.matmul %convert_element_type3A_650, %convert_element_type3A_651, %dot_general3A_652 {dimension_numbers = #tpu.dot_dimension_numbers<[1], [0], [0], [1], [0, 0, 1, 1], [], []>, transpose_lhs_hint = false} : vector<1024x128xbf16>, vector<128x3xbf16>, vector<1024x3xf32> -> vector<1024x3xf32>
    %slice3A_654 = vector.extract_strided_slice %pad3A_561 {offsets = [0, 1, 0], sizes = [32, 32, 128], strides = [1, 1, 1]} : vector<34x34x128xf32> to vector<32x32x128xf32>
    %reshape3A_655 = vector.shape_cast %slice3A_654 : vector<32x32x128xf32> to vector<1024x128xf32>
    %slice3A_656 = vector.extract_strided_slice %get3A_565 {offsets = [2, 0, 0], sizes = [1, 128, 3], strides = [1, 1, 1]} : vector<16x128x3xf32> to vector<1x128x3xf32>
    %squeeze3A_657 = vector.shape_cast %slice3A_656 : vector<1x128x3xf32> to vector<128x3xf32>
    %convert_element_type3A_658 = arith.truncf %reshape3A_655 : vector<1024x128xf32> to vector<1024x128xbf16>
    %convert_element_type3A_659 = arith.truncf %squeeze3A_657 : vector<128x3xf32> to vector<128x3xbf16>
    %dot_general3A_660 = arith.constant dense<0.000000e+00> : vector<1024x3xf32>
    %dot_general3A_661 = tpu.matmul %convert_element_type3A_658, %convert_element_type3A_659, %dot_general3A_660 {dimension_numbers = #tpu.dot_dimension_numbers<[1], [0], [0], [1], [0, 0, 1, 1], [], []>, transpose_lhs_hint = false} : vector<1024x128xbf16>, vector<128x3xbf16>, vector<1024x3xf32> -> vector<1024x3xf32>
    %add3A_662 = arith.addf %dot_general3A_653, %dot_general3A_661 : vector<1024x3xf32>
    %slice3A_663 = vector.extract_strided_slice %pad3A_399 {offsets = [1, 1, 0], sizes = [32, 32, 128], strides = [1, 1, 1]} : vector<34x34x128xf32> to vector<32x32x128xf32>
    %reshape3A_664 = vector.shape_cast %slice3A_663 : vector<32x32x128xf32> to vector<1024x128xf32>
    %slice3A_665 = vector.extract_strided_slice %get3A_565 {offsets = [8, 0, 0], sizes = [1, 128, 3], strides = [1, 1, 1]} : vector<16x128x3xf32> to vector<1x128x3xf32>
    %squeeze3A_666 = vector.shape_cast %slice3A_665 : vector<1x128x3xf32> to vector<128x3xf32>
    %convert_element_type3A_667 = arith.truncf %reshape3A_664 : vector<1024x128xf32> to vector<1024x128xbf16>
    %convert_element_type3A_668 = arith.truncf %squeeze3A_666 : vector<128x3xf32> to vector<128x3xbf16>
    %dot_general3A_669 = arith.constant dense<0.000000e+00> : vector<1024x3xf32>
    %dot_general3A_670 = tpu.matmul %convert_element_type3A_667, %convert_element_type3A_668, %dot_general3A_669 {dimension_numbers = #tpu.dot_dimension_numbers<[1], [0], [0], [1], [0, 0, 1, 1], [], []>, transpose_lhs_hint = false} : vector<1024x128xbf16>, vector<128x3xbf16>, vector<1024x3xf32> -> vector<1024x3xf32>
    %add3A_671 = arith.addf %add3A_662, %dot_general3A_670 : vector<1024x3xf32>
    %slice3A_672 = vector.extract_strided_slice %pad3A_453 {offsets = [1, 1, 0], sizes = [32, 32, 128], strides = [1, 1, 1]} : vector<34x34x128xf32> to vector<32x32x128xf32>
    %reshape3A_673 = vector.shape_cast %slice3A_672 : vector<32x32x128xf32> to vector<1024x128xf32>
    %slice3A_674 = vector.extract_strided_slice %get3A_565 {offsets = [10, 0, 0], sizes = [1, 128, 3], strides = [1, 1, 1]} : vector<16x128x3xf32> to vector<1x128x3xf32>
    %squeeze3A_675 = vector.shape_cast %slice3A_674 : vector<1x128x3xf32> to vector<128x3xf32>
    %convert_element_type3A_676 = arith.truncf %reshape3A_673 : vector<1024x128xf32> to vector<1024x128xbf16>
    %convert_element_type3A_677 = arith.truncf %squeeze3A_675 : vector<128x3xf32> to vector<128x3xbf16>
    %dot_general3A_678 = arith.constant dense<0.000000e+00> : vector<1024x3xf32>
    %dot_general3A_679 = tpu.matmul %convert_element_type3A_676, %convert_element_type3A_677, %dot_general3A_678 {dimension_numbers = #tpu.dot_dimension_numbers<[1], [0], [0], [1], [0, 0, 1, 1], [], []>, transpose_lhs_hint = false} : vector<1024x128xbf16>, vector<128x3xbf16>, vector<1024x3xf32> -> vector<1024x3xf32>
    %add3A_680 = arith.addf %add3A_671, %dot_general3A_679 : vector<1024x3xf32>
    %get3A_681 = arith.constant 0 : index
    %get3A_682 = arith.constant 0 : index
    %get3A_683 = vector.load %arg14[%get3A_681, %get3A_682] : memref<1x3xf32, #tpu.memory_space<vmem>>, vector<1x3xf32>
    %add3A_684 = vector.broadcast %get3A_683 : vector<1x3xf32> to vector<1024x3xf32>
    %add3A_685 = arith.addf %add3A_680, %add3A_684 : vector<1024x3xf32>
    %slice3A_686 = vector.extract_strided_slice %pad3A_561 {offsets = [0, 1, 0], sizes = [32, 32, 128], strides = [1, 1, 1]} : vector<34x34x128xf32> to vector<32x32x128xf32>
    %reshape3A_687 = vector.shape_cast %slice3A_686 : vector<32x32x128xf32> to vector<1024x128xf32>
    %slice3A_688 = vector.extract_strided_slice %get3A_565 {offsets = [1, 0, 0], sizes = [1, 128, 3], strides = [1, 1, 1]} : vector<16x128x3xf32> to vector<1x128x3xf32>
    %squeeze3A_689 = vector.shape_cast %slice3A_688 : vector<1x128x3xf32> to vector<128x3xf32>
    %convert_element_type3A_690 = arith.truncf %reshape3A_687 : vector<1024x128xf32> to vector<1024x128xbf16>
    %convert_element_type3A_691 = arith.truncf %squeeze3A_689 : vector<128x3xf32> to vector<128x3xbf16>
    %dot_general3A_692 = arith.constant dense<0.000000e+00> : vector<1024x3xf32>
    %dot_general3A_693 = tpu.matmul %convert_element_type3A_690, %convert_element_type3A_691, %dot_general3A_692 {dimension_numbers = #tpu.dot_dimension_numbers<[1], [0], [0], [1], [0, 0, 1, 1], [], []>, transpose_lhs_hint = false} : vector<1024x128xbf16>, vector<128x3xbf16>, vector<1024x3xf32> -> vector<1024x3xf32>
    %slice3A_694 = vector.extract_strided_slice %pad3A_507 {offsets = [0, 2, 0], sizes = [32, 32, 128], strides = [1, 1, 1]} : vector<34x34x128xf32> to vector<32x32x128xf32>
    %reshape3A_695 = vector.shape_cast %slice3A_694 : vector<32x32x128xf32> to vector<1024x128xf32>
    %slice3A_696 = vector.extract_strided_slice %get3A_565 {offsets = [3, 0, 0], sizes = [1, 128, 3], strides = [1, 1, 1]} : vector<16x128x3xf32> to vector<1x128x3xf32>
    %squeeze3A_697 = vector.shape_cast %slice3A_696 : vector<1x128x3xf32> to vector<128x3xf32>
    %convert_element_type3A_698 = arith.truncf %reshape3A_695 : vector<1024x128xf32> to vector<1024x128xbf16>
    %convert_element_type3A_699 = arith.truncf %squeeze3A_697 : vector<128x3xf32> to vector<128x3xbf16>
    %dot_general3A_700 = arith.constant dense<0.000000e+00> : vector<1024x3xf32>
    %dot_general3A_701 = tpu.matmul %convert_element_type3A_698, %convert_element_type3A_699, %dot_general3A_700 {dimension_numbers = #tpu.dot_dimension_numbers<[1], [0], [0], [1], [0, 0, 1, 1], [], []>, transpose_lhs_hint = false} : vector<1024x128xbf16>, vector<128x3xbf16>, vector<1024x3xf32> -> vector<1024x3xf32>
    %add3A_702 = arith.addf %dot_general3A_693, %dot_general3A_701 : vector<1024x3xf32>
    %slice3A_703 = vector.extract_strided_slice %pad3A_453 {offsets = [1, 1, 0], sizes = [32, 32, 128], strides = [1, 1, 1]} : vector<34x34x128xf32> to vector<32x32x128xf32>
    %reshape3A_704 = vector.shape_cast %slice3A_703 : vector<32x32x128xf32> to vector<1024x128xf32>
    %slice3A_705 = vector.extract_strided_slice %get3A_565 {offsets = [9, 0, 0], sizes = [1, 128, 3], strides = [1, 1, 1]} : vector<16x128x3xf32> to vector<1x128x3xf32>
    %squeeze3A_706 = vector.shape_cast %slice3A_705 : vector<1x128x3xf32> to vector<128x3xf32>
    %convert_element_type3A_707 = arith.truncf %reshape3A_704 : vector<1024x128xf32> to vector<1024x128xbf16>
    %convert_element_type3A_708 = arith.truncf %squeeze3A_706 : vector<128x3xf32> to vector<128x3xbf16>
    %dot_general3A_709 = arith.constant dense<0.000000e+00> : vector<1024x3xf32>
    %dot_general3A_710 = tpu.matmul %convert_element_type3A_707, %convert_element_type3A_708, %dot_general3A_709 {dimension_numbers = #tpu.dot_dimension_numbers<[1], [0], [0], [1], [0, 0, 1, 1], [], []>, transpose_lhs_hint = false} : vector<1024x128xbf16>, vector<128x3xbf16>, vector<1024x3xf32> -> vector<1024x3xf32>
    %add3A_711 = arith.addf %add3A_702, %dot_general3A_710 : vector<1024x3xf32>
    %slice3A_712 = vector.extract_strided_slice %pad3A_399 {offsets = [1, 2, 0], sizes = [32, 32, 128], strides = [1, 1, 1]} : vector<34x34x128xf32> to vector<32x32x128xf32>
    %reshape3A_713 = vector.shape_cast %slice3A_712 : vector<32x32x128xf32> to vector<1024x128xf32>
    %slice3A_714 = vector.extract_strided_slice %get3A_565 {offsets = [11, 0, 0], sizes = [1, 128, 3], strides = [1, 1, 1]} : vector<16x128x3xf32> to vector<1x128x3xf32>
    %squeeze3A_715 = vector.shape_cast %slice3A_714 : vector<1x128x3xf32> to vector<128x3xf32>
    %convert_element_type3A_716 = arith.truncf %reshape3A_713 : vector<1024x128xf32> to vector<1024x128xbf16>
    %convert_element_type3A_717 = arith.truncf %squeeze3A_715 : vector<128x3xf32> to vector<128x3xbf16>
    %dot_general3A_718 = arith.constant dense<0.000000e+00> : vector<1024x3xf32>
    %dot_general3A_719 = tpu.matmul %convert_element_type3A_716, %convert_element_type3A_717, %dot_general3A_718 {dimension_numbers = #tpu.dot_dimension_numbers<[1], [0], [0], [1], [0, 0, 1, 1], [], []>, transpose_lhs_hint = false} : vector<1024x128xbf16>, vector<128x3xbf16>, vector<1024x3xf32> -> vector<1024x3xf32>
    %add3A_720 = arith.addf %add3A_711, %dot_general3A_719 : vector<1024x3xf32>
    %get3A_721 = arith.constant 0 : index
    %get3A_722 = arith.constant 0 : index
    %get3A_723 = vector.load %arg14[%get3A_721, %get3A_722] : memref<1x3xf32, #tpu.memory_space<vmem>>, vector<1x3xf32>
    %add3A_724 = vector.broadcast %get3A_723 : vector<1x3xf32> to vector<1024x3xf32>
    %add3A_725 = arith.addf %add3A_720, %add3A_724 : vector<1024x3xf32>
    %slice3A_726 = vector.extract_strided_slice %pad3A_453 {offsets = [1, 0, 0], sizes = [32, 32, 128], strides = [1, 1, 1]} : vector<34x34x128xf32> to vector<32x32x128xf32>
    %reshape3A_727 = vector.shape_cast %slice3A_726 : vector<32x32x128xf32> to vector<1024x128xf32>
    %slice3A_728 = vector.extract_strided_slice %get3A_565 {offsets = [4, 0, 0], sizes = [1, 128, 3], strides = [1, 1, 1]} : vector<16x128x3xf32> to vector<1x128x3xf32>
    %squeeze3A_729 = vector.shape_cast %slice3A_728 : vector<1x128x3xf32> to vector<128x3xf32>
    %convert_element_type3A_730 = arith.truncf %reshape3A_727 : vector<1024x128xf32> to vector<1024x128xbf16>
    %convert_element_type3A_731 = arith.truncf %squeeze3A_729 : vector<128x3xf32> to vector<128x3xbf16>
    %dot_general3A_732 = arith.constant dense<0.000000e+00> : vector<1024x3xf32>
    %dot_general3A_733 = tpu.matmul %convert_element_type3A_730, %convert_element_type3A_731, %dot_general3A_732 {dimension_numbers = #tpu.dot_dimension_numbers<[1], [0], [0], [1], [0, 0, 1, 1], [], []>, transpose_lhs_hint = false} : vector<1024x128xbf16>, vector<128x3xbf16>, vector<1024x3xf32> -> vector<1024x3xf32>
    %slice3A_734 = vector.extract_strided_slice %pad3A_399 {offsets = [1, 1, 0], sizes = [32, 32, 128], strides = [1, 1, 1]} : vector<34x34x128xf32> to vector<32x32x128xf32>
    %reshape3A_735 = vector.shape_cast %slice3A_734 : vector<32x32x128xf32> to vector<1024x128xf32>
    %slice3A_736 = vector.extract_strided_slice %get3A_565 {offsets = [6, 0, 0], sizes = [1, 128, 3], strides = [1, 1, 1]} : vector<16x128x3xf32> to vector<1x128x3xf32>
    %squeeze3A_737 = vector.shape_cast %slice3A_736 : vector<1x128x3xf32> to vector<128x3xf32>
    %convert_element_type3A_738 = arith.truncf %reshape3A_735 : vector<1024x128xf32> to vector<1024x128xbf16>
    %convert_element_type3A_739 = arith.truncf %squeeze3A_737 : vector<128x3xf32> to vector<128x3xbf16>
    %dot_general3A_740 = arith.constant dense<0.000000e+00> : vector<1024x3xf32>
    %dot_general3A_741 = tpu.matmul %convert_element_type3A_738, %convert_element_type3A_739, %dot_general3A_740 {dimension_numbers = #tpu.dot_dimension_numbers<[1], [0], [0], [1], [0, 0, 1, 1], [], []>, transpose_lhs_hint = false} : vector<1024x128xbf16>, vector<128x3xbf16>, vector<1024x3xf32> -> vector<1024x3xf32>
    %add3A_742 = arith.addf %dot_general3A_733, %dot_general3A_741 : vector<1024x3xf32>
    %slice3A_743 = vector.extract_strided_slice %pad3A_561 {offsets = [1, 0, 0], sizes = [32, 32, 128], strides = [1, 1, 1]} : vector<34x34x128xf32> to vector<32x32x128xf32>
    %reshape3A_744 = vector.shape_cast %slice3A_743 : vector<32x32x128xf32> to vector<1024x128xf32>
    %slice3A_745 = vector.extract_strided_slice %get3A_565 {offsets = [12, 0, 0], sizes = [1, 128, 3], strides = [1, 1, 1]} : vector<16x128x3xf32> to vector<1x128x3xf32>
    %squeeze3A_746 = vector.shape_cast %slice3A_745 : vector<1x128x3xf32> to vector<128x3xf32>
    %convert_element_type3A_747 = arith.truncf %reshape3A_744 : vector<1024x128xf32> to vector<1024x128xbf16>
    %convert_element_type3A_748 = arith.truncf %squeeze3A_746 : vector<128x3xf32> to vector<128x3xbf16>
    %dot_general3A_749 = arith.constant dense<0.000000e+00> : vector<1024x3xf32>
    %dot_general3A_750 = tpu.matmul %convert_element_type3A_747, %convert_element_type3A_748, %dot_general3A_749 {dimension_numbers = #tpu.dot_dimension_numbers<[1], [0], [0], [1], [0, 0, 1, 1], [], []>, transpose_lhs_hint = false} : vector<1024x128xbf16>, vector<128x3xbf16>, vector<1024x3xf32> -> vector<1024x3xf32>
    %add3A_751 = arith.addf %add3A_742, %dot_general3A_750 : vector<1024x3xf32>
    %slice3A_752 = vector.extract_strided_slice %pad3A_507 {offsets = [1, 1, 0], sizes = [32, 32, 128], strides = [1, 1, 1]} : vector<34x34x128xf32> to vector<32x32x128xf32>
    %reshape3A_753 = vector.shape_cast %slice3A_752 : vector<32x32x128xf32> to vector<1024x128xf32>
    %slice3A_754 = vector.extract_strided_slice %get3A_565 {offsets = [14, 0, 0], sizes = [1, 128, 3], strides = [1, 1, 1]} : vector<16x128x3xf32> to vector<1x128x3xf32>
    %squeeze3A_755 = vector.shape_cast %slice3A_754 : vector<1x128x3xf32> to vector<128x3xf32>
    %convert_element_type3A_756 = arith.truncf %reshape3A_753 : vector<1024x128xf32> to vector<1024x128xbf16>
    %convert_element_type3A_757 = arith.truncf %squeeze3A_755 : vector<128x3xf32> to vector<128x3xbf16>
    %dot_general3A_758 = arith.constant dense<0.000000e+00> : vector<1024x3xf32>
    %dot_general3A_759 = tpu.matmul %convert_element_type3A_756, %convert_element_type3A_757, %dot_general3A_758 {dimension_numbers = #tpu.dot_dimension_numbers<[1], [0], [0], [1], [0, 0, 1, 1], [], []>, transpose_lhs_hint = false} : vector<1024x128xbf16>, vector<128x3xbf16>, vector<1024x3xf32> -> vector<1024x3xf32>
    %add3A_760 = arith.addf %add3A_751, %dot_general3A_759 : vector<1024x3xf32>
    %get3A_761 = arith.constant 0 : index
    %get3A_762 = arith.constant 0 : index
    %get3A_763 = vector.load %arg14[%get3A_761, %get3A_762] : memref<1x3xf32, #tpu.memory_space<vmem>>, vector<1x3xf32>
    %add3A_764 = vector.broadcast %get3A_763 : vector<1x3xf32> to vector<1024x3xf32>
    %add3A_765 = arith.addf %add3A_760, %add3A_764 : vector<1024x3xf32>
    %slice3A_766 = vector.extract_strided_slice %pad3A_399 {offsets = [1, 1, 0], sizes = [32, 32, 128], strides = [1, 1, 1]} : vector<34x34x128xf32> to vector<32x32x128xf32>
    %reshape3A_767 = vector.shape_cast %slice3A_766 : vector<32x32x128xf32> to vector<1024x128xf32>
    %slice3A_768 = vector.extract_strided_slice %get3A_565 {offsets = [5, 0, 0], sizes = [1, 128, 3], strides = [1, 1, 1]} : vector<16x128x3xf32> to vector<1x128x3xf32>
    %squeeze3A_769 = vector.shape_cast %slice3A_768 : vector<1x128x3xf32> to vector<128x3xf32>
    %convert_element_type3A_770 = arith.truncf %reshape3A_767 : vector<1024x128xf32> to vector<1024x128xbf16>
    %convert_element_type3A_771 = arith.truncf %squeeze3A_769 : vector<128x3xf32> to vector<128x3xbf16>
    %dot_general3A_772 = arith.constant dense<0.000000e+00> : vector<1024x3xf32>
    %dot_general3A_773 = tpu.matmul %convert_element_type3A_770, %convert_element_type3A_771, %dot_general3A_772 {dimension_numbers = #tpu.dot_dimension_numbers<[1], [0], [0], [1], [0, 0, 1, 1], [], []>, transpose_lhs_hint = false} : vector<1024x128xbf16>, vector<128x3xbf16>, vector<1024x3xf32> -> vector<1024x3xf32>
    %slice3A_774 = vector.extract_strided_slice %pad3A_453 {offsets = [1, 1, 0], sizes = [32, 32, 128], strides = [1, 1, 1]} : vector<34x34x128xf32> to vector<32x32x128xf32>
    %reshape3A_775 = vector.shape_cast %slice3A_774 : vector<32x32x128xf32> to vector<1024x128xf32>
    %slice3A_776 = vector.extract_strided_slice %get3A_565 {offsets = [7, 0, 0], sizes = [1, 128, 3], strides = [1, 1, 1]} : vector<16x128x3xf32> to vector<1x128x3xf32>
    %squeeze3A_777 = vector.shape_cast %slice3A_776 : vector<1x128x3xf32> to vector<128x3xf32>
    %convert_element_type3A_778 = arith.truncf %reshape3A_775 : vector<1024x128xf32> to vector<1024x128xbf16>
    %convert_element_type3A_779 = arith.truncf %squeeze3A_777 : vector<128x3xf32> to vector<128x3xbf16>
    %dot_general3A_780 = arith.constant dense<0.000000e+00> : vector<1024x3xf32>
    %dot_general3A_781 = tpu.matmul %convert_element_type3A_778, %convert_element_type3A_779, %dot_general3A_780 {dimension_numbers = #tpu.dot_dimension_numbers<[1], [0], [0], [1], [0, 0, 1, 1], [], []>, transpose_lhs_hint = false} : vector<1024x128xbf16>, vector<128x3xbf16>, vector<1024x3xf32> -> vector<1024x3xf32>
    %add3A_782 = arith.addf %dot_general3A_773, %dot_general3A_781 : vector<1024x3xf32>
    %slice3A_783 = vector.extract_strided_slice %pad3A_507 {offsets = [1, 1, 0], sizes = [32, 32, 128], strides = [1, 1, 1]} : vector<34x34x128xf32> to vector<32x32x128xf32>
    %reshape3A_784 = vector.shape_cast %slice3A_783 : vector<32x32x128xf32> to vector<1024x128xf32>
    %slice3A_785 = vector.extract_strided_slice %get3A_565 {offsets = [13, 0, 0], sizes = [1, 128, 3], strides = [1, 1, 1]} : vector<16x128x3xf32> to vector<1x128x3xf32>
    %squeeze3A_786 = vector.shape_cast %slice3A_785 : vector<1x128x3xf32> to vector<128x3xf32>
    %convert_element_type3A_787 = arith.truncf %reshape3A_784 : vector<1024x128xf32> to vector<1024x128xbf16>
    %convert_element_type3A_788 = arith.truncf %squeeze3A_786 : vector<128x3xf32> to vector<128x3xbf16>
    %dot_general3A_789 = arith.constant dense<0.000000e+00> : vector<1024x3xf32>
    %dot_general3A_790 = tpu.matmul %convert_element_type3A_787, %convert_element_type3A_788, %dot_general3A_789 {dimension_numbers = #tpu.dot_dimension_numbers<[1], [0], [0], [1], [0, 0, 1, 1], [], []>, transpose_lhs_hint = false} : vector<1024x128xbf16>, vector<128x3xbf16>, vector<1024x3xf32> -> vector<1024x3xf32>
    %add3A_791 = arith.addf %add3A_782, %dot_general3A_790 : vector<1024x3xf32>
    %slice3A_792 = vector.extract_strided_slice %pad3A_561 {offsets = [1, 1, 0], sizes = [32, 32, 128], strides = [1, 1, 1]} : vector<34x34x128xf32> to vector<32x32x128xf32>
    %reshape3A_793 = vector.shape_cast %slice3A_792 : vector<32x32x128xf32> to vector<1024x128xf32>
    %slice3A_794 = vector.extract_strided_slice %get3A_565 {offsets = [15, 0, 0], sizes = [1, 128, 3], strides = [1, 1, 1]} : vector<16x128x3xf32> to vector<1x128x3xf32>
    %squeeze3A_795 = vector.shape_cast %slice3A_794 : vector<1x128x3xf32> to vector<128x3xf32>
    %convert_element_type3A_796 = arith.truncf %reshape3A_793 : vector<1024x128xf32> to vector<1024x128xbf16>
    %convert_element_type3A_797 = arith.truncf %squeeze3A_795 : vector<128x3xf32> to vector<128x3xbf16>
    %dot_general3A_798 = arith.constant dense<0.000000e+00> : vector<1024x3xf32>
    %dot_general3A_799 = tpu.matmul %convert_element_type3A_796, %convert_element_type3A_797, %dot_general3A_798 {dimension_numbers = #tpu.dot_dimension_numbers<[1], [0], [0], [1], [0, 0, 1, 1], [], []>, transpose_lhs_hint = false} : vector<1024x128xbf16>, vector<128x3xbf16>, vector<1024x3xf32> -> vector<1024x3xf32>
    %add3A_800 = arith.addf %add3A_791, %dot_general3A_799 : vector<1024x3xf32>
    %get3A_801 = arith.constant 0 : index
    %get3A_802 = arith.constant 0 : index
    %get3A_803 = vector.load %arg14[%get3A_801, %get3A_802] : memref<1x3xf32, #tpu.memory_space<vmem>>, vector<1x3xf32>
    %add3A_804 = vector.broadcast %get3A_803 : vector<1x3xf32> to vector<1024x3xf32>
    %add3A_805 = arith.addf %add3A_800, %add3A_804 : vector<1024x3xf32>
    %slice3A_806 = vector.extract_strided_slice %pad3A_399 {offsets = [1, 1, 0], sizes = [32, 32, 128], strides = [1, 1, 1]} : vector<34x34x128xf32> to vector<32x32x128xf32>
    %reshape3A_807 = vector.shape_cast %slice3A_806 : vector<32x32x128xf32> to vector<1024x128xf32>
    %slice3A_808 = vector.extract_strided_slice %get3A_565 {offsets = [4, 0, 0], sizes = [1, 128, 3], strides = [1, 1, 1]} : vector<16x128x3xf32> to vector<1x128x3xf32>
    %squeeze3A_809 = vector.shape_cast %slice3A_808 : vector<1x128x3xf32> to vector<128x3xf32>
    %convert_element_type3A_810 = arith.truncf %reshape3A_807 : vector<1024x128xf32> to vector<1024x128xbf16>
    %convert_element_type3A_811 = arith.truncf %squeeze3A_809 : vector<128x3xf32> to vector<128x3xbf16>
    %dot_general3A_812 = arith.constant dense<0.000000e+00> : vector<1024x3xf32>
    %dot_general3A_813 = tpu.matmul %convert_element_type3A_810, %convert_element_type3A_811, %dot_general3A_812 {dimension_numbers = #tpu.dot_dimension_numbers<[1], [0], [0], [1], [0, 0, 1, 1], [], []>, transpose_lhs_hint = false} : vector<1024x128xbf16>, vector<128x3xbf16>, vector<1024x3xf32> -> vector<1024x3xf32>
    %slice3A_814 = vector.extract_strided_slice %pad3A_453 {offsets = [1, 1, 0], sizes = [32, 32, 128], strides = [1, 1, 1]} : vector<34x34x128xf32> to vector<32x32x128xf32>
    %reshape3A_815 = vector.shape_cast %slice3A_814 : vector<32x32x128xf32> to vector<1024x128xf32>
    %slice3A_816 = vector.extract_strided_slice %get3A_565 {offsets = [6, 0, 0], sizes = [1, 128, 3], strides = [1, 1, 1]} : vector<16x128x3xf32> to vector<1x128x3xf32>
    %squeeze3A_817 = vector.shape_cast %slice3A_816 : vector<1x128x3xf32> to vector<128x3xf32>
    %convert_element_type3A_818 = arith.truncf %reshape3A_815 : vector<1024x128xf32> to vector<1024x128xbf16>
    %convert_element_type3A_819 = arith.truncf %squeeze3A_817 : vector<128x3xf32> to vector<128x3xbf16>
    %dot_general3A_820 = arith.constant dense<0.000000e+00> : vector<1024x3xf32>
    %dot_general3A_821 = tpu.matmul %convert_element_type3A_818, %convert_element_type3A_819, %dot_general3A_820 {dimension_numbers = #tpu.dot_dimension_numbers<[1], [0], [0], [1], [0, 0, 1, 1], [], []>, transpose_lhs_hint = false} : vector<1024x128xbf16>, vector<128x3xbf16>, vector<1024x3xf32> -> vector<1024x3xf32>
    %add3A_822 = arith.addf %dot_general3A_813, %dot_general3A_821 : vector<1024x3xf32>
    %slice3A_823 = vector.extract_strided_slice %pad3A_507 {offsets = [1, 1, 0], sizes = [32, 32, 128], strides = [1, 1, 1]} : vector<34x34x128xf32> to vector<32x32x128xf32>
    %reshape3A_824 = vector.shape_cast %slice3A_823 : vector<32x32x128xf32> to vector<1024x128xf32>
    %slice3A_825 = vector.extract_strided_slice %get3A_565 {offsets = [12, 0, 0], sizes = [1, 128, 3], strides = [1, 1, 1]} : vector<16x128x3xf32> to vector<1x128x3xf32>
    %squeeze3A_826 = vector.shape_cast %slice3A_825 : vector<1x128x3xf32> to vector<128x3xf32>
    %convert_element_type3A_827 = arith.truncf %reshape3A_824 : vector<1024x128xf32> to vector<1024x128xbf16>
    %convert_element_type3A_828 = arith.truncf %squeeze3A_826 : vector<128x3xf32> to vector<128x3xbf16>
    %dot_general3A_829 = arith.constant dense<0.000000e+00> : vector<1024x3xf32>
    %dot_general3A_830 = tpu.matmul %convert_element_type3A_827, %convert_element_type3A_828, %dot_general3A_829 {dimension_numbers = #tpu.dot_dimension_numbers<[1], [0], [0], [1], [0, 0, 1, 1], [], []>, transpose_lhs_hint = false} : vector<1024x128xbf16>, vector<128x3xbf16>, vector<1024x3xf32> -> vector<1024x3xf32>
    %add3A_831 = arith.addf %add3A_822, %dot_general3A_830 : vector<1024x3xf32>
    %slice3A_832 = vector.extract_strided_slice %pad3A_561 {offsets = [1, 1, 0], sizes = [32, 32, 128], strides = [1, 1, 1]} : vector<34x34x128xf32> to vector<32x32x128xf32>
    %reshape3A_833 = vector.shape_cast %slice3A_832 : vector<32x32x128xf32> to vector<1024x128xf32>
    %slice3A_834 = vector.extract_strided_slice %get3A_565 {offsets = [14, 0, 0], sizes = [1, 128, 3], strides = [1, 1, 1]} : vector<16x128x3xf32> to vector<1x128x3xf32>
    %squeeze3A_835 = vector.shape_cast %slice3A_834 : vector<1x128x3xf32> to vector<128x3xf32>
    %convert_element_type3A_836 = arith.truncf %reshape3A_833 : vector<1024x128xf32> to vector<1024x128xbf16>
    %convert_element_type3A_837 = arith.truncf %squeeze3A_835 : vector<128x3xf32> to vector<128x3xbf16>
    %dot_general3A_838 = arith.constant dense<0.000000e+00> : vector<1024x3xf32>
    %dot_general3A_839 = tpu.matmul %convert_element_type3A_836, %convert_element_type3A_837, %dot_general3A_838 {dimension_numbers = #tpu.dot_dimension_numbers<[1], [0], [0], [1], [0, 0, 1, 1], [], []>, transpose_lhs_hint = false} : vector<1024x128xbf16>, vector<128x3xbf16>, vector<1024x3xf32> -> vector<1024x3xf32>
    %add3A_840 = arith.addf %add3A_831, %dot_general3A_839 : vector<1024x3xf32>
    %get3A_841 = arith.constant 0 : index
    %get3A_842 = arith.constant 0 : index
    %get3A_843 = vector.load %arg14[%get3A_841, %get3A_842] : memref<1x3xf32, #tpu.memory_space<vmem>>, vector<1x3xf32>
    %add3A_844 = vector.broadcast %get3A_843 : vector<1x3xf32> to vector<1024x3xf32>
    %add3A_845 = arith.addf %add3A_840, %add3A_844 : vector<1024x3xf32>
    %slice3A_846 = vector.extract_strided_slice %pad3A_453 {offsets = [1, 1, 0], sizes = [32, 32, 128], strides = [1, 1, 1]} : vector<34x34x128xf32> to vector<32x32x128xf32>
    %reshape3A_847 = vector.shape_cast %slice3A_846 : vector<32x32x128xf32> to vector<1024x128xf32>
    %slice3A_848 = vector.extract_strided_slice %get3A_565 {offsets = [5, 0, 0], sizes = [1, 128, 3], strides = [1, 1, 1]} : vector<16x128x3xf32> to vector<1x128x3xf32>
    %squeeze3A_849 = vector.shape_cast %slice3A_848 : vector<1x128x3xf32> to vector<128x3xf32>
    %convert_element_type3A_850 = arith.truncf %reshape3A_847 : vector<1024x128xf32> to vector<1024x128xbf16>
    %convert_element_type3A_851 = arith.truncf %squeeze3A_849 : vector<128x3xf32> to vector<128x3xbf16>
    %dot_general3A_852 = arith.constant dense<0.000000e+00> : vector<1024x3xf32>
    %dot_general3A_853 = tpu.matmul %convert_element_type3A_850, %convert_element_type3A_851, %dot_general3A_852 {dimension_numbers = #tpu.dot_dimension_numbers<[1], [0], [0], [1], [0, 0, 1, 1], [], []>, transpose_lhs_hint = false} : vector<1024x128xbf16>, vector<128x3xbf16>, vector<1024x3xf32> -> vector<1024x3xf32>
    %slice3A_854 = vector.extract_strided_slice %pad3A_399 {offsets = [1, 2, 0], sizes = [32, 32, 128], strides = [1, 1, 1]} : vector<34x34x128xf32> to vector<32x32x128xf32>
    %reshape3A_855 = vector.shape_cast %slice3A_854 : vector<32x32x128xf32> to vector<1024x128xf32>
    %slice3A_856 = vector.extract_strided_slice %get3A_565 {offsets = [7, 0, 0], sizes = [1, 128, 3], strides = [1, 1, 1]} : vector<16x128x3xf32> to vector<1x128x3xf32>
    %squeeze3A_857 = vector.shape_cast %slice3A_856 : vector<1x128x3xf32> to vector<128x3xf32>
    %convert_element_type3A_858 = arith.truncf %reshape3A_855 : vector<1024x128xf32> to vector<1024x128xbf16>
    %convert_element_type3A_859 = arith.truncf %squeeze3A_857 : vector<128x3xf32> to vector<128x3xbf16>
    %dot_general3A_860 = arith.constant dense<0.000000e+00> : vector<1024x3xf32>
    %dot_general3A_861 = tpu.matmul %convert_element_type3A_858, %convert_element_type3A_859, %dot_general3A_860 {dimension_numbers = #tpu.dot_dimension_numbers<[1], [0], [0], [1], [0, 0, 1, 1], [], []>, transpose_lhs_hint = false} : vector<1024x128xbf16>, vector<128x3xbf16>, vector<1024x3xf32> -> vector<1024x3xf32>
    %add3A_862 = arith.addf %dot_general3A_853, %dot_general3A_861 : vector<1024x3xf32>
    %slice3A_863 = vector.extract_strided_slice %pad3A_561 {offsets = [1, 1, 0], sizes = [32, 32, 128], strides = [1, 1, 1]} : vector<34x34x128xf32> to vector<32x32x128xf32>
    %reshape3A_864 = vector.shape_cast %slice3A_863 : vector<32x32x128xf32> to vector<1024x128xf32>
    %slice3A_865 = vector.extract_strided_slice %get3A_565 {offsets = [13, 0, 0], sizes = [1, 128, 3], strides = [1, 1, 1]} : vector<16x128x3xf32> to vector<1x128x3xf32>
    %squeeze3A_866 = vector.shape_cast %slice3A_865 : vector<1x128x3xf32> to vector<128x3xf32>
    %convert_element_type3A_867 = arith.truncf %reshape3A_864 : vector<1024x128xf32> to vector<1024x128xbf16>
    %convert_element_type3A_868 = arith.truncf %squeeze3A_866 : vector<128x3xf32> to vector<128x3xbf16>
    %dot_general3A_869 = arith.constant dense<0.000000e+00> : vector<1024x3xf32>
    %dot_general3A_870 = tpu.matmul %convert_element_type3A_867, %convert_element_type3A_868, %dot_general3A_869 {dimension_numbers = #tpu.dot_dimension_numbers<[1], [0], [0], [1], [0, 0, 1, 1], [], []>, transpose_lhs_hint = false} : vector<1024x128xbf16>, vector<128x3xbf16>, vector<1024x3xf32> -> vector<1024x3xf32>
    %add3A_871 = arith.addf %add3A_862, %dot_general3A_870 : vector<1024x3xf32>
    %slice3A_872 = vector.extract_strided_slice %pad3A_507 {offsets = [1, 2, 0], sizes = [32, 32, 128], strides = [1, 1, 1]} : vector<34x34x128xf32> to vector<32x32x128xf32>
    %reshape3A_873 = vector.shape_cast %slice3A_872 : vector<32x32x128xf32> to vector<1024x128xf32>
    %slice3A_874 = vector.extract_strided_slice %get3A_565 {offsets = [15, 0, 0], sizes = [1, 128, 3], strides = [1, 1, 1]} : vector<16x128x3xf32> to vector<1x128x3xf32>
    %squeeze3A_875 = vector.shape_cast %slice3A_874 : vector<1x128x3xf32> to vector<128x3xf32>
    %convert_element_type3A_876 = arith.truncf %reshape3A_873 : vector<1024x128xf32> to vector<1024x128xbf16>
    %convert_element_type3A_877 = arith.truncf %squeeze3A_875 : vector<128x3xf32> to vector<128x3xbf16>
    %dot_general3A_878 = arith.constant dense<0.000000e+00> : vector<1024x3xf32>
    %dot_general3A_879 = tpu.matmul %convert_element_type3A_876, %convert_element_type3A_877, %dot_general3A_878 {dimension_numbers = #tpu.dot_dimension_numbers<[1], [0], [0], [1], [0, 0, 1, 1], [], []>, transpose_lhs_hint = false} : vector<1024x128xbf16>, vector<128x3xbf16>, vector<1024x3xf32> -> vector<1024x3xf32>
    %add3A_880 = arith.addf %add3A_871, %dot_general3A_879 : vector<1024x3xf32>
    %get3A_881 = arith.constant 0 : index
    %get3A_882 = arith.constant 0 : index
    %get3A_883 = vector.load %arg14[%get3A_881, %get3A_882] : memref<1x3xf32, #tpu.memory_space<vmem>>, vector<1x3xf32>
    %add3A_884 = vector.broadcast %get3A_883 : vector<1x3xf32> to vector<1024x3xf32>
    %add3A_885 = arith.addf %add3A_880, %add3A_884 : vector<1024x3xf32>
    %slice3A_886 = vector.extract_strided_slice %pad3A_453 {offsets = [1, 0, 0], sizes = [32, 32, 128], strides = [1, 1, 1]} : vector<34x34x128xf32> to vector<32x32x128xf32>
    %reshape3A_887 = vector.shape_cast %slice3A_886 : vector<32x32x128xf32> to vector<1024x128xf32>
    %slice3A_888 = vector.extract_strided_slice %get3A_565 {offsets = [0, 0, 0], sizes = [1, 128, 3], strides = [1, 1, 1]} : vector<16x128x3xf32> to vector<1x128x3xf32>
    %squeeze3A_889 = vector.shape_cast %slice3A_888 : vector<1x128x3xf32> to vector<128x3xf32>
    %convert_element_type3A_890 = arith.truncf %reshape3A_887 : vector<1024x128xf32> to vector<1024x128xbf16>
    %convert_element_type3A_891 = arith.truncf %squeeze3A_889 : vector<128x3xf32> to vector<128x3xbf16>
    %dot_general3A_892 = arith.constant dense<0.000000e+00> : vector<1024x3xf32>
    %dot_general3A_893 = tpu.matmul %convert_element_type3A_890, %convert_element_type3A_891, %dot_general3A_892 {dimension_numbers = #tpu.dot_dimension_numbers<[1], [0], [0], [1], [0, 0, 1, 1], [], []>, transpose_lhs_hint = false} : vector<1024x128xbf16>, vector<128x3xbf16>, vector<1024x3xf32> -> vector<1024x3xf32>
    %slice3A_894 = vector.extract_strided_slice %pad3A_399 {offsets = [1, 1, 0], sizes = [32, 32, 128], strides = [1, 1, 1]} : vector<34x34x128xf32> to vector<32x32x128xf32>
    %reshape3A_895 = vector.shape_cast %slice3A_894 : vector<32x32x128xf32> to vector<1024x128xf32>
    %slice3A_896 = vector.extract_strided_slice %get3A_565 {offsets = [2, 0, 0], sizes = [1, 128, 3], strides = [1, 1, 1]} : vector<16x128x3xf32> to vector<1x128x3xf32>
    %squeeze3A_897 = vector.shape_cast %slice3A_896 : vector<1x128x3xf32> to vector<128x3xf32>
    %convert_element_type3A_898 = arith.truncf %reshape3A_895 : vector<1024x128xf32> to vector<1024x128xbf16>
    %convert_element_type3A_899 = arith.truncf %squeeze3A_897 : vector<128x3xf32> to vector<128x3xbf16>
    %dot_general3A_900 = arith.constant dense<0.000000e+00> : vector<1024x3xf32>
    %dot_general3A_901 = tpu.matmul %convert_element_type3A_898, %convert_element_type3A_899, %dot_general3A_900 {dimension_numbers = #tpu.dot_dimension_numbers<[1], [0], [0], [1], [0, 0, 1, 1], [], []>, transpose_lhs_hint = false} : vector<1024x128xbf16>, vector<128x3xbf16>, vector<1024x3xf32> -> vector<1024x3xf32>
    %add3A_902 = arith.addf %dot_general3A_893, %dot_general3A_901 : vector<1024x3xf32>
    %slice3A_903 = vector.extract_strided_slice %pad3A_561 {offsets = [1, 0, 0], sizes = [32, 32, 128], strides = [1, 1, 1]} : vector<34x34x128xf32> to vector<32x32x128xf32>
    %reshape3A_904 = vector.shape_cast %slice3A_903 : vector<32x32x128xf32> to vector<1024x128xf32>
    %slice3A_905 = vector.extract_strided_slice %get3A_565 {offsets = [8, 0, 0], sizes = [1, 128, 3], strides = [1, 1, 1]} : vector<16x128x3xf32> to vector<1x128x3xf32>
    %squeeze3A_906 = vector.shape_cast %slice3A_905 : vector<1x128x3xf32> to vector<128x3xf32>
    %convert_element_type3A_907 = arith.truncf %reshape3A_904 : vector<1024x128xf32> to vector<1024x128xbf16>
    %convert_element_type3A_908 = arith.truncf %squeeze3A_906 : vector<128x3xf32> to vector<128x3xbf16>
    %dot_general3A_909 = arith.constant dense<0.000000e+00> : vector<1024x3xf32>
    %dot_general3A_910 = tpu.matmul %convert_element_type3A_907, %convert_element_type3A_908, %dot_general3A_909 {dimension_numbers = #tpu.dot_dimension_numbers<[1], [0], [0], [1], [0, 0, 1, 1], [], []>, transpose_lhs_hint = false} : vector<1024x128xbf16>, vector<128x3xbf16>, vector<1024x3xf32> -> vector<1024x3xf32>
    %add3A_911 = arith.addf %add3A_902, %dot_general3A_910 : vector<1024x3xf32>
    %slice3A_912 = vector.extract_strided_slice %pad3A_507 {offsets = [1, 1, 0], sizes = [32, 32, 128], strides = [1, 1, 1]} : vector<34x34x128xf32> to vector<32x32x128xf32>
    %reshape3A_913 = vector.shape_cast %slice3A_912 : vector<32x32x128xf32> to vector<1024x128xf32>
    %slice3A_914 = vector.extract_strided_slice %get3A_565 {offsets = [10, 0, 0], sizes = [1, 128, 3], strides = [1, 1, 1]} : vector<16x128x3xf32> to vector<1x128x3xf32>
    %squeeze3A_915 = vector.shape_cast %slice3A_914 : vector<1x128x3xf32> to vector<128x3xf32>
    %convert_element_type3A_916 = arith.truncf %reshape3A_913 : vector<1024x128xf32> to vector<1024x128xbf16>
    %convert_element_type3A_917 = arith.truncf %squeeze3A_915 : vector<128x3xf32> to vector<128x3xbf16>
    %dot_general3A_918 = arith.constant dense<0.000000e+00> : vector<1024x3xf32>
    %dot_general3A_919 = tpu.matmul %convert_element_type3A_916, %convert_element_type3A_917, %dot_general3A_918 {dimension_numbers = #tpu.dot_dimension_numbers<[1], [0], [0], [1], [0, 0, 1, 1], [], []>, transpose_lhs_hint = false} : vector<1024x128xbf16>, vector<128x3xbf16>, vector<1024x3xf32> -> vector<1024x3xf32>
    %add3A_920 = arith.addf %add3A_911, %dot_general3A_919 : vector<1024x3xf32>
    %get3A_921 = arith.constant 0 : index
    %get3A_922 = arith.constant 0 : index
    %get3A_923 = vector.load %arg14[%get3A_921, %get3A_922] : memref<1x3xf32, #tpu.memory_space<vmem>>, vector<1x3xf32>
    %add3A_924 = vector.broadcast %get3A_923 : vector<1x3xf32> to vector<1024x3xf32>
    %add3A_925 = arith.addf %add3A_920, %add3A_924 : vector<1024x3xf32>
    %slice3A_926 = vector.extract_strided_slice %pad3A_399 {offsets = [1, 1, 0], sizes = [32, 32, 128], strides = [1, 1, 1]} : vector<34x34x128xf32> to vector<32x32x128xf32>
    %reshape3A_927 = vector.shape_cast %slice3A_926 : vector<32x32x128xf32> to vector<1024x128xf32>
    %slice3A_928 = vector.extract_strided_slice %get3A_565 {offsets = [1, 0, 0], sizes = [1, 128, 3], strides = [1, 1, 1]} : vector<16x128x3xf32> to vector<1x128x3xf32>
    %squeeze3A_929 = vector.shape_cast %slice3A_928 : vector<1x128x3xf32> to vector<128x3xf32>
    %convert_element_type3A_930 = arith.truncf %reshape3A_927 : vector<1024x128xf32> to vector<1024x128xbf16>
    %convert_element_type3A_931 = arith.truncf %squeeze3A_929 : vector<128x3xf32> to vector<128x3xbf16>
    %dot_general3A_932 = arith.constant dense<0.000000e+00> : vector<1024x3xf32>
    %dot_general3A_933 = tpu.matmul %convert_element_type3A_930, %convert_element_type3A_931, %dot_general3A_932 {dimension_numbers = #tpu.dot_dimension_numbers<[1], [0], [0], [1], [0, 0, 1, 1], [], []>, transpose_lhs_hint = false} : vector<1024x128xbf16>, vector<128x3xbf16>, vector<1024x3xf32> -> vector<1024x3xf32>
    %slice3A_934 = vector.extract_strided_slice %pad3A_453 {offsets = [1, 1, 0], sizes = [32, 32, 128], strides = [1, 1, 1]} : vector<34x34x128xf32> to vector<32x32x128xf32>
    %reshape3A_935 = vector.shape_cast %slice3A_934 : vector<32x32x128xf32> to vector<1024x128xf32>
    %slice3A_936 = vector.extract_strided_slice %get3A_565 {offsets = [3, 0, 0], sizes = [1, 128, 3], strides = [1, 1, 1]} : vector<16x128x3xf32> to vector<1x128x3xf32>
    %squeeze3A_937 = vector.shape_cast %slice3A_936 : vector<1x128x3xf32> to vector<128x3xf32>
    %convert_element_type3A_938 = arith.truncf %reshape3A_935 : vector<1024x128xf32> to vector<1024x128xbf16>
    %convert_element_type3A_939 = arith.truncf %squeeze3A_937 : vector<128x3xf32> to vector<128x3xbf16>
    %dot_general3A_940 = arith.constant dense<0.000000e+00> : vector<1024x3xf32>
    %dot_general3A_941 = tpu.matmul %convert_element_type3A_938, %convert_element_type3A_939, %dot_general3A_940 {dimension_numbers = #tpu.dot_dimension_numbers<[1], [0], [0], [1], [0, 0, 1, 1], [], []>, transpose_lhs_hint = false} : vector<1024x128xbf16>, vector<128x3xbf16>, vector<1024x3xf32> -> vector<1024x3xf32>
    %add3A_942 = arith.addf %dot_general3A_933, %dot_general3A_941 : vector<1024x3xf32>
    %slice3A_943 = vector.extract_strided_slice %pad3A_507 {offsets = [1, 1, 0], sizes = [32, 32, 128], strides = [1, 1, 1]} : vector<34x34x128xf32> to vector<32x32x128xf32>
    %reshape3A_944 = vector.shape_cast %slice3A_943 : vector<32x32x128xf32> to vector<1024x128xf32>
    %slice3A_945 = vector.extract_strided_slice %get3A_565 {offsets = [9, 0, 0], sizes = [1, 128, 3], strides = [1, 1, 1]} : vector<16x128x3xf32> to vector<1x128x3xf32>
    %squeeze3A_946 = vector.shape_cast %slice3A_945 : vector<1x128x3xf32> to vector<128x3xf32>
    %convert_element_type3A_947 = arith.truncf %reshape3A_944 : vector<1024x128xf32> to vector<1024x128xbf16>
    %convert_element_type3A_948 = arith.truncf %squeeze3A_946 : vector<128x3xf32> to vector<128x3xbf16>
    %dot_general3A_949 = arith.constant dense<0.000000e+00> : vector<1024x3xf32>
    %dot_general3A_950 = tpu.matmul %convert_element_type3A_947, %convert_element_type3A_948, %dot_general3A_949 {dimension_numbers = #tpu.dot_dimension_numbers<[1], [0], [0], [1], [0, 0, 1, 1], [], []>, transpose_lhs_hint = false} : vector<1024x128xbf16>, vector<128x3xbf16>, vector<1024x3xf32> -> vector<1024x3xf32>
    %add3A_951 = arith.addf %add3A_942, %dot_general3A_950 : vector<1024x3xf32>
    %slice3A_952 = vector.extract_strided_slice %pad3A_561 {offsets = [1, 1, 0], sizes = [32, 32, 128], strides = [1, 1, 1]} : vector<34x34x128xf32> to vector<32x32x128xf32>
    %reshape3A_953 = vector.shape_cast %slice3A_952 : vector<32x32x128xf32> to vector<1024x128xf32>
    %slice3A_954 = vector.extract_strided_slice %get3A_565 {offsets = [11, 0, 0], sizes = [1, 128, 3], strides = [1, 1, 1]} : vector<16x128x3xf32> to vector<1x128x3xf32>
    %squeeze3A_955 = vector.shape_cast %slice3A_954 : vector<1x128x3xf32> to vector<128x3xf32>
    %convert_element_type3A_956 = arith.truncf %reshape3A_953 : vector<1024x128xf32> to vector<1024x128xbf16>
    %convert_element_type3A_957 = arith.truncf %squeeze3A_955 : vector<128x3xf32> to vector<128x3xbf16>
    %dot_general3A_958 = arith.constant dense<0.000000e+00> : vector<1024x3xf32>
    %dot_general3A_959 = tpu.matmul %convert_element_type3A_956, %convert_element_type3A_957, %dot_general3A_958 {dimension_numbers = #tpu.dot_dimension_numbers<[1], [0], [0], [1], [0, 0, 1, 1], [], []>, transpose_lhs_hint = false} : vector<1024x128xbf16>, vector<128x3xbf16>, vector<1024x3xf32> -> vector<1024x3xf32>
    %add3A_960 = arith.addf %add3A_951, %dot_general3A_959 : vector<1024x3xf32>
    %get3A_961 = arith.constant 0 : index
    %get3A_962 = arith.constant 0 : index
    %get3A_963 = vector.load %arg14[%get3A_961, %get3A_962] : memref<1x3xf32, #tpu.memory_space<vmem>>, vector<1x3xf32>
    %add3A_964 = vector.broadcast %get3A_963 : vector<1x3xf32> to vector<1024x3xf32>
    %add3A_965 = arith.addf %add3A_960, %add3A_964 : vector<1024x3xf32>
    %slice3A_966 = vector.extract_strided_slice %pad3A_399 {offsets = [1, 1, 0], sizes = [32, 32, 128], strides = [1, 1, 1]} : vector<34x34x128xf32> to vector<32x32x128xf32>
    %reshape3A_967 = vector.shape_cast %slice3A_966 : vector<32x32x128xf32> to vector<1024x128xf32>
    %slice3A_968 = vector.extract_strided_slice %get3A_565 {offsets = [0, 0, 0], sizes = [1, 128, 3], strides = [1, 1, 1]} : vector<16x128x3xf32> to vector<1x128x3xf32>
    %squeeze3A_969 = vector.shape_cast %slice3A_968 : vector<1x128x3xf32> to vector<128x3xf32>
    %convert_element_type3A_970 = arith.truncf %reshape3A_967 : vector<1024x128xf32> to vector<1024x128xbf16>
    %convert_element_type3A_971 = arith.truncf %squeeze3A_969 : vector<128x3xf32> to vector<128x3xbf16>
    %dot_general3A_972 = arith.constant dense<0.000000e+00> : vector<1024x3xf32>
    %dot_general3A_973 = tpu.matmul %convert_element_type3A_970, %convert_element_type3A_971, %dot_general3A_972 {dimension_numbers = #tpu.dot_dimension_numbers<[1], [0], [0], [1], [0, 0, 1, 1], [], []>, transpose_lhs_hint = false} : vector<1024x128xbf16>, vector<128x3xbf16>, vector<1024x3xf32> -> vector<1024x3xf32>
    %slice3A_974 = vector.extract_strided_slice %pad3A_453 {offsets = [1, 1, 0], sizes = [32, 32, 128], strides = [1, 1, 1]} : vector<34x34x128xf32> to vector<32x32x128xf32>
    %reshape3A_975 = vector.shape_cast %slice3A_974 : vector<32x32x128xf32> to vector<1024x128xf32>
    %slice3A_976 = vector.extract_strided_slice %get3A_565 {offsets = [2, 0, 0], sizes = [1, 128, 3], strides = [1, 1, 1]} : vector<16x128x3xf32> to vector<1x128x3xf32>
    %squeeze3A_977 = vector.shape_cast %slice3A_976 : vector<1x128x3xf32> to vector<128x3xf32>
    %convert_element_type3A_978 = arith.truncf %reshape3A_975 : vector<1024x128xf32> to vector<1024x128xbf16>
    %convert_element_type3A_979 = arith.truncf %squeeze3A_977 : vector<128x3xf32> to vector<128x3xbf16>
    %dot_general3A_980 = arith.constant dense<0.000000e+00> : vector<1024x3xf32>
    %dot_general3A_981 = tpu.matmul %convert_element_type3A_978, %convert_element_type3A_979, %dot_general3A_980 {dimension_numbers = #tpu.dot_dimension_numbers<[1], [0], [0], [1], [0, 0, 1, 1], [], []>, transpose_lhs_hint = false} : vector<1024x128xbf16>, vector<128x3xbf16>, vector<1024x3xf32> -> vector<1024x3xf32>
    %add3A_982 = arith.addf %dot_general3A_973, %dot_general3A_981 : vector<1024x3xf32>
    %slice3A_983 = vector.extract_strided_slice %pad3A_507 {offsets = [1, 1, 0], sizes = [32, 32, 128], strides = [1, 1, 1]} : vector<34x34x128xf32> to vector<32x32x128xf32>
    %reshape3A_984 = vector.shape_cast %slice3A_983 : vector<32x32x128xf32> to vector<1024x128xf32>
    %slice3A_985 = vector.extract_strided_slice %get3A_565 {offsets = [8, 0, 0], sizes = [1, 128, 3], strides = [1, 1, 1]} : vector<16x128x3xf32> to vector<1x128x3xf32>
    %squeeze3A_986 = vector.shape_cast %slice3A_985 : vector<1x128x3xf32> to vector<128x3xf32>
    %convert_element_type3A_987 = arith.truncf %reshape3A_984 : vector<1024x128xf32> to vector<1024x128xbf16>
    %convert_element_type3A_988 = arith.truncf %squeeze3A_986 : vector<128x3xf32> to vector<128x3xbf16>
    %dot_general3A_989 = arith.constant dense<0.000000e+00> : vector<1024x3xf32>
    %dot_general3A_990 = tpu.matmul %convert_element_type3A_987, %convert_element_type3A_988, %dot_general3A_989 {dimension_numbers = #tpu.dot_dimension_numbers<[1], [0], [0], [1], [0, 0, 1, 1], [], []>, transpose_lhs_hint = false} : vector<1024x128xbf16>, vector<128x3xbf16>, vector<1024x3xf32> -> vector<1024x3xf32>
    %add3A_991 = arith.addf %add3A_982, %dot_general3A_990 : vector<1024x3xf32>
    %slice3A_992 = vector.extract_strided_slice %pad3A_561 {offsets = [1, 1, 0], sizes = [32, 32, 128], strides = [1, 1, 1]} : vector<34x34x128xf32> to vector<32x32x128xf32>
    %reshape3A_993 = vector.shape_cast %slice3A_992 : vector<32x32x128xf32> to vector<1024x128xf32>
    %slice3A_994 = vector.extract_strided_slice %get3A_565 {offsets = [10, 0, 0], sizes = [1, 128, 3], strides = [1, 1, 1]} : vector<16x128x3xf32> to vector<1x128x3xf32>
    %squeeze3A_995 = vector.shape_cast %slice3A_994 : vector<1x128x3xf32> to vector<128x3xf32>
    %convert_element_type3A_996 = arith.truncf %reshape3A_993 : vector<1024x128xf32> to vector<1024x128xbf16>
    %convert_element_type3A_997 = arith.truncf %squeeze3A_995 : vector<128x3xf32> to vector<128x3xbf16>
    %dot_general3A_998 = arith.constant dense<0.000000e+00> : vector<1024x3xf32>
    %dot_general3A_999 = tpu.matmul %convert_element_type3A_996, %convert_element_type3A_997, %dot_general3A_998 {dimension_numbers = #tpu.dot_dimension_numbers<[1], [0], [0], [1], [0, 0, 1, 1], [], []>, transpose_lhs_hint = false} : vector<1024x128xbf16>, vector<128x3xbf16>, vector<1024x3xf32> -> vector<1024x3xf32>
    %add3A_1000 = arith.addf %add3A_991, %dot_general3A_999 : vector<1024x3xf32>
    %get3A_1001 = arith.constant 0 : index
    %get3A_1002 = arith.constant 0 : index
    %get3A_1003 = vector.load %arg14[%get3A_1001, %get3A_1002] : memref<1x3xf32, #tpu.memory_space<vmem>>, vector<1x3xf32>
    %add3A_1004 = vector.broadcast %get3A_1003 : vector<1x3xf32> to vector<1024x3xf32>
    %add3A_1005 = arith.addf %add3A_1000, %add3A_1004 : vector<1024x3xf32>
    %slice3A_1006 = vector.extract_strided_slice %pad3A_453 {offsets = [1, 1, 0], sizes = [32, 32, 128], strides = [1, 1, 1]} : vector<34x34x128xf32> to vector<32x32x128xf32>
    %reshape3A_1007 = vector.shape_cast %slice3A_1006 : vector<32x32x128xf32> to vector<1024x128xf32>
    %slice3A_1008 = vector.extract_strided_slice %get3A_565 {offsets = [1, 0, 0], sizes = [1, 128, 3], strides = [1, 1, 1]} : vector<16x128x3xf32> to vector<1x128x3xf32>
    %squeeze3A_1009 = vector.shape_cast %slice3A_1008 : vector<1x128x3xf32> to vector<128x3xf32>
    %convert_element_type3A_1010 = arith.truncf %reshape3A_1007 : vector<1024x128xf32> to vector<1024x128xbf16>
    %convert_element_type3A_1011 = arith.truncf %squeeze3A_1009 : vector<128x3xf32> to vector<128x3xbf16>
    %dot_general3A_1012 = arith.constant dense<0.000000e+00> : vector<1024x3xf32>
    %dot_general3A_1013 = tpu.matmul %convert_element_type3A_1010, %convert_element_type3A_1011, %dot_general3A_1012 {dimension_numbers = #tpu.dot_dimension_numbers<[1], [0], [0], [1], [0, 0, 1, 1], [], []>, transpose_lhs_hint = false} : vector<1024x128xbf16>, vector<128x3xbf16>, vector<1024x3xf32> -> vector<1024x3xf32>
    %slice3A_1014 = vector.extract_strided_slice %pad3A_399 {offsets = [1, 2, 0], sizes = [32, 32, 128], strides = [1, 1, 1]} : vector<34x34x128xf32> to vector<32x32x128xf32>
    %reshape3A_1015 = vector.shape_cast %slice3A_1014 : vector<32x32x128xf32> to vector<1024x128xf32>
    %slice3A_1016 = vector.extract_strided_slice %get3A_565 {offsets = [3, 0, 0], sizes = [1, 128, 3], strides = [1, 1, 1]} : vector<16x128x3xf32> to vector<1x128x3xf32>
    %squeeze3A_1017 = vector.shape_cast %slice3A_1016 : vector<1x128x3xf32> to vector<128x3xf32>
    %convert_element_type3A_1018 = arith.truncf %reshape3A_1015 : vector<1024x128xf32> to vector<1024x128xbf16>
    %convert_element_type3A_1019 = arith.truncf %squeeze3A_1017 : vector<128x3xf32> to vector<128x3xbf16>
    %dot_general3A_1020 = arith.constant dense<0.000000e+00> : vector<1024x3xf32>
    %dot_general3A_1021 = tpu.matmul %convert_element_type3A_1018, %convert_element_type3A_1019, %dot_general3A_1020 {dimension_numbers = #tpu.dot_dimension_numbers<[1], [0], [0], [1], [0, 0, 1, 1], [], []>, transpose_lhs_hint = false} : vector<1024x128xbf16>, vector<128x3xbf16>, vector<1024x3xf32> -> vector<1024x3xf32>
    %add3A_1022 = arith.addf %dot_general3A_1013, %dot_general3A_1021 : vector<1024x3xf32>
    %slice3A_1023 = vector.extract_strided_slice %pad3A_561 {offsets = [1, 1, 0], sizes = [32, 32, 128], strides = [1, 1, 1]} : vector<34x34x128xf32> to vector<32x32x128xf32>
    %reshape3A_1024 = vector.shape_cast %slice3A_1023 : vector<32x32x128xf32> to vector<1024x128xf32>
    %slice3A_1025 = vector.extract_strided_slice %get3A_565 {offsets = [9, 0, 0], sizes = [1, 128, 3], strides = [1, 1, 1]} : vector<16x128x3xf32> to vector<1x128x3xf32>
    %squeeze3A_1026 = vector.shape_cast %slice3A_1025 : vector<1x128x3xf32> to vector<128x3xf32>
    %convert_element_type3A_1027 = arith.truncf %reshape3A_1024 : vector<1024x128xf32> to vector<1024x128xbf16>
    %convert_element_type3A_1028 = arith.truncf %squeeze3A_1026 : vector<128x3xf32> to vector<128x3xbf16>
    %dot_general3A_1029 = arith.constant dense<0.000000e+00> : vector<1024x3xf32>
    %dot_general3A_1030 = tpu.matmul %convert_element_type3A_1027, %convert_element_type3A_1028, %dot_general3A_1029 {dimension_numbers = #tpu.dot_dimension_numbers<[1], [0], [0], [1], [0, 0, 1, 1], [], []>, transpose_lhs_hint = false} : vector<1024x128xbf16>, vector<128x3xbf16>, vector<1024x3xf32> -> vector<1024x3xf32>
    %add3A_1031 = arith.addf %add3A_1022, %dot_general3A_1030 : vector<1024x3xf32>
    %slice3A_1032 = vector.extract_strided_slice %pad3A_507 {offsets = [1, 2, 0], sizes = [32, 32, 128], strides = [1, 1, 1]} : vector<34x34x128xf32> to vector<32x32x128xf32>
    %reshape3A_1033 = vector.shape_cast %slice3A_1032 : vector<32x32x128xf32> to vector<1024x128xf32>
    %slice3A_1034 = vector.extract_strided_slice %get3A_565 {offsets = [11, 0, 0], sizes = [1, 128, 3], strides = [1, 1, 1]} : vector<16x128x3xf32> to vector<1x128x3xf32>
    %squeeze3A_1035 = vector.shape_cast %slice3A_1034 : vector<1x128x3xf32> to vector<128x3xf32>
    %convert_element_type3A_1036 = arith.truncf %reshape3A_1033 : vector<1024x128xf32> to vector<1024x128xbf16>
    %convert_element_type3A_1037 = arith.truncf %squeeze3A_1035 : vector<128x3xf32> to vector<128x3xbf16>
    %dot_general3A_1038 = arith.constant dense<0.000000e+00> : vector<1024x3xf32>
    %dot_general3A_1039 = tpu.matmul %convert_element_type3A_1036, %convert_element_type3A_1037, %dot_general3A_1038 {dimension_numbers = #tpu.dot_dimension_numbers<[1], [0], [0], [1], [0, 0, 1, 1], [], []>, transpose_lhs_hint = false} : vector<1024x128xbf16>, vector<128x3xbf16>, vector<1024x3xf32> -> vector<1024x3xf32>
    %add3A_1040 = arith.addf %add3A_1031, %dot_general3A_1039 : vector<1024x3xf32>
    %get3A_1041 = arith.constant 0 : index
    %get3A_1042 = arith.constant 0 : index
    %get3A_1043 = vector.load %arg14[%get3A_1041, %get3A_1042] : memref<1x3xf32, #tpu.memory_space<vmem>>, vector<1x3xf32>
    %add3A_1044 = vector.broadcast %get3A_1043 : vector<1x3xf32> to vector<1024x3xf32>
    %add3A_1045 = arith.addf %add3A_1040, %add3A_1044 : vector<1024x3xf32>
    %slice3A_1046 = vector.extract_strided_slice %pad3A_561 {offsets = [1, 0, 0], sizes = [32, 32, 128], strides = [1, 1, 1]} : vector<34x34x128xf32> to vector<32x32x128xf32>
    %reshape3A_1047 = vector.shape_cast %slice3A_1046 : vector<32x32x128xf32> to vector<1024x128xf32>
    %slice3A_1048 = vector.extract_strided_slice %get3A_565 {offsets = [4, 0, 0], sizes = [1, 128, 3], strides = [1, 1, 1]} : vector<16x128x3xf32> to vector<1x128x3xf32>
    %squeeze3A_1049 = vector.shape_cast %slice3A_1048 : vector<1x128x3xf32> to vector<128x3xf32>
    %convert_element_type3A_1050 = arith.truncf %reshape3A_1047 : vector<1024x128xf32> to vector<1024x128xbf16>
    %convert_element_type3A_1051 = arith.truncf %squeeze3A_1049 : vector<128x3xf32> to vector<128x3xbf16>
    %dot_general3A_1052 = arith.constant dense<0.000000e+00> : vector<1024x3xf32>
    %dot_general3A_1053 = tpu.matmul %convert_element_type3A_1050, %convert_element_type3A_1051, %dot_general3A_1052 {dimension_numbers = #tpu.dot_dimension_numbers<[1], [0], [0], [1], [0, 0, 1, 1], [], []>, transpose_lhs_hint = false} : vector<1024x128xbf16>, vector<128x3xbf16>, vector<1024x3xf32> -> vector<1024x3xf32>
    %slice3A_1054 = vector.extract_strided_slice %pad3A_507 {offsets = [1, 1, 0], sizes = [32, 32, 128], strides = [1, 1, 1]} : vector<34x34x128xf32> to vector<32x32x128xf32>
    %reshape3A_1055 = vector.shape_cast %slice3A_1054 : vector<32x32x128xf32> to vector<1024x128xf32>
    %slice3A_1056 = vector.extract_strided_slice %get3A_565 {offsets = [6, 0, 0], sizes = [1, 128, 3], strides = [1, 1, 1]} : vector<16x128x3xf32> to vector<1x128x3xf32>
    %squeeze3A_1057 = vector.shape_cast %slice3A_1056 : vector<1x128x3xf32> to vector<128x3xf32>
    %convert_element_type3A_1058 = arith.truncf %reshape3A_1055 : vector<1024x128xf32> to vector<1024x128xbf16>
    %convert_element_type3A_1059 = arith.truncf %squeeze3A_1057 : vector<128x3xf32> to vector<128x3xbf16>
    %dot_general3A_1060 = arith.constant dense<0.000000e+00> : vector<1024x3xf32>
    %dot_general3A_1061 = tpu.matmul %convert_element_type3A_1058, %convert_element_type3A_1059, %dot_general3A_1060 {dimension_numbers = #tpu.dot_dimension_numbers<[1], [0], [0], [1], [0, 0, 1, 1], [], []>, transpose_lhs_hint = false} : vector<1024x128xbf16>, vector<128x3xbf16>, vector<1024x3xf32> -> vector<1024x3xf32>
    %add3A_1062 = arith.addf %dot_general3A_1053, %dot_general3A_1061 : vector<1024x3xf32>
    %slice3A_1063 = vector.extract_strided_slice %pad3A_453 {offsets = [2, 0, 0], sizes = [32, 32, 128], strides = [1, 1, 1]} : vector<34x34x128xf32> to vector<32x32x128xf32>
    %reshape3A_1064 = vector.shape_cast %slice3A_1063 : vector<32x32x128xf32> to vector<1024x128xf32>
    %slice3A_1065 = vector.extract_strided_slice %get3A_565 {offsets = [12, 0, 0], sizes = [1, 128, 3], strides = [1, 1, 1]} : vector<16x128x3xf32> to vector<1x128x3xf32>
    %squeeze3A_1066 = vector.shape_cast %slice3A_1065 : vector<1x128x3xf32> to vector<128x3xf32>
    %convert_element_type3A_1067 = arith.truncf %reshape3A_1064 : vector<1024x128xf32> to vector<1024x128xbf16>
    %convert_element_type3A_1068 = arith.truncf %squeeze3A_1066 : vector<128x3xf32> to vector<128x3xbf16>
    %dot_general3A_1069 = arith.constant dense<0.000000e+00> : vector<1024x3xf32>
    %dot_general3A_1070 = tpu.matmul %convert_element_type3A_1067, %convert_element_type3A_1068, %dot_general3A_1069 {dimension_numbers = #tpu.dot_dimension_numbers<[1], [0], [0], [1], [0, 0, 1, 1], [], []>, transpose_lhs_hint = false} : vector<1024x128xbf16>, vector<128x3xbf16>, vector<1024x3xf32> -> vector<1024x3xf32>
    %add3A_1071 = arith.addf %add3A_1062, %dot_general3A_1070 : vector<1024x3xf32>
    %slice3A_1072 = vector.extract_strided_slice %pad3A_399 {offsets = [2, 1, 0], sizes = [32, 32, 128], strides = [1, 1, 1]} : vector<34x34x128xf32> to vector<32x32x128xf32>
    %reshape3A_1073 = vector.shape_cast %slice3A_1072 : vector<32x32x128xf32> to vector<1024x128xf32>
    %slice3A_1074 = vector.extract_strided_slice %get3A_565 {offsets = [14, 0, 0], sizes = [1, 128, 3], strides = [1, 1, 1]} : vector<16x128x3xf32> to vector<1x128x3xf32>
    %squeeze3A_1075 = vector.shape_cast %slice3A_1074 : vector<1x128x3xf32> to vector<128x3xf32>
    %convert_element_type3A_1076 = arith.truncf %reshape3A_1073 : vector<1024x128xf32> to vector<1024x128xbf16>
    %convert_element_type3A_1077 = arith.truncf %squeeze3A_1075 : vector<128x3xf32> to vector<128x3xbf16>
    %dot_general3A_1078 = arith.constant dense<0.000000e+00> : vector<1024x3xf32>
    %dot_general3A_1079 = tpu.matmul %convert_element_type3A_1076, %convert_element_type3A_1077, %dot_general3A_1078 {dimension_numbers = #tpu.dot_dimension_numbers<[1], [0], [0], [1], [0, 0, 1, 1], [], []>, transpose_lhs_hint = false} : vector<1024x128xbf16>, vector<128x3xbf16>, vector<1024x3xf32> -> vector<1024x3xf32>
    %add3A_1080 = arith.addf %add3A_1071, %dot_general3A_1079 : vector<1024x3xf32>
    %get3A_1081 = arith.constant 0 : index
    %get3A_1082 = arith.constant 0 : index
    %get3A_1083 = vector.load %arg14[%get3A_1081, %get3A_1082] : memref<1x3xf32, #tpu.memory_space<vmem>>, vector<1x3xf32>
    %add3A_1084 = vector.broadcast %get3A_1083 : vector<1x3xf32> to vector<1024x3xf32>
    %add3A_1085 = arith.addf %add3A_1080, %add3A_1084 : vector<1024x3xf32>
    %slice3A_1086 = vector.extract_strided_slice %pad3A_507 {offsets = [1, 1, 0], sizes = [32, 32, 128], strides = [1, 1, 1]} : vector<34x34x128xf32> to vector<32x32x128xf32>
    %reshape3A_1087 = vector.shape_cast %slice3A_1086 : vector<32x32x128xf32> to vector<1024x128xf32>
    %slice3A_1088 = vector.extract_strided_slice %get3A_565 {offsets = [5, 0, 0], sizes = [1, 128, 3], strides = [1, 1, 1]} : vector<16x128x3xf32> to vector<1x128x3xf32>
    %squeeze3A_1089 = vector.shape_cast %slice3A_1088 : vector<1x128x3xf32> to vector<128x3xf32>
    %convert_element_type3A_1090 = arith.truncf %reshape3A_1087 : vector<1024x128xf32> to vector<1024x128xbf16>
    %convert_element_type3A_1091 = arith.truncf %squeeze3A_1089 : vector<128x3xf32> to vector<128x3xbf16>
    %dot_general3A_1092 = arith.constant dense<0.000000e+00> : vector<1024x3xf32>
    %dot_general3A_1093 = tpu.matmul %convert_element_type3A_1090, %convert_element_type3A_1091, %dot_general3A_1092 {dimension_numbers = #tpu.dot_dimension_numbers<[1], [0], [0], [1], [0, 0, 1, 1], [], []>, transpose_lhs_hint = false} : vector<1024x128xbf16>, vector<128x3xbf16>, vector<1024x3xf32> -> vector<1024x3xf32>
    %slice3A_1094 = vector.extract_strided_slice %pad3A_561 {offsets = [1, 1, 0], sizes = [32, 32, 128], strides = [1, 1, 1]} : vector<34x34x128xf32> to vector<32x32x128xf32>
    %reshape3A_1095 = vector.shape_cast %slice3A_1094 : vector<32x32x128xf32> to vector<1024x128xf32>
    %slice3A_1096 = vector.extract_strided_slice %get3A_565 {offsets = [7, 0, 0], sizes = [1, 128, 3], strides = [1, 1, 1]} : vector<16x128x3xf32> to vector<1x128x3xf32>
    %squeeze3A_1097 = vector.shape_cast %slice3A_1096 : vector<1x128x3xf32> to vector<128x3xf32>
    %convert_element_type3A_1098 = arith.truncf %reshape3A_1095 : vector<1024x128xf32> to vector<1024x128xbf16>
    %convert_element_type3A_1099 = arith.truncf %squeeze3A_1097 : vector<128x3xf32> to vector<128x3xbf16>
    %dot_general3A_1100 = arith.constant dense<0.000000e+00> : vector<1024x3xf32>
    %dot_general3A_1101 = tpu.matmul %convert_element_type3A_1098, %convert_element_type3A_1099, %dot_general3A_1100 {dimension_numbers = #tpu.dot_dimension_numbers<[1], [0], [0], [1], [0, 0, 1, 1], [], []>, transpose_lhs_hint = false} : vector<1024x128xbf16>, vector<128x3xbf16>, vector<1024x3xf32> -> vector<1024x3xf32>
    %add3A_1102 = arith.addf %dot_general3A_1093, %dot_general3A_1101 : vector<1024x3xf32>
    %slice3A_1103 = vector.extract_strided_slice %pad3A_399 {offsets = [2, 1, 0], sizes = [32, 32, 128], strides = [1, 1, 1]} : vector<34x34x128xf32> to vector<32x32x128xf32>
    %reshape3A_1104 = vector.shape_cast %slice3A_1103 : vector<32x32x128xf32> to vector<1024x128xf32>
    %slice3A_1105 = vector.extract_strided_slice %get3A_565 {offsets = [13, 0, 0], sizes = [1, 128, 3], strides = [1, 1, 1]} : vector<16x128x3xf32> to vector<1x128x3xf32>
    %squeeze3A_1106 = vector.shape_cast %slice3A_1105 : vector<1x128x3xf32> to vector<128x3xf32>
    %convert_element_type3A_1107 = arith.truncf %reshape3A_1104 : vector<1024x128xf32> to vector<1024x128xbf16>
    %convert_element_type3A_1108 = arith.truncf %squeeze3A_1106 : vector<128x3xf32> to vector<128x3xbf16>
    %dot_general3A_1109 = arith.constant dense<0.000000e+00> : vector<1024x3xf32>
    %dot_general3A_1110 = tpu.matmul %convert_element_type3A_1107, %convert_element_type3A_1108, %dot_general3A_1109 {dimension_numbers = #tpu.dot_dimension_numbers<[1], [0], [0], [1], [0, 0, 1, 1], [], []>, transpose_lhs_hint = false} : vector<1024x128xbf16>, vector<128x3xbf16>, vector<1024x3xf32> -> vector<1024x3xf32>
    %add3A_1111 = arith.addf %add3A_1102, %dot_general3A_1110 : vector<1024x3xf32>
    %slice3A_1112 = vector.extract_strided_slice %pad3A_453 {offsets = [2, 1, 0], sizes = [32, 32, 128], strides = [1, 1, 1]} : vector<34x34x128xf32> to vector<32x32x128xf32>
    %reshape3A_1113 = vector.shape_cast %slice3A_1112 : vector<32x32x128xf32> to vector<1024x128xf32>
    %slice3A_1114 = vector.extract_strided_slice %get3A_565 {offsets = [15, 0, 0], sizes = [1, 128, 3], strides = [1, 1, 1]} : vector<16x128x3xf32> to vector<1x128x3xf32>
    %squeeze3A_1115 = vector.shape_cast %slice3A_1114 : vector<1x128x3xf32> to vector<128x3xf32>
    %convert_element_type3A_1116 = arith.truncf %reshape3A_1113 : vector<1024x128xf32> to vector<1024x128xbf16>
    %convert_element_type3A_1117 = arith.truncf %squeeze3A_1115 : vector<128x3xf32> to vector<128x3xbf16>
    %dot_general3A_1118 = arith.constant dense<0.000000e+00> : vector<1024x3xf32>
    %dot_general3A_1119 = tpu.matmul %convert_element_type3A_1116, %convert_element_type3A_1117, %dot_general3A_1118 {dimension_numbers = #tpu.dot_dimension_numbers<[1], [0], [0], [1], [0, 0, 1, 1], [], []>, transpose_lhs_hint = false} : vector<1024x128xbf16>, vector<128x3xbf16>, vector<1024x3xf32> -> vector<1024x3xf32>
    %add3A_1120 = arith.addf %add3A_1111, %dot_general3A_1119 : vector<1024x3xf32>
    %get3A_1121 = arith.constant 0 : index
    %get3A_1122 = arith.constant 0 : index
    %get3A_1123 = vector.load %arg14[%get3A_1121, %get3A_1122] : memref<1x3xf32, #tpu.memory_space<vmem>>, vector<1x3xf32>
    %add3A_1124 = vector.broadcast %get3A_1123 : vector<1x3xf32> to vector<1024x3xf32>
    %add3A_1125 = arith.addf %add3A_1120, %add3A_1124 : vector<1024x3xf32>
    %slice3A_1126 = vector.extract_strided_slice %pad3A_507 {offsets = [1, 1, 0], sizes = [32, 32, 128], strides = [1, 1, 1]} : vector<34x34x128xf32> to vector<32x32x128xf32>
    %reshape3A_1127 = vector.shape_cast %slice3A_1126 : vector<32x32x128xf32> to vector<1024x128xf32>
    %slice3A_1128 = vector.extract_strided_slice %get3A_565 {offsets = [4, 0, 0], sizes = [1, 128, 3], strides = [1, 1, 1]} : vector<16x128x3xf32> to vector<1x128x3xf32>
    %squeeze3A_1129 = vector.shape_cast %slice3A_1128 : vector<1x128x3xf32> to vector<128x3xf32>
    %convert_element_type3A_1130 = arith.truncf %reshape3A_1127 : vector<1024x128xf32> to vector<1024x128xbf16>
    %convert_element_type3A_1131 = arith.truncf %squeeze3A_1129 : vector<128x3xf32> to vector<128x3xbf16>
    %dot_general3A_1132 = arith.constant dense<0.000000e+00> : vector<1024x3xf32>
    %dot_general3A_1133 = tpu.matmul %convert_element_type3A_1130, %convert_element_type3A_1131, %dot_general3A_1132 {dimension_numbers = #tpu.dot_dimension_numbers<[1], [0], [0], [1], [0, 0, 1, 1], [], []>, transpose_lhs_hint = false} : vector<1024x128xbf16>, vector<128x3xbf16>, vector<1024x3xf32> -> vector<1024x3xf32>
    %slice3A_1134 = vector.extract_strided_slice %pad3A_561 {offsets = [1, 1, 0], sizes = [32, 32, 128], strides = [1, 1, 1]} : vector<34x34x128xf32> to vector<32x32x128xf32>
    %reshape3A_1135 = vector.shape_cast %slice3A_1134 : vector<32x32x128xf32> to vector<1024x128xf32>
    %slice3A_1136 = vector.extract_strided_slice %get3A_565 {offsets = [6, 0, 0], sizes = [1, 128, 3], strides = [1, 1, 1]} : vector<16x128x3xf32> to vector<1x128x3xf32>
    %squeeze3A_1137 = vector.shape_cast %slice3A_1136 : vector<1x128x3xf32> to vector<128x3xf32>
    %convert_element_type3A_1138 = arith.truncf %reshape3A_1135 : vector<1024x128xf32> to vector<1024x128xbf16>
    %convert_element_type3A_1139 = arith.truncf %squeeze3A_1137 : vector<128x3xf32> to vector<128x3xbf16>
    %dot_general3A_1140 = arith.constant dense<0.000000e+00> : vector<1024x3xf32>
    %dot_general3A_1141 = tpu.matmul %convert_element_type3A_1138, %convert_element_type3A_1139, %dot_general3A_1140 {dimension_numbers = #tpu.dot_dimension_numbers<[1], [0], [0], [1], [0, 0, 1, 1], [], []>, transpose_lhs_hint = false} : vector<1024x128xbf16>, vector<128x3xbf16>, vector<1024x3xf32> -> vector<1024x3xf32>
    %add3A_1142 = arith.addf %dot_general3A_1133, %dot_general3A_1141 : vector<1024x3xf32>
    %slice3A_1143 = vector.extract_strided_slice %pad3A_399 {offsets = [2, 1, 0], sizes = [32, 32, 128], strides = [1, 1, 1]} : vector<34x34x128xf32> to vector<32x32x128xf32>
    %reshape3A_1144 = vector.shape_cast %slice3A_1143 : vector<32x32x128xf32> to vector<1024x128xf32>
    %slice3A_1145 = vector.extract_strided_slice %get3A_565 {offsets = [12, 0, 0], sizes = [1, 128, 3], strides = [1, 1, 1]} : vector<16x128x3xf32> to vector<1x128x3xf32>
    %squeeze3A_1146 = vector.shape_cast %slice3A_1145 : vector<1x128x3xf32> to vector<128x3xf32>
    %convert_element_type3A_1147 = arith.truncf %reshape3A_1144 : vector<1024x128xf32> to vector<1024x128xbf16>
    %convert_element_type3A_1148 = arith.truncf %squeeze3A_1146 : vector<128x3xf32> to vector<128x3xbf16>
    %dot_general3A_1149 = arith.constant dense<0.000000e+00> : vector<1024x3xf32>
    %dot_general3A_1150 = tpu.matmul %convert_element_type3A_1147, %convert_element_type3A_1148, %dot_general3A_1149 {dimension_numbers = #tpu.dot_dimension_numbers<[1], [0], [0], [1], [0, 0, 1, 1], [], []>, transpose_lhs_hint = false} : vector<1024x128xbf16>, vector<128x3xbf16>, vector<1024x3xf32> -> vector<1024x3xf32>
    %add3A_1151 = arith.addf %add3A_1142, %dot_general3A_1150 : vector<1024x3xf32>
    %slice3A_1152 = vector.extract_strided_slice %pad3A_453 {offsets = [2, 1, 0], sizes = [32, 32, 128], strides = [1, 1, 1]} : vector<34x34x128xf32> to vector<32x32x128xf32>
    %reshape3A_1153 = vector.shape_cast %slice3A_1152 : vector<32x32x128xf32> to vector<1024x128xf32>
    %slice3A_1154 = vector.extract_strided_slice %get3A_565 {offsets = [14, 0, 0], sizes = [1, 128, 3], strides = [1, 1, 1]} : vector<16x128x3xf32> to vector<1x128x3xf32>
    %squeeze3A_1155 = vector.shape_cast %slice3A_1154 : vector<1x128x3xf32> to vector<128x3xf32>
    %convert_element_type3A_1156 = arith.truncf %reshape3A_1153 : vector<1024x128xf32> to vector<1024x128xbf16>
    %convert_element_type3A_1157 = arith.truncf %squeeze3A_1155 : vector<128x3xf32> to vector<128x3xbf16>
    %dot_general3A_1158 = arith.constant dense<0.000000e+00> : vector<1024x3xf32>
    %dot_general3A_1159 = tpu.matmul %convert_element_type3A_1156, %convert_element_type3A_1157, %dot_general3A_1158 {dimension_numbers = #tpu.dot_dimension_numbers<[1], [0], [0], [1], [0, 0, 1, 1], [], []>, transpose_lhs_hint = false} : vector<1024x128xbf16>, vector<128x3xbf16>, vector<1024x3xf32> -> vector<1024x3xf32>
    %add3A_1160 = arith.addf %add3A_1151, %dot_general3A_1159 : vector<1024x3xf32>
    %get3A_1161 = arith.constant 0 : index
    %get3A_1162 = arith.constant 0 : index
    %get3A_1163 = vector.load %arg14[%get3A_1161, %get3A_1162] : memref<1x3xf32, #tpu.memory_space<vmem>>, vector<1x3xf32>
    %add3A_1164 = vector.broadcast %get3A_1163 : vector<1x3xf32> to vector<1024x3xf32>
    %add3A_1165 = arith.addf %add3A_1160, %add3A_1164 : vector<1024x3xf32>
    %slice3A_1166 = vector.extract_strided_slice %pad3A_561 {offsets = [1, 1, 0], sizes = [32, 32, 128], strides = [1, 1, 1]} : vector<34x34x128xf32> to vector<32x32x128xf32>
    %reshape3A_1167 = vector.shape_cast %slice3A_1166 : vector<32x32x128xf32> to vector<1024x128xf32>
    %slice3A_1168 = vector.extract_strided_slice %get3A_565 {offsets = [5, 0, 0], sizes = [1, 128, 3], strides = [1, 1, 1]} : vector<16x128x3xf32> to vector<1x128x3xf32>
    %squeeze3A_1169 = vector.shape_cast %slice3A_1168 : vector<1x128x3xf32> to vector<128x3xf32>
    %convert_element_type3A_1170 = arith.truncf %reshape3A_1167 : vector<1024x128xf32> to vector<1024x128xbf16>
    %convert_element_type3A_1171 = arith.truncf %squeeze3A_1169 : vector<128x3xf32> to vector<128x3xbf16>
    %dot_general3A_1172 = arith.constant dense<0.000000e+00> : vector<1024x3xf32>
    %dot_general3A_1173 = tpu.matmul %convert_element_type3A_1170, %convert_element_type3A_1171, %dot_general3A_1172 {dimension_numbers = #tpu.dot_dimension_numbers<[1], [0], [0], [1], [0, 0, 1, 1], [], []>, transpose_lhs_hint = false} : vector<1024x128xbf16>, vector<128x3xbf16>, vector<1024x3xf32> -> vector<1024x3xf32>
    %slice3A_1174 = vector.extract_strided_slice %pad3A_507 {offsets = [1, 2, 0], sizes = [32, 32, 128], strides = [1, 1, 1]} : vector<34x34x128xf32> to vector<32x32x128xf32>
    %reshape3A_1175 = vector.shape_cast %slice3A_1174 : vector<32x32x128xf32> to vector<1024x128xf32>
    %slice3A_1176 = vector.extract_strided_slice %get3A_565 {offsets = [7, 0, 0], sizes = [1, 128, 3], strides = [1, 1, 1]} : vector<16x128x3xf32> to vector<1x128x3xf32>
    %squeeze3A_1177 = vector.shape_cast %slice3A_1176 : vector<1x128x3xf32> to vector<128x3xf32>
    %convert_element_type3A_1178 = arith.truncf %reshape3A_1175 : vector<1024x128xf32> to vector<1024x128xbf16>
    %convert_element_type3A_1179 = arith.truncf %squeeze3A_1177 : vector<128x3xf32> to vector<128x3xbf16>
    %dot_general3A_1180 = arith.constant dense<0.000000e+00> : vector<1024x3xf32>
    %dot_general3A_1181 = tpu.matmul %convert_element_type3A_1178, %convert_element_type3A_1179, %dot_general3A_1180 {dimension_numbers = #tpu.dot_dimension_numbers<[1], [0], [0], [1], [0, 0, 1, 1], [], []>, transpose_lhs_hint = false} : vector<1024x128xbf16>, vector<128x3xbf16>, vector<1024x3xf32> -> vector<1024x3xf32>
    %add3A_1182 = arith.addf %dot_general3A_1173, %dot_general3A_1181 : vector<1024x3xf32>
    %slice3A_1183 = vector.extract_strided_slice %pad3A_453 {offsets = [2, 1, 0], sizes = [32, 32, 128], strides = [1, 1, 1]} : vector<34x34x128xf32> to vector<32x32x128xf32>
    %reshape3A_1184 = vector.shape_cast %slice3A_1183 : vector<32x32x128xf32> to vector<1024x128xf32>
    %slice3A_1185 = vector.extract_strided_slice %get3A_565 {offsets = [13, 0, 0], sizes = [1, 128, 3], strides = [1, 1, 1]} : vector<16x128x3xf32> to vector<1x128x3xf32>
    %squeeze3A_1186 = vector.shape_cast %slice3A_1185 : vector<1x128x3xf32> to vector<128x3xf32>
    %convert_element_type3A_1187 = arith.truncf %reshape3A_1184 : vector<1024x128xf32> to vector<1024x128xbf16>
    %convert_element_type3A_1188 = arith.truncf %squeeze3A_1186 : vector<128x3xf32> to vector<128x3xbf16>
    %dot_general3A_1189 = arith.constant dense<0.000000e+00> : vector<1024x3xf32>
    %dot_general3A_1190 = tpu.matmul %convert_element_type3A_1187, %convert_element_type3A_1188, %dot_general3A_1189 {dimension_numbers = #tpu.dot_dimension_numbers<[1], [0], [0], [1], [0, 0, 1, 1], [], []>, transpose_lhs_hint = false} : vector<1024x128xbf16>, vector<128x3xbf16>, vector<1024x3xf32> -> vector<1024x3xf32>
    %add3A_1191 = arith.addf %add3A_1182, %dot_general3A_1190 : vector<1024x3xf32>
    %slice3A_1192 = vector.extract_strided_slice %pad3A_399 {offsets = [2, 2, 0], sizes = [32, 32, 128], strides = [1, 1, 1]} : vector<34x34x128xf32> to vector<32x32x128xf32>
    %reshape3A_1193 = vector.shape_cast %slice3A_1192 : vector<32x32x128xf32> to vector<1024x128xf32>
    %slice3A_1194 = vector.extract_strided_slice %get3A_565 {offsets = [15, 0, 0], sizes = [1, 128, 3], strides = [1, 1, 1]} : vector<16x128x3xf32> to vector<1x128x3xf32>
    %squeeze3A_1195 = vector.shape_cast %slice3A_1194 : vector<1x128x3xf32> to vector<128x3xf32>
    %convert_element_type3A_1196 = arith.truncf %reshape3A_1193 : vector<1024x128xf32> to vector<1024x128xbf16>
    %convert_element_type3A_1197 = arith.truncf %squeeze3A_1195 : vector<128x3xf32> to vector<128x3xbf16>
    %dot_general3A_1198 = arith.constant dense<0.000000e+00> : vector<1024x3xf32>
    %dot_general3A_1199 = tpu.matmul %convert_element_type3A_1196, %convert_element_type3A_1197, %dot_general3A_1198 {dimension_numbers = #tpu.dot_dimension_numbers<[1], [0], [0], [1], [0, 0, 1, 1], [], []>, transpose_lhs_hint = false} : vector<1024x128xbf16>, vector<128x3xbf16>, vector<1024x3xf32> -> vector<1024x3xf32>
    %add3A_1200 = arith.addf %add3A_1191, %dot_general3A_1199 : vector<1024x3xf32>
    %get3A_1201 = arith.constant 0 : index
    %get3A_1202 = arith.constant 0 : index
    %get3A_1203 = vector.load %arg14[%get3A_1201, %get3A_1202] : memref<1x3xf32, #tpu.memory_space<vmem>>, vector<1x3xf32>
    %add3A_1204 = vector.broadcast %get3A_1203 : vector<1x3xf32> to vector<1024x3xf32>
    %add3A_1205 = arith.addf %add3A_1200, %add3A_1204 : vector<1024x3xf32>
    %concatenate3A = tpu.concatenate %add3A_605, %add3A_645, %add3A_685, %add3A_725, %add3A_765, %add3A_805, %add3A_845, %add3A_885, %add3A_925, %add3A_965, %add3A_1005, %add3A_1045, %add3A_1085, %add3A_1125, %add3A_1165, %add3A_1205 in 1 : vector<1024x3xf32>, vector<1024x3xf32>, vector<1024x3xf32>, vector<1024x3xf32>, vector<1024x3xf32>, vector<1024x3xf32>, vector<1024x3xf32>, vector<1024x3xf32>, vector<1024x3xf32>, vector<1024x3xf32>, vector<1024x3xf32>, vector<1024x3xf32>, vector<1024x3xf32>, vector<1024x3xf32>, vector<1024x3xf32>, vector<1024x3xf32> -> vector<1024x48xf32>
    %swap3A = arith.constant 0 : index
    %swap3A_1206 = arith.constant 0 : index
    %swap3A_1207 = vector.load %arg15[%swap3A, %swap3A_1206] : memref<1024x48xf32, #tpu.memory_space<vmem>>, vector<1024x48xf32>
    tpu.vector_store %arg15[%swap3A, %swap3A_1206], %concatenate3A {strides = array<i32>} : memref<1024x48xf32, #tpu.memory_space<vmem>>, vector<1024x48xf32>,
    return
  }
}

</mosaic_0001>

<sc_bundles>
// kernel: kernel.5.cloned.1.call-start
scs
__scs_entry_jumppad:
0x0: {  	(pc) =	sbr.rel $0x88, $3  }
0x1: {  	(tag) =	ssettag $0x0;
	lr =	simm.s32 $0x1  }
0x2: {  	[smem:$0x3F83] =	sst lr;
	_ =	strace $0xD0000000  }
0x3: {  	_ = 	snop  }
0x4: {  	_ = 	snop  }
0x5: {  	_ = 	snop  }
0x6: {  	_ = 	snop  }
0x7: {  	_ = 	snop  }
__scs_overlays_trampoline_lowered:
0x8: {  	[smem:$0x3F92] =	sst s0  }
0x9: {  	[smem:$0x3F93] =	sst s1  }
0xa: {  	[smem:$0x3F94] =	sst s2  }
0xb: {  	[smem:$0x3F95] =	sst s3  }
0xc: {  	[smem:$0x3F96] =	sst s4  }
0xd: {  	[smem:$0x3F97] =	sst s5  }
0xe: {  	[smem:$0x3F98] =	sst s6  }
0xf: {  	[smem:$0x3F99] =	sst s7  }
0x10: {  	[smem:$0x3F9A] =	sst s8  }
0x11: {  	[smem:$0x3F9B] =	sst s9;
	s0 =	simm.s32 @!p0 $0x0  }
0x12: {  	s1 =	sld [smem:$0x3F81];
	s0 =	simm.s32 @p0 $0x1  }
0x13: {  	[smem:$0x3F9C] =	sst s0;
	s0 =	simm.s32 @!p1 $0x0  }
0x14: {  	s2 =	sld [smem:$0x3F80];
	s0 =	simm.s32 @p1 $0x1  }
0x15: {  	[smem:$0x3F9D] =	sst s0;
	s0 =	simm.s32 @!p2 $0x0  }
0x16: {  	s3 =	sld [smem:$0x3FDB];
	s0 =	simm.s32 @p2 $0x1  }
0x17: {  	s4 =	simm.s32 $0x1BF5;
	[smem:$0x3F9F] =	sst s0  }
0x18: {  	s0 =	sld [smem:$0x3F82];
	_ =	swait.ge [sflag:s4], $0x0  }
0x19: {  	s7 =	sld [smem:$0x3F83]  }
0x1a: {  	s8 =	sadd.s32 $0xFFFFE003, lr  }
0x1b: {  	s9 =	sadd.s32 $0xFFFFFEF7, lr;
	s5 =	simm.s32 $0xFFFFFFFF;
	p2 =	slt.u32 s8, $0xFFFFF086  }
0x1c: {  	p1 =	slt.u32 s9, $0xF7A;
	s5 =	simm.s32 @!p2 $0x0  }
0x1d: {  	s5 =	simm.s32 @p1 $0x1;
	p0 =	seq.s32 s7, s2  }
0x1e: {  	s7 =	smul.u32 @!p0 $0xF7A, s2;
	p2 =	seq.s32 @!p0 s5, $0x0  }
0x1f: {  	s9 =	smul.u32 $0xF7A, s1;
	s8 =	simm.s32 @!p0 $0x1BF5;
	p2 =	por !p2, p0  }
0x20: {  	[sflag:s8] =	ssyncset.s32 @!p0 $0xFFFFF086;
	s6 =	sadd.s32 @!p0 s3, s7;
	s7 =	simm.s32 @!p0 $0x108  }
0x21: {  	s3 =	sadd.s32 s3, s9;
	s6 =	sadd.s32 @!p0 $0x88, s6;
	s7 =	simm.s32 @p2 $0x1082  }
0x22: {  	[simem:s7], [sflag:s8] =	dma.local @!p0 [hbm:s6], $0xF7A  }
0x23: {  	s9 =	sor.u32 $0xD0000000, s2;
	s6 =	simm.s32 $0x108;
	_ =	swait.ge @!p0 [sflag:s8], $0x0  }
0x24: {  	s3 =	sadd.s32 $0x88, s3;
	s6 =	simm.s32 @!p1 $0x1082;
	[sflag:s4] =	ssyncset.s32 $0xFFFFF086  }
0x25: {  	[simem:s6], [sflag:s4] =	dma.local [hbm:s3], $0xF7A  }
0x26: {  	[smem:$0x3F83] =	sst s1;
	(tag) =	ssettag s2;
	_ =	strace s9  }
0x27: {  	s1 =	sld [smem:$0x3F93]  }
0x28: {  	s2 =	sld [smem:$0x3F94]  }
0x29: {  	s4 =	sld [smem:$0x3F96]  }
0x2a: {  	p0 =	seq.s32 s5, $0x0;
	s5 =	sld [smem:$0x3F97]  }
0x2b: {  	s6 =	sld [smem:$0x3F98]  }
0x2c: {  	s7 =	sld [smem:$0x3F99]  }
0x2d: {  	s3 =	simm.s32 $0x108;
	s8 =	sld [smem:$0x3F9A]  }
0x2e: {  	s3 =	simm.s32 @!p0 $0x1082;
	s9 =	sld [smem:$0x3F9B]  }
0x2f: {  	lr =	sadd.s32 s0, s3;
	s0 =	sld [smem:$0x3F92]  }
0x30: {  	s3 =	sld [smem:$0x3F95]  }
0x31: {  	[smem:$0x3F9E] =	sst s10  }
0x32: {  	s10 =	sld [smem:$0x3F9C];
	_ =	sdelay $0x3  }
0x33: {  	p0 =	seq.s32 s10, $0x1;
	s10 =	sld [smem:$0x3F9E];
	_ =	sdelay $0x3  }
0x34: {  	[smem:$0x3F9E] =	sst s10  }
0x35: {  	s10 =	sld [smem:$0x3F9D];
	_ =	sdelay $0x3  }
0x36: {  	p1 =	seq.s32 s10, $0x1;
	s10 =	sld [smem:$0x3F9E];
	_ =	sdelay $0x3  }
0x37: {  	[smem:$0x3F9E] =	sst s10  }
0x38: {  	s10 =	sld [smem:$0x3F9F]  }
0x39: {  	_ = 	snop;
	(pc) =	sbr.ind lr, $3  }
0x3a: {  	_ = 	snop  }
0x3b: {  	_ = 	snop  }
0x3c: {  	p2 =	seq.s32 s10, $0x1;
	s10 =	sld [smem:$0x3F9E]  }
0x3d: {  	_ =	shalt  }
0x3e: {  	_ =	shalt  }
0x3f: {  	_ =	shalt  }
0x40: {  	_ =	shalt  }
0x41: {  	_ =	shalt  }
0x42: {  	_ =	shalt  }
0x43: {  	_ =	shalt  }
0x44: {  	_ =	shalt  }
0x45: {  	_ =	shalt  }
0x46: {  	_ =	shalt  }
0x47: {  	_ =	shalt  }
0x48: {  	_ =	shalt  }
0x49: {  	_ =	shalt  }
0x4a: {  	_ =	shalt  }
0x4b: {  	_ =	shalt  }
0x4c: {  	_ =	shalt  }
0x4d: {  	_ =	shalt  }
0x4e: {  	_ =	shalt  }
0x4f: {  	_ =	shalt  }
0x50: {  	_ =	shalt  }
0x51: {  	_ =	shalt  }
0x52: {  	_ =	shalt  }
0x53: {  	_ =	shalt  }
0x54: {  	_ =	shalt  }
0x55: {  	_ =	shalt  }
0x56: {  	_ =	shalt  }
0x57: {  	_ =	shalt  }
0x58: {  	_ =	shalt  }
0x59: {  	_ =	shalt  }
0x5a: {  	_ =	shalt  }
0x5b: {  	_ =	shalt  }
0x5c: {  	_ =	shalt  }
0x5d: {  	_ =	shalt  }
0x5e: {  	_ =	shalt  }
0x5f: {  	_ =	shalt  }
0x60: {  	_ =	shalt  }
0x61: {  	_ =	shalt  }
0x62: {  	_ =	shalt  }
0x63: {  	_ =	shalt  }
0x64: {  	_ =	shalt  }
0x65: {  	_ =	shalt  }
0x66: {  	_ =	shalt  }
0x67: {  	_ =	shalt  }
0x68: {  	_ =	shalt  }
0x69: {  	_ =	shalt  }
0x6a: {  	_ =	shalt  }
0x6b: {  	_ =	shalt  }
0x6c: {  	_ =	shalt  }
0x6d: {  	_ =	shalt  }
0x6e: {  	_ =	shalt  }
0x6f: {  	_ =	shalt  }
0x70: {  	_ =	shalt  }
0x71: {  	_ =	shalt  }
0x72: {  	_ =	shalt  }
0x73: {  	_ =	shalt  }
0x74: {  	_ =	shalt  }
0x75: {  	_ =	shalt  }
0x76: {  	_ =	shalt  }
0x77: {  	_ =	shalt  }
0x78: {  	_ =	shalt  }
0x79: {  	_ =	shalt  }
0x7a: {  	_ =	shalt  }
0x7b: {  	_ =	shalt  }
0x7c: {  	_ =	shalt  }
0x7d: {  	_ =	shalt  }
0x7e: {  	_ =	shalt  }
0x7f: {  	_ =	shalt  }
0x80: {  	_ =	shalt  }
0x81: {  	_ =	shalt  }
0x82: {  	_ =	shalt  }
0x83: {  	_ =	shalt  }
0x84: {  	_ =	shalt  }
0x85: {  	_ =	shalt  }
0x86: {  	_ =	shalt  }
0x87: {  	_ =	shalt  }
.Lfunc_end0:
.L_simem_size_0:
called_computation_lowered:
.L_overlay_start_0:
0x88: {  	s2 =	sld [smem:$0x3FD9]  }
0x89: {  	s3 =	sld [smem:$0x3FFE];
	_ =	sdelay $0x1  }
0x8a: {  	s1 =	srdreg.scid  }
0x8b: {  	s0 =	sand.u32 $0x1, s1  }
0x8c: {  	s15 =	sshll.u32 s0, $0xA;
	s2 =	sadd.s32 s3, s2  }
0x8d: {  	s2 =	sadd.s32 s2, s15  }
0x8e: {  	[smem:$0x3FAA] =	sst s2  }
0x8f: {  	_ = 	snop  }
0x90: {  	s2 =	sld [smem:$0x3FD0];
	_ =	sdelay $0x2  }
0x91: {  	s4 =	simm.s32 $0xA;
	s5 =	simm.s32 $0x10;
	s16 =	sld [smem:$0x3FC8]  }
0x92: {  	[smem:s5], [sflag:s4] =	dma.local [hbm:s2], $0x1  }
0x93: {  	_ =	swait.eq [sflag:s4], $0x1  }
0x94: {  	[sflag:s4] =	ssyncset.done $0x0  }
0x95: {  	s17 =	sld [smem:$0x10];
	[sflag:s4] =	ssyncadd.s32 $0xFFFFFFFF  }
0x96: {  	s18 =	sld [smem:$0x12];
	(tm) =	ssettm $0x1  }
0x97: {  	s19 =	sld [smem:$0x3FFB];
	_ =	sdelay $0x3  }
0x98: {  	_ =	strace s19  }
0x99: {  	s5 =	sld [smem:$0x3FFC];
	_ =	sdelay $0x3  }
0x9a: {  	_ =	strace s5  }
0x9b: {  	s5 =	sld [smem:$0x3FFD];
	_ =	sdelay $0x3  }
0x9c: {  	_ =	strace s5  }
0x9d: {  	_ =	strace $0x8FFFFFFF  }
0x9e: {  	s20 =	sld [smem:$0x3FDB];
	_ =	sdelay $0x1  }
0x9f: {  	s6 =	simm.s32 $_scs_section_size  }
0xa0: {  	s7 =	simm.s32 $_size__tile_overlayer_lowered;
	s8 =	simm.s32 $_tile_overlayer_lowered  }
0xa1: {  	s23 =	simm.s32 $0x1BFF;
	s22 =	sshll.u32 s8, $0x1;
	s5 =	sadd.s32 s6, s20  }
0xa2: {  	s9 =	simm.s32 $0x0;
	s21 =	sshll.u32 s7, $0x1;
	s7 =	sadd.s32 s22, s5  }
0xa3: {  	[timem:s9], [sflag:s23] =	dma.local [hbm:s7], s21  }
0xa4: {  	_ =	swait.ge [sflag:s23], s21  }
0xa5: {  	s6 =	ssub.s32 $0x0, s21;
	[sflag:s23] =	ssyncset.done $0x0  }
0xa6: {  	[sflag:s23] =	ssyncadd.s32 s6;
	_ =	sdelay $0x1  }
0xa7: {  	s24 =	simm.s32 $0x1B8B  }
0xa8: {  	_ =	swait.ge [sflag:s24], $0x1  }
0xa9: {  	[sflag:s24] =	ssyncset.done $0x0  }
0xaa: {  	s25 =	simm.s32 $0x1B8E;
	[sflag:s24] =	ssyncadd.s32 $0xFFFFFFFF  }
0xab: {  	s26 =	simm.s32 $execute0_lowered;
	[smem:$0x3FD2] =	sst s25  }
0xac: {  	s6 =	sshll.u32 s26, $0x1;
	_ =	strace $0x80000046;
	[dreg:$0x1] =	wrdreg $0xFFFFFFFF  }
0xad: {  	s28 =	simm.s32 $_size_execute0_lowered;
	s5 =	sadd.s32 s5, s6;
	[dreg:$0x0] =	wrdreg $0x0  }
0xae: {  	s6 =	sshll.u32 s28, $0x1;
	[dreg:$0x2] =	wrdreg s5  }
0xaf: {  	[dreg:$0x3] =	wrdreg s6  }
0xb0: {  	[dreg:$0x4] =	wrdreg $0xC0  }
0xb1: {  	_ =	task [dreg:s9], $0x5FFFF  }
0xb2: {  	[dreg:$0x1] =	wrdreg $0xFFFFFFFF  }
0xb3: {  	[dreg:$0x0] =	wrdreg $0x60  }
0xb4: {  	[dreg:$0x2] =	wrdreg s16  }
0xb5: {  	[dreg:$0x3] =	wrdreg s17  }
0xb6: {  	[dreg:$0x4] =	wrdreg s18  }
0xb7: {  	[dreg:$0x5] =	wrdreg $0x9  }
0xb8: {  	_ =	task.clear_ibuf [dreg:s9], $0x6FFFF;
	_ =	strace $0x90000046  }
0xb9: {  	s29 =	simm.s32 $0x9;
	_ =	strace $0x80000048  }
0xba: {  	_ =	swait.ge [sflag:s29], $0x1  }
0xbb: {  	[sflag:s29] =	ssyncadd.s32 $0xFFFFFFFF  }
0xbc: {  	_ =	strace $0x90000048  }
0xbd: {  	_ =	sfence  }
0xbe: {  	s30 =	sld [smem:$0x0];
	_ =	sdelay $0x2  }
0xbf: {  	s31 =	sshll.u32 s1, $0xD;
	s1 =	sshrl.u32 s1, $0x2  }
0xc0: {  	s3 =	sand.u32 $0x4000, s31;
	s1 =	sadd.s32 s1, s30  }
0xc1: {  	s0 =	sor.u32 s3, s0;
	s1 =	sshll.u32 s1, $0x11  }
0xc2: {  	s0 =	sor.u32 s1, s0  }
0xc3: {  	s0 =	sadd.s32 $0x8F2B, s0  }
0xc4: {  	[sflag:s0] =	ssyncadd.remote.s32 $0x1  }
0xc5: {  	_ =	sfence.sel $0xFFFF  }
0xc6: {  	[dreg:$0x0] =	wrdreg $0xFFFFFFFF;
	(pc) =	sbr.abs _section_cstart, $3  }
0xc7: {  	[dreg:$0x1] =	wrdreg $0xFFFFFFFF  }
0xc8: {  	_ =	task.clear_ibuf [dreg:s9], $0x2FFFF;
	_ =	strace $0x9FFFFFFF  }
0xc9: {  	(tm) =	ssettm $0x7FFFFFFF  }
tec
execute0_lowered:
.L_overlay_start_1:
0x0: {  	(tag) =	ssettag $0x1  }
0x1: {  	s1 =	rddreg [dreg:$0x0]  }
0x2: {  	s4 =	rddreg [dreg:$0x1]  }
0x3: {  	s5 =	rddreg [dreg:$0x2]  }
0x4: {  	s0 =	rddreg [dreg:$0x3];
	s3 =	simm.s32 $0x0;
	s6 =	srdreg.scid  }
0x5: {  	s2 =	stileid.u32;
	s10 =	simm.s32 $0x1080;
	s11 =	simm.s32 $0x1880  }
0x6: {  	s12 =	simm.s32 $0x1;
	[smem:$0x7FF] =	sst s3;
	s6 =	sand.u32 $0x1, s6  }
0x7: {  	s8 =	sshll.u32 s2, $0x6;
	s7 =	ssub.s32 $0x2, s6;
	s6 =	sshll.u32 s6, $0x5  }
0x8: {  	_ =	strace $0x80000047;
	s9 =	sshrl.u32 s7, $0x1;
	s6 =	sor.u32 s6, s8  }
0x9: {  	v2 =	vlaneseq.u32;
	s7 =	ssub.s32 s7, s9;
	s8 =	sshrl.u32 s6, $0x3;
	s6 =	sshll.u32 s6, $0x5  }
0xa: {  	vm0 =	vmmov $0xffff;
	v1 =	vshrl.u32 v2, $0x3;
	s9 =	simm.s32 $0x880;
	s4 =	sadd.s32 s4, s8;
	s5 =	sadd.s32 s5, s6  }
0xb: {  	v0 =	vand.u32 $0x7, v2;
	v2 =	vor.u32 $0x8, v2;
	v1 =	vmul.u32 $0x8, v1;
	s6 =	smax.u32 s7, $0x1;
	s7 =	simm.s32 $0x2;
	s8 =	simm.s32 $0x80  }
.LBB2_1:
0xc: {  	[tilespmem:s3], [sflag:$0x2] =	stream.linear.gather [hbm4b:s4+s3], $0x20, $0x38;
	[tilespmem:$0x2080] =	vst v63  }
0xd: {  	_ =	swait.ge [sflag:s7], $0x20  }
0xe: {  	[sflag:s7] =	ssyncset.done $0x0  }
0xf: {  	[sflag:s7] =	ssyncadd.s32 $0xFFFFFFE0  }
0x10: {  	v3 =	vld [tilespmem:$0x0];
	_ =	sdelay $0x4  }
0x11: {  	v4 =	vshll.u32 v3, $0x1  }
0x12: {  	v3 =	vand.u32 $0x7, v3;
	v4 =	vand.u32 $0xFFFFFFF0, v4  }
0x13: {  	v3 =	vor.u32 v3, v4  }
0x14: {  	v4 =	vperm.xlane v3, v0;
	_ =	sdelay $0x1  }
0x15: {  	v3 =	vperm.xlane v3, v2;
	v4 =	vadd.s32 v1, v4;
	_ =	sdelay $0x1  }
0x16: {  	v3 =	vadd.s32 v1, v3;
	_ =	sdelay $0x2  }
0x17: {  	[tilespmem:s8], [sflag:$0x1] =	stream.indirect_vreg.gather [hbm4b:s1+s3], $0x80, v4, vm0, $0xb8;
	[tilespmem:$0x2080] =	vst v63  }
0x18: {  	_ = 	snop  }
0x19: {  	[tilespmem:s9], [sflag:$0x1] =	stream.indirect_vreg.gather [hbm4b:s1+s3], $0x80, v3, vm0, $0xb8;
	[tilespmem:$0x2080] =	vst v63  }
0x1a: {  	v3 =	vld [tilespmem:$0x10];
	_ =	sdelay $0x4  }
0x1b: {  	v63 =	vshll.u32 v3, $0x1  }
0x1c: {  	v3 =	vand.u32 $0x7, v3;
	v4 =	vand.u32 $0xFFFFFFF0, v63  }
0x1d: {  	v3 =	vor.u32 v3, v4  }
0x1e: {  	v4 =	vperm.xlane v3, v0;
	_ =	sdelay $0x1  }
0x1f: {  	v3 =	vperm.xlane v3, v2;
	v4 =	vadd.s32 v1, v4;
	_ =	sdelay $0x1  }
0x20: {  	v3 =	vadd.s32 v1, v3;
	_ =	sdelay $0x2  }
0x21: {  	[tilespmem:s10], [sflag:$0x1] =	stream.indirect_vreg.gather [hbm4b:s1+s3], $0x80, v4, vm0, $0xb8;
	[tilespmem:$0x2080] =	vst v63  }
0x22: {  	_ = 	snop  }
0x23: {  	[tilespmem:s11], [sflag:$0x1] =	stream.indirect_vreg.gather [hbm4b:s1+s3], $0x80, v3, vm0, $0xb8;
	[tilespmem:$0x2080] =	vst v63  }
0x24: {  	_ =	swait.ge [sflag:s12], $0x2000  }
0x25: {  	p0 =	sne.s32 s6, $0x1;
	[sflag:s12] =	ssyncset.done $0x0  }
.Ltmp0:
0x26: {  	[sflag:s12] =	ssyncadd.s32 $0xFFFFE000;
	(pc) =	sbr.rel @p0 .LBB2_1-.Ltmp0, $4  }
0x27: {  	[hbm4b:s5+s3] =	stream.linear.scatter [tilespmem:s8], [sflag:$0x2], $0x2000, $0x38;
	[tilespmem:$0x2080] =	vst v63  }
0x28: {  	_ =	swait.ge [sflag:s7], $0x2000  }
0x29: {  	[sflag:s7] =	ssyncset.done $0x0  }
0x2a: {  	s6 =	sadd.s32 $0xFFFFFFFF, s6;
	[sflag:s7] =	ssyncadd.s32 $0xFFFFE000  }
0x2b: {  	_ =	sfence.sel $0x180000  }
0x2c: {  	[bflag:$0x0] =	sbarrier.arrive $0xFFFF  }
0x2d: {  	p0 =	sne.s32 s2, $0x0;
	_ =	strace $0x90000047  }
0x2e: {  	s0 =	sadd.s32 @!p0 $0x100000, s0;
	[bflag:$0x2] =	sbarrier.arrive $0xFFFF  }
0x2f: {  	[sflag:s0] =	ssyncadd.tile.s32 @!p0 $0x1;
	_ =	shalt  }
.Lfunc_end2:
_tile_overlayer_lowered:
.L_overlay_start_2:
0x30: {  	(tag) =	ssettag $0x2  }
0x31: {  	s0 =	rddreg [dreg:$0x0];
	s2 =	stileid.u32  }
0x32: {  	s1 =	rddreg [dreg:$0x1];
	p0 =	sne.s32 s2, $0x0  }
0x33: {  	s3 =	rddreg [dreg:$0x2];
	[bflag:$0x3] =	sbarrier.arrive $0xFFFF;
	s2 =	simm.s32 @!p0 $0x1C02  }
0x34: {  	[timem:s3], [sflag:s2] =	dma.local @!p0 [hbm:s0], s1  }
0x35: {  	s0 =	simm.s32 @!p0 $0x2  }
0x36: {  	_ =	swait.ge @!p0 [sflag:s0], s1  }
0x37: {  	s1 =	ssub.s32 @!p0 $0x0, s1;
	[sflag:s0] =	ssyncset.done @!p0 $0x0  }
0x38: {  	[sflag:s0] =	ssyncadd.s32 @!p0 s1  }
0x39: {  	[bflag:$0x3] =	sbarrier.arrive $0xFFFF  }
0x3a: {  	_ =	shalt  }

</sc_bundles>
